<compile_context>
chip_gen: v7x
topology: tpu7x:2x2x1
jax: 0.10.2.dev20260603
libtpu: 0.0.44.dev20260713+nightly
codegen_flags: <defaults>
</compile_context>

<pallas_src>
import functools

import jax
import jax.numpy as jnp
from jax import lax
from jax.experimental import pallas as pl
from jax.experimental.pallas import tpu as pltpu
from jax.experimental.pallas import tpu_sc as plsc

_EPS = 0.1
_ROW_BLK = 1024
_VOCAB_BLK = 3584


def _gather_body(num_rows, num_classes, bpw, nc,
                 pred_hbm, tgt_hbm, out_hbm, idx_v, chunks_v, vals_v, sem):
    wid = lax.axis_index("s") * nc + lax.axis_index("c")
    base = wid * bpw
    pltpu.sync_copy(tgt_hbm.at[pl.ds(base, bpw)], idx_v)

    copies = []
    for g in range(bpw // 16):
        tv = idx_v[pl.ds(g * 16, 16)]
        tqv = lax.shift_right_logical(tv, 7)
        for l in range(16):
            i = g * 16 + l
            r0 = ((base + i) // 8) * 8
            c0 = tqv[l] * 128
            copies.append(pltpu.async_copy(
                pred_hbm.at[pl.ds(r0, 8), pl.ds(c0, 128)],
                chunks_v.at[i], sem))
    for cp in copies:
        cp.wait()

    for g in range(bpw // 16):
        tv = idx_v[pl.ds(g * 16, 16)]
        c0v = lax.shift_left(lax.shift_right_logical(tv, 7), 7)
        lanev = tv - c0v
        rowv = lax.iota(jnp.int32, 16) + g * 16
        subv = (rowv + base) % 8
        vals_v[pl.ds(g * 16, 16)] = plsc.load_gather(
            chunks_v, [rowv, subv, lanev])
    pltpu.sync_copy(vals_v, out_hbm.at[pl.ds(base, bpw)])


def _gather_target(pred, target):
    n, k = pred.shape
    info = plsc.get_sparse_core_info()
    nc, ns = info.num_cores, info.num_subcores
    nw = nc * ns
    bpw = n // nw
    mesh = plsc.VectorSubcoreMesh(core_axis_name="c", subcore_axis_name="s")
    body = functools.partial(_gather_body, n, k, bpw, nc)
    return pl.kernel(
        body,
        mesh=mesh,
        compiler_params=pltpu.CompilerParams(needs_layout_passes=False),
        out_type=jax.ShapeDtypeStruct((n,), jnp.float32),
        scratch_types=[
            pltpu.VMEM((bpw,), jnp.int32),
            pltpu.VMEM((bpw, 8, 128), jnp.float32),
            pltpu.VMEM((bpw,), jnp.float32),
            pltpu.SemaphoreType.DMA,
        ],
    )(pred, target)


def _loss_body(nv, num_classes, num_rows, x_ref, out_ref,
               m_ref, s_ref, su_ref):
    j = pl.program_id(1)
    rb = x_ref.shape[0]
    vb = x_ref.shape[1]

    @pl.when(j == 0)
    def _init_acc():
        m_ref[...] = jnp.full((rb, 1), -jnp.inf, jnp.float32)
        s_ref[...] = jnp.zeros((rb, 1), jnp.float32)
        su_ref[...] = jnp.zeros((rb, 1), jnp.float32)

    def update(x, xm):
        bm = jnp.max(xm, axis=1, keepdims=True)
        m_new = jnp.maximum(m_ref[...], bm)
        alpha = jnp.exp(m_ref[...] - m_new)
        s_ref[...] = s_ref[...] * alpha + jnp.sum(
            jnp.exp(xm - m_new), axis=1, keepdims=True)
        su_ref[...] += jnp.sum(x, axis=1, keepdims=True)
        m_ref[...] = m_new

    @pl.when(j < nv - 1)
    def _full_block():
        x = x_ref[...]
        update(x, x)

    @pl.when(j == nv - 1)
    def _last_block():
        x = x_ref[...]
        cols = j * vb + lax.broadcasted_iota(jnp.int32, (1, vb), 1)
        valid = cols < num_classes
        xm = jnp.where(valid, x, -jnp.inf)
        x0 = jnp.where(valid, x, 0.0)
        update(x0, xm)
        a = _EPS / (num_classes - 1)
        c = 1.0 - _EPS - a
        lse = m_ref[...] + jnp.log(s_ref[...])
        base_rows = (a * num_classes + c) * lse - a * su_ref[...]
        out_ref[...] = jnp.sum(base_rows).reshape(1, 1, 1)


def _combine_body(num_classes, num_rows, base_ref, pt_ref, out_ref):
    a = _EPS / (num_classes - 1)
    c = 1.0 - _EPS - a
    total = jnp.sum(base_ref[...]) - c * jnp.sum(pt_ref[...])
    out_ref[...] = total.reshape(1, 1) / num_rows


def kernel(pred, target):
    n, k = pred.shape
    rb = _ROW_BLK
    vb = _VOCAB_BLK
    nr = n // rb
    nv = -(-k // vb)

    tgt = target.astype(jnp.int32)
    p_t = _gather_target(pred, tgt)

    body = functools.partial(_loss_body, nv, k, n)
    base = pl.pallas_call(
        body,
        grid=(nr, nv),
        in_specs=[
            pl.BlockSpec((rb, vb), lambda r, j: (r, j)),
        ],
        out_specs=pl.BlockSpec((1, 1, 1), lambda r, j: (r, 0, 0)),
        out_shape=jax.ShapeDtypeStruct((nr, 1, 1), jnp.float32),
        scratch_shapes=[
            pltpu.VMEM((rb, 1), jnp.float32),
            pltpu.VMEM((rb, 1), jnp.float32),
            pltpu.VMEM((rb, 1), jnp.float32),
        ],
        compiler_params=pltpu.CompilerParams(
            dimension_semantics=("parallel", "arbitrary"),
            vmem_limit_bytes=100 * 1024 * 1024),
    )(pred)
    out = pl.pallas_call(
        functools.partial(_combine_body, k, n),
        in_specs=[
            pl.BlockSpec((nr, 1, 1), lambda: (0, 0, 0)),
            pl.BlockSpec((n, 1), lambda: (0, 0)),
        ],
        out_specs=pl.BlockSpec((1, 1), lambda: (0, 0)),
        out_shape=jax.ShapeDtypeStruct((1, 1), jnp.float32),
    )(base, p_t.reshape(n, 1))
    return out.reshape(())

# --- scband reference (transcript-rebuilt; emitter-appended) ---
"""Pipeline reference for scband-label-smoothing-cross-entropy-13322988552523 (READ-ONLY COPY).

The authoritative reference and input builder live on the scoring server;
editing this copy changes nothing except your own understanding.
"""

import jax, jax.numpy as jnp
import numpy as np

EPSILON = 0.1
NUM_CLASSES = 100000

def setup_inputs(seed: int = 0) -> dict:
    key = jax.random.key(seed)
    k1, k2 = jax.random.split(key)
    pred = jax.random.normal(k1, (1024, NUM_CLASSES), dtype=jnp.float32)
    target = jax.random.randint(k2, (1024,), 0, NUM_CLASSES, dtype=jnp.int64 if jax.config.jax_enable_x64 else jnp.int32)
    return {"pred": pred, "target": target}

def reference(pred, target):
    log_probs = jax.nn.log_softmax(pred, axis=-1)
    # true_dist: epsilon/(K-1) everywhere, (1-epsilon) at target index
    true_dist = jnp.full_like(log_probs, EPSILON / (NUM_CLASSES - 1))
    rows = jnp.arange(pred.shape[0])
    true_dist = true_dist.at[rows, target].set(1.0 - EPSILON)
    loss = jnp.mean(jnp.sum(-true_dist * log_probs, axis=-1))
    return loss

if __name__ == "__main__":
    import jax
    _d = setup_inputs()
    print(jax.jit(kernel)(*tuple(_d.values())))

</pallas_src>

<mosaic_0001>
#map = affine_map<(d0, d1) -> (0, 0)>
#map1 = affine_map<(d0, d1) -> (0)>
module attributes {stable_mosaic.version = 14 : i64} {
  func.func @_gather_body(%arg0: i32, %arg1: i32, %arg2: memref<1024x100000xf32, #tpu.memory_space<hbm>>, %arg3: memref<1024xi32, #tpu.memory_space<hbm>>, %arg4: memref<1024xf32, #tpu.memory_space<hbm>>, %arg5: memref<32xi32, #tpu.memory_space<vmem>>, %arg6: memref<32x8x128xf32, #tpu.memory_space<vmem>>, %arg7: memref<32xf32, #tpu.memory_space<vmem>>, %arg8: memref<!tpu.dma_semaphore, #tpu.memory_space<semaphore_mem>>) attributes {dimension_semantics = [#tpu.dimension_semantics<core_parallel>, #tpu.dimension_semantics<subcore_parallel>], iteration_bounds = array<i64: 2, 16>, scalar_prefetch = 0 : i64, scratch_operands = 4 : i64, tpu.core_type = #tpu.core_type<sc_vector_subcore>, window_params = [{transform_indices = #map}, {transform_indices = #map1}, {transform_indices = #map1}]} {
    %mul3A = arith.constant 2 : i32
    %mul3A_0 = arith.muli %arg1, %mul3A : i32
    %add3A = arith.addi %mul3A_0, %arg0 : i32
    %mul3A_1 = arith.constant 32 : i32
    %mul3A_2 = arith.muli %add3A, %mul3A_1 : i32
    "tpu.region"() ({
      %run_scoped3A = tpu.sem_alloc : memref<!tpu.dma_semaphore, #tpu.memory_space<semaphore_mem>>
      %dma_start3A_1801 = tpu.memref_slice %arg3[%mul3A_2] : memref<1024xi32, #tpu.memory_space<hbm>> -> memref<32xi32, #tpu.memory_space<hbm>>
      %dma_start3A_1802 = tpu.memref_slice %arg3[%mul3A_2] : memref<1024xi32, #tpu.memory_space<hbm>> -> memref<32xi32, #tpu.memory_space<hbm>>
      tpu.enqueue_dma source(%dma_start3A_1802 : memref<32xi32, #tpu.memory_space<hbm>>) target(%arg5 : memref<32xi32, #tpu.memory_space<vmem>>) target_semaphore(%run_scoped3A : memref<!tpu.dma_semaphore, #tpu.memory_space<semaphore_mem>>)
      %dma_wait3A_1803 = tpu.memref_slice %arg3[%mul3A_2] : memref<1024xi32, #tpu.memory_space<hbm>> -> memref<32xi32, #tpu.memory_space<hbm>>
      %dma_wait3A_1804 = tpu.memref_slice %arg3[%mul3A_2] : memref<1024xi32, #tpu.memory_space<hbm>> -> memref<32xi32, #tpu.memory_space<hbm>>
      tpu.wait_dma2 semaphore(%run_scoped3A : memref<!tpu.dma_semaphore, #tpu.memory_space<semaphore_mem>>) src(%dma_wait3A_1804 : memref<32xi32, #tpu.memory_space<hbm>>) dst(%arg5 : memref<32xi32, #tpu.memory_space<vmem>>)
      tpu.yield
    }) : () -> ()
    %get3A = arith.constant 0 : index
    %get3A_3 = tpu.vector_load %arg5[%get3A] {strides = array<i32>} : memref<32xi32, #tpu.memory_space<vmem>>, vector<16xi32>,
    %shift_right_logical3A = arith.constant 7 : i32
    %shift_right_logical3A_4 = vector.broadcast %shift_right_logical3A : i32 to vector<16xi32>
    %shift_right_logical3A_5 = arith.shrui %get3A_3, %shift_right_logical3A_4 : vector<16xi32>
    %add3A_6 = arith.constant 0 : i32
    %add3A_7 = arith.addi %mul3A_2, %add3A_6 : i32
    %jit3A = arith.constant 8 : i32
    %div3A = arith.divsi %add3A_7, %jit3A : i32
    %sign3A = arith.constant 0 : i32
    %sign3A_8 = arith.cmpi sgt, %add3A_7, %sign3A : i32
    %sign3A_9 = arith.extui %sign3A_8 : i1 to i32
    %sign3A_10 = arith.constant 0 : i32
    %sign3A_11 = arith.cmpi slt, %add3A_7, %sign3A_10 : i32
    %sign3A_12 = arith.extui %sign3A_11 : i1 to i32
    %sign3A_13 = arith.subi %sign3A_9, %sign3A_12 : i32
    %sign3A_14 = arith.constant 0 : i32
    %sign3A_15 = arith.cmpi sgt, %jit3A, %sign3A_14 : i32
    %sign3A_16 = arith.extui %sign3A_15 : i1 to i32
    %sign3A_17 = arith.constant 0 : i32
    %sign3A_18 = arith.cmpi slt, %jit3A, %sign3A_17 : i32
    %sign3A_19 = arith.extui %sign3A_18 : i1 to i32
    %sign3A_20 = arith.subi %sign3A_16, %sign3A_19 : i32
    %ne3A = arith.cmpi ne, %sign3A_13, %sign3A_20 : i32
    %rem3A = arith.remsi %add3A_7, %jit3A : i32
    %ne3A_21 = arith.constant 0 : i32
    %ne3A_22 = arith.cmpi ne, %rem3A, %ne3A_21 : i32
    %and3A = arith.andi %ne3A, %ne3A_22 : i1
    %sub3A = arith.constant 1 : i32
    %sub3A_23 = arith.subi %div3A, %sub3A : i32
    %select_n3A = arith.select %and3A, %sub3A_23, %div3A : i32
    %mul3A_24 = arith.constant 8 : i32
    %mul3A_25 = arith.muli %select_n3A, %mul3A_24 : i32
    %slice3A = vector.extract_strided_slice %shift_right_logical3A_5 {offsets = [0], sizes = [1], strides = [1]} : vector<16xi32> to vector<1xi32>
    %squeeze3A = vector.extract %slice3A[0] : i32 from vector<1xi32>
    %mul3A_26 = arith.constant 128 : i32
    %mul3A_27 = arith.muli %squeeze3A, %mul3A_26 : i32
    %dma_start3A = arith.constant 0 : i32
    %dma_start3A_28 = arith.constant 0 : i32
    %dma_start3A_29 = arith.constant 0 : i32
    %dma_start3A_30 = tpu.memref_slice %arg6[%dma_start3A, %dma_start3A_28, %dma_start3A_29] : memref<32x8x128xf32, #tpu.memory_space<vmem>> -> memref<1x8x128xf32, #tpu.memory_space<vmem>>
    %dma_start3A_31 = tpu.memref_squeeze %dma_start3A_30 : memref<1x8x128xf32, #tpu.memory_space<vmem>> -> memref<8x128xf32, #tpu.memory_space<vmem>>
    %dma_start3A_32 = tpu.memref_slice %arg2[%mul3A_25, %mul3A_27] : memref<1024x100000xf32, #tpu.memory_space<hbm>> -> memref<8x128xf32, #tpu.memory_space<hbm>>
    %dma_start3A_33 = arith.constant 0 : i32
    %dma_start3A_34 = arith.constant 0 : i32
    %dma_start3A_35 = tpu.memref_slice %arg6[%dma_start3A, %dma_start3A_33, %dma_start3A_34] : memref<32x8x128xf32, #tpu.memory_space<vmem>> -> memref<1x8x128xf32, #tpu.memory_space<vmem>>
    %dma_start3A_36 = tpu.memref_squeeze %dma_start3A_35 : memref<1x8x128xf32, #tpu.memory_space<vmem>> -> memref<8x128xf32, #tpu.memory_space<vmem>>
    %dma_start3A_37 = tpu.memref_slice %arg2[%mul3A_25, %mul3A_27] : memref<1024x100000xf32, #tpu.memory_space<hbm>> -> memref<8x128xf32, #tpu.memory_space<hbm>>
    tpu.enqueue_dma source(%dma_start3A_37 : memref<8x128xf32, #tpu.memory_space<hbm>>) target(%dma_start3A_36 : memref<8x128xf32, #tpu.memory_space<vmem>>) target_semaphore(%arg8 : memref<!tpu.dma_semaphore, #tpu.memory_space<semaphore_mem>>)
    %add3A_38 = arith.constant 1 : i32
    %add3A_39 = arith.addi %mul3A_2, %add3A_38 : i32
    %jit3A_40 = arith.constant 8 : i32
    %div3A_41 = arith.divsi %add3A_39, %jit3A_40 : i32
    %sign3A_42 = arith.constant 0 : i32
    %sign3A_43 = arith.cmpi sgt, %add3A_39, %sign3A_42 : i32
    %sign3A_44 = arith.extui %sign3A_43 : i1 to i32
    %sign3A_45 = arith.constant 0 : i32
    %sign3A_46 = arith.cmpi slt, %add3A_39, %sign3A_45 : i32
    %sign3A_47 = arith.extui %sign3A_46 : i1 to i32
    %sign3A_48 = arith.subi %sign3A_44, %sign3A_47 : i32
    %sign3A_49 = arith.constant 0 : i32
    %sign3A_50 = arith.cmpi sgt, %jit3A_40, %sign3A_49 : i32
    %sign3A_51 = arith.extui %sign3A_50 : i1 to i32
    %sign3A_52 = arith.constant 0 : i32
    %sign3A_53 = arith.cmpi slt, %jit3A_40, %sign3A_52 : i32
    %sign3A_54 = arith.extui %sign3A_53 : i1 to i32
    %sign3A_55 = arith.subi %sign3A_51, %sign3A_54 : i32
    %ne3A_56 = arith.cmpi ne, %sign3A_48, %sign3A_55 : i32
    %rem3A_57 = arith.remsi %add3A_39, %jit3A_40 : i32
    %ne3A_58 = arith.constant 0 : i32
    %ne3A_59 = arith.cmpi ne, %rem3A_57, %ne3A_58 : i32
    %and3A_60 = arith.andi %ne3A_56, %ne3A_59 : i1
    %sub3A_61 = arith.constant 1 : i32
    %sub3A_62 = arith.subi %div3A_41, %sub3A_61 : i32
    %select_n3A_63 = arith.select %and3A_60, %sub3A_62, %div3A_41 : i32
    %mul3A_64 = arith.constant 8 : i32
    %mul3A_65 = arith.muli %select_n3A_63, %mul3A_64 : i32
    %slice3A_66 = vector.extract_strided_slice %shift_right_logical3A_5 {offsets = [1], sizes = [1], strides = [1]} : vector<16xi32> to vector<1xi32>
    %squeeze3A_67 = vector.extract %slice3A_66[0] : i32 from vector<1xi32>
    %mul3A_68 = arith.constant 128 : i32
    %mul3A_69 = arith.muli %squeeze3A_67, %mul3A_68 : i32
    %dma_start3A_70 = arith.constant 1 : i32
    %dma_start3A_71 = arith.constant 0 : i32
    %dma_start3A_72 = arith.constant 0 : i32
    %dma_start3A_73 = tpu.memref_slice %arg6[%dma_start3A_70, %dma_start3A_71, %dma_start3A_72] : memref<32x8x128xf32, #tpu.memory_space<vmem>> -> memref<1x8x128xf32, #tpu.memory_space<vmem>>
    %dma_start3A_74 = tpu.memref_squeeze %dma_start3A_73 : memref<1x8x128xf32, #tpu.memory_space<vmem>> -> memref<8x128xf32, #tpu.memory_space<vmem>>
    %dma_start3A_75 = tpu.memref_slice %arg2[%mul3A_65, %mul3A_69] : memref<1024x100000xf32, #tpu.memory_space<hbm>> -> memref<8x128xf32, #tpu.memory_space<hbm>>
    %dma_start3A_76 = arith.constant 0 : i32
    %dma_start3A_77 = arith.constant 0 : i32
    %dma_start3A_78 = tpu.memref_slice %arg6[%dma_start3A_70, %dma_start3A_76, %dma_start3A_77] : memref<32x8x128xf32, #tpu.memory_space<vmem>> -> memref<1x8x128xf32, #tpu.memory_space<vmem>>
    %dma_start3A_79 = tpu.memref_squeeze %dma_start3A_78 : memref<1x8x128xf32, #tpu.memory_space<vmem>> -> memref<8x128xf32, #tpu.memory_space<vmem>>
    %dma_start3A_80 = tpu.memref_slice %arg2[%mul3A_65, %mul3A_69] : memref<1024x100000xf32, #tpu.memory_space<hbm>> -> memref<8x128xf32, #tpu.memory_space<hbm>>
    tpu.enqueue_dma source(%dma_start3A_80 : memref<8x128xf32, #tpu.memory_space<hbm>>) target(%dma_start3A_79 : memref<8x128xf32, #tpu.memory_space<vmem>>) target_semaphore(%arg8 : memref<!tpu.dma_semaphore, #tpu.memory_space<semaphore_mem>>)
    %add3A_81 = arith.constant 2 : i32
    %add3A_82 = arith.addi %mul3A_2, %add3A_81 : i32
    %jit3A_83 = arith.constant 8 : i32
    %div3A_84 = arith.divsi %add3A_82, %jit3A_83 : i32
    %sign3A_85 = arith.constant 0 : i32
    %sign3A_86 = arith.cmpi sgt, %add3A_82, %sign3A_85 : i32
    %sign3A_87 = arith.extui %sign3A_86 : i1 to i32
    %sign3A_88 = arith.constant 0 : i32
    %sign3A_89 = arith.cmpi slt, %add3A_82, %sign3A_88 : i32
    %sign3A_90 = arith.extui %sign3A_89 : i1 to i32
    %sign3A_91 = arith.subi %sign3A_87, %sign3A_90 : i32
    %sign3A_92 = arith.constant 0 : i32
    %sign3A_93 = arith.cmpi sgt, %jit3A_83, %sign3A_92 : i32
    %sign3A_94 = arith.extui %sign3A_93 : i1 to i32
    %sign3A_95 = arith.constant 0 : i32
    %sign3A_96 = arith.cmpi slt, %jit3A_83, %sign3A_95 : i32
    %sign3A_97 = arith.extui %sign3A_96 : i1 to i32
    %sign3A_98 = arith.subi %sign3A_94, %sign3A_97 : i32
    %ne3A_99 = arith.cmpi ne, %sign3A_91, %sign3A_98 : i32
    %rem3A_100 = arith.remsi %add3A_82, %jit3A_83 : i32
    %ne3A_101 = arith.constant 0 : i32
    %ne3A_102 = arith.cmpi ne, %rem3A_100, %ne3A_101 : i32
    %and3A_103 = arith.andi %ne3A_99, %ne3A_102 : i1
    %sub3A_104 = arith.constant 1 : i32
    %sub3A_105 = arith.subi %div3A_84, %sub3A_104 : i32
    %select_n3A_106 = arith.select %and3A_103, %sub3A_105, %div3A_84 : i32
    %mul3A_107 = arith.constant 8 : i32
    %mul3A_108 = arith.muli %select_n3A_106, %mul3A_107 : i32
    %slice3A_109 = vector.extract_strided_slice %shift_right_logical3A_5 {offsets = [2], sizes = [1], strides = [1]} : vector<16xi32> to vector<1xi32>
    %squeeze3A_110 = vector.extract %slice3A_109[0] : i32 from vector<1xi32>
    %mul3A_111 = arith.constant 128 : i32
    %mul3A_112 = arith.muli %squeeze3A_110, %mul3A_111 : i32
    %dma_start3A_113 = arith.constant 2 : i32
    %dma_start3A_114 = arith.constant 0 : i32
    %dma_start3A_115 = arith.constant 0 : i32
    %dma_start3A_116 = tpu.memref_slice %arg6[%dma_start3A_113, %dma_start3A_114, %dma_start3A_115] : memref<32x8x128xf32, #tpu.memory_space<vmem>> -> memref<1x8x128xf32, #tpu.memory_space<vmem>>
    %dma_start3A_117 = tpu.memref_squeeze %dma_start3A_116 : memref<1x8x128xf32, #tpu.memory_space<vmem>> -> memref<8x128xf32, #tpu.memory_space<vmem>>
    %dma_start3A_118 = tpu.memref_slice %arg2[%mul3A_108, %mul3A_112] : memref<1024x100000xf32, #tpu.memory_space<hbm>> -> memref<8x128xf32, #tpu.memory_space<hbm>>
    %dma_start3A_119 = arith.constant 0 : i32
    %dma_start3A_120 = arith.constant 0 : i32
    %dma_start3A_121 = tpu.memref_slice %arg6[%dma_start3A_113, %dma_start3A_119, %dma_start3A_120] : memref<32x8x128xf32, #tpu.memory_space<vmem>> -> memref<1x8x128xf32, #tpu.memory_space<vmem>>
    %dma_start3A_122 = tpu.memref_squeeze %dma_start3A_121 : memref<1x8x128xf32, #tpu.memory_space<vmem>> -> memref<8x128xf32, #tpu.memory_space<vmem>>
    %dma_start3A_123 = tpu.memref_slice %arg2[%mul3A_108, %mul3A_112] : memref<1024x100000xf32, #tpu.memory_space<hbm>> -> memref<8x128xf32, #tpu.memory_space<hbm>>
    tpu.enqueue_dma source(%dma_start3A_123 : memref<8x128xf32, #tpu.memory_space<hbm>>) target(%dma_start3A_122 : memref<8x128xf32, #tpu.memory_space<vmem>>) target_semaphore(%arg8 : memref<!tpu.dma_semaphore, #tpu.memory_space<semaphore_mem>>)
    %add3A_124 = arith.constant 3 : i32
    %add3A_125 = arith.addi %mul3A_2, %add3A_124 : i32
    %jit3A_126 = arith.constant 8 : i32
    %div3A_127 = arith.divsi %add3A_125, %jit3A_126 : i32
    %sign3A_128 = arith.constant 0 : i32
    %sign3A_129 = arith.cmpi sgt, %add3A_125, %sign3A_128 : i32
    %sign3A_130 = arith.extui %sign3A_129 : i1 to i32
    %sign3A_131 = arith.constant 0 : i32
    %sign3A_132 = arith.cmpi slt, %add3A_125, %sign3A_131 : i32
    %sign3A_133 = arith.extui %sign3A_132 : i1 to i32
    %sign3A_134 = arith.subi %sign3A_130, %sign3A_133 : i32
    %sign3A_135 = arith.constant 0 : i32
    %sign3A_136 = arith.cmpi sgt, %jit3A_126, %sign3A_135 : i32
    %sign3A_137 = arith.extui %sign3A_136 : i1 to i32
    %sign3A_138 = arith.constant 0 : i32
    %sign3A_139 = arith.cmpi slt, %jit3A_126, %sign3A_138 : i32
    %sign3A_140 = arith.extui %sign3A_139 : i1 to i32
    %sign3A_141 = arith.subi %sign3A_137, %sign3A_140 : i32
    %ne3A_142 = arith.cmpi ne, %sign3A_134, %sign3A_141 : i32
    %rem3A_143 = arith.remsi %add3A_125, %jit3A_126 : i32
    %ne3A_144 = arith.constant 0 : i32
    %ne3A_145 = arith.cmpi ne, %rem3A_143, %ne3A_144 : i32
    %and3A_146 = arith.andi %ne3A_142, %ne3A_145 : i1
    %sub3A_147 = arith.constant 1 : i32
    %sub3A_148 = arith.subi %div3A_127, %sub3A_147 : i32
    %select_n3A_149 = arith.select %and3A_146, %sub3A_148, %div3A_127 : i32
    %mul3A_150 = arith.constant 8 : i32
    %mul3A_151 = arith.muli %select_n3A_149, %mul3A_150 : i32
    %slice3A_152 = vector.extract_strided_slice %shift_right_logical3A_5 {offsets = [3], sizes = [1], strides = [1]} : vector<16xi32> to vector<1xi32>
    %squeeze3A_153 = vector.extract %slice3A_152[0] : i32 from vector<1xi32>
    %mul3A_154 = arith.constant 128 : i32
    %mul3A_155 = arith.muli %squeeze3A_153, %mul3A_154 : i32
    %dma_start3A_156 = arith.constant 3 : i32
    %dma_start3A_157 = arith.constant 0 : i32
    %dma_start3A_158 = arith.constant 0 : i32
    %dma_start3A_159 = tpu.memref_slice %arg6[%dma_start3A_156, %dma_start3A_157, %dma_start3A_158] : memref<32x8x128xf32, #tpu.memory_space<vmem>> -> memref<1x8x128xf32, #tpu.memory_space<vmem>>
    %dma_start3A_160 = tpu.memref_squeeze %dma_start3A_159 : memref<1x8x128xf32, #tpu.memory_space<vmem>> -> memref<8x128xf32, #tpu.memory_space<vmem>>
    %dma_start3A_161 = tpu.memref_slice %arg2[%mul3A_151, %mul3A_155] : memref<1024x100000xf32, #tpu.memory_space<hbm>> -> memref<8x128xf32, #tpu.memory_space<hbm>>
    %dma_start3A_162 = arith.constant 0 : i32
    %dma_start3A_163 = arith.constant 0 : i32
    %dma_start3A_164 = tpu.memref_slice %arg6[%dma_start3A_156, %dma_start3A_162, %dma_start3A_163] : memref<32x8x128xf32, #tpu.memory_space<vmem>> -> memref<1x8x128xf32, #tpu.memory_space<vmem>>
    %dma_start3A_165 = tpu.memref_squeeze %dma_start3A_164 : memref<1x8x128xf32, #tpu.memory_space<vmem>> -> memref<8x128xf32, #tpu.memory_space<vmem>>
    %dma_start3A_166 = tpu.memref_slice %arg2[%mul3A_151, %mul3A_155] : memref<1024x100000xf32, #tpu.memory_space<hbm>> -> memref<8x128xf32, #tpu.memory_space<hbm>>
    tpu.enqueue_dma source(%dma_start3A_166 : memref<8x128xf32, #tpu.memory_space<hbm>>) target(%dma_start3A_165 : memref<8x128xf32, #tpu.memory_space<vmem>>) target_semaphore(%arg8 : memref<!tpu.dma_semaphore, #tpu.memory_space<semaphore_mem>>)
    %add3A_167 = arith.constant 4 : i32
    %add3A_168 = arith.addi %mul3A_2, %add3A_167 : i32
    %jit3A_169 = arith.constant 8 : i32
    %div3A_170 = arith.divsi %add3A_168, %jit3A_169 : i32
    %sign3A_171 = arith.constant 0 : i32
    %sign3A_172 = arith.cmpi sgt, %add3A_168, %sign3A_171 : i32
    %sign3A_173 = arith.extui %sign3A_172 : i1 to i32
    %sign3A_174 = arith.constant 0 : i32
    %sign3A_175 = arith.cmpi slt, %add3A_168, %sign3A_174 : i32
    %sign3A_176 = arith.extui %sign3A_175 : i1 to i32
    %sign3A_177 = arith.subi %sign3A_173, %sign3A_176 : i32
    %sign3A_178 = arith.constant 0 : i32
    %sign3A_179 = arith.cmpi sgt, %jit3A_169, %sign3A_178 : i32
    %sign3A_180 = arith.extui %sign3A_179 : i1 to i32
    %sign3A_181 = arith.constant 0 : i32
    %sign3A_182 = arith.cmpi slt, %jit3A_169, %sign3A_181 : i32
    %sign3A_183 = arith.extui %sign3A_182 : i1 to i32
    %sign3A_184 = arith.subi %sign3A_180, %sign3A_183 : i32
    %ne3A_185 = arith.cmpi ne, %sign3A_177, %sign3A_184 : i32
    %rem3A_186 = arith.remsi %add3A_168, %jit3A_169 : i32
    %ne3A_187 = arith.constant 0 : i32
    %ne3A_188 = arith.cmpi ne, %rem3A_186, %ne3A_187 : i32
    %and3A_189 = arith.andi %ne3A_185, %ne3A_188 : i1
    %sub3A_190 = arith.constant 1 : i32
    %sub3A_191 = arith.subi %div3A_170, %sub3A_190 : i32
    %select_n3A_192 = arith.select %and3A_189, %sub3A_191, %div3A_170 : i32
    %mul3A_193 = arith.constant 8 : i32
    %mul3A_194 = arith.muli %select_n3A_192, %mul3A_193 : i32
    %slice3A_195 = vector.extract_strided_slice %shift_right_logical3A_5 {offsets = [4], sizes = [1], strides = [1]} : vector<16xi32> to vector<1xi32>
    %squeeze3A_196 = vector.extract %slice3A_195[0] : i32 from vector<1xi32>
    %mul3A_197 = arith.constant 128 : i32
    %mul3A_198 = arith.muli %squeeze3A_196, %mul3A_197 : i32
    %dma_start3A_199 = arith.constant 4 : i32
    %dma_start3A_200 = arith.constant 0 : i32
    %dma_start3A_201 = arith.constant 0 : i32
    %dma_start3A_202 = tpu.memref_slice %arg6[%dma_start3A_199, %dma_start3A_200, %dma_start3A_201] : memref<32x8x128xf32, #tpu.memory_space<vmem>> -> memref<1x8x128xf32, #tpu.memory_space<vmem>>
    %dma_start3A_203 = tpu.memref_squeeze %dma_start3A_202 : memref<1x8x128xf32, #tpu.memory_space<vmem>> -> memref<8x128xf32, #tpu.memory_space<vmem>>
    %dma_start3A_204 = tpu.memref_slice %arg2[%mul3A_194, %mul3A_198] : memref<1024x100000xf32, #tpu.memory_space<hbm>> -> memref<8x128xf32, #tpu.memory_space<hbm>>
    %dma_start3A_205 = arith.constant 0 : i32
    %dma_start3A_206 = arith.constant 0 : i32
    %dma_start3A_207 = tpu.memref_slice %arg6[%dma_start3A_199, %dma_start3A_205, %dma_start3A_206] : memref<32x8x128xf32, #tpu.memory_space<vmem>> -> memref<1x8x128xf32, #tpu.memory_space<vmem>>
    %dma_start3A_208 = tpu.memref_squeeze %dma_start3A_207 : memref<1x8x128xf32, #tpu.memory_space<vmem>> -> memref<8x128xf32, #tpu.memory_space<vmem>>
    %dma_start3A_209 = tpu.memref_slice %arg2[%mul3A_194, %mul3A_198] : memref<1024x100000xf32, #tpu.memory_space<hbm>> -> memref<8x128xf32, #tpu.memory_space<hbm>>
    tpu.enqueue_dma source(%dma_start3A_209 : memref<8x128xf32, #tpu.memory_space<hbm>>) target(%dma_start3A_208 : memref<8x128xf32, #tpu.memory_space<vmem>>) target_semaphore(%arg8 : memref<!tpu.dma_semaphore, #tpu.memory_space<semaphore_mem>>)
    %add3A_210 = arith.constant 5 : i32
    %add3A_211 = arith.addi %mul3A_2, %add3A_210 : i32
    %jit3A_212 = arith.constant 8 : i32
    %div3A_213 = arith.divsi %add3A_211, %jit3A_212 : i32
    %sign3A_214 = arith.constant 0 : i32
    %sign3A_215 = arith.cmpi sgt, %add3A_211, %sign3A_214 : i32
    %sign3A_216 = arith.extui %sign3A_215 : i1 to i32
    %sign3A_217 = arith.constant 0 : i32
    %sign3A_218 = arith.cmpi slt, %add3A_211, %sign3A_217 : i32
    %sign3A_219 = arith.extui %sign3A_218 : i1 to i32
    %sign3A_220 = arith.subi %sign3A_216, %sign3A_219 : i32
    %sign3A_221 = arith.constant 0 : i32
    %sign3A_222 = arith.cmpi sgt, %jit3A_212, %sign3A_221 : i32
    %sign3A_223 = arith.extui %sign3A_222 : i1 to i32
    %sign3A_224 = arith.constant 0 : i32
    %sign3A_225 = arith.cmpi slt, %jit3A_212, %sign3A_224 : i32
    %sign3A_226 = arith.extui %sign3A_225 : i1 to i32
    %sign3A_227 = arith.subi %sign3A_223, %sign3A_226 : i32
    %ne3A_228 = arith.cmpi ne, %sign3A_220, %sign3A_227 : i32
    %rem3A_229 = arith.remsi %add3A_211, %jit3A_212 : i32
    %ne3A_230 = arith.constant 0 : i32
    %ne3A_231 = arith.cmpi ne, %rem3A_229, %ne3A_230 : i32
    %and3A_232 = arith.andi %ne3A_228, %ne3A_231 : i1
    %sub3A_233 = arith.constant 1 : i32
    %sub3A_234 = arith.subi %div3A_213, %sub3A_233 : i32
    %select_n3A_235 = arith.select %and3A_232, %sub3A_234, %div3A_213 : i32
    %mul3A_236 = arith.constant 8 : i32
    %mul3A_237 = arith.muli %select_n3A_235, %mul3A_236 : i32
    %slice3A_238 = vector.extract_strided_slice %shift_right_logical3A_5 {offsets = [5], sizes = [1], strides = [1]} : vector<16xi32> to vector<1xi32>
    %squeeze3A_239 = vector.extract %slice3A_238[0] : i32 from vector<1xi32>
    %mul3A_240 = arith.constant 128 : i32
    %mul3A_241 = arith.muli %squeeze3A_239, %mul3A_240 : i32
    %dma_start3A_242 = arith.constant 5 : i32
    %dma_start3A_243 = arith.constant 0 : i32
    %dma_start3A_244 = arith.constant 0 : i32
    %dma_start3A_245 = tpu.memref_slice %arg6[%dma_start3A_242, %dma_start3A_243, %dma_start3A_244] : memref<32x8x128xf32, #tpu.memory_space<vmem>> -> memref<1x8x128xf32, #tpu.memory_space<vmem>>
    %dma_start3A_246 = tpu.memref_squeeze %dma_start3A_245 : memref<1x8x128xf32, #tpu.memory_space<vmem>> -> memref<8x128xf32, #tpu.memory_space<vmem>>
    %dma_start3A_247 = tpu.memref_slice %arg2[%mul3A_237, %mul3A_241] : memref<1024x100000xf32, #tpu.memory_space<hbm>> -> memref<8x128xf32, #tpu.memory_space<hbm>>
    %dma_start3A_248 = arith.constant 0 : i32
    %dma_start3A_249 = arith.constant 0 : i32
    %dma_start3A_250 = tpu.memref_slice %arg6[%dma_start3A_242, %dma_start3A_248, %dma_start3A_249] : memref<32x8x128xf32, #tpu.memory_space<vmem>> -> memref<1x8x128xf32, #tpu.memory_space<vmem>>
    %dma_start3A_251 = tpu.memref_squeeze %dma_start3A_250 : memref<1x8x128xf32, #tpu.memory_space<vmem>> -> memref<8x128xf32, #tpu.memory_space<vmem>>
    %dma_start3A_252 = tpu.memref_slice %arg2[%mul3A_237, %mul3A_241] : memref<1024x100000xf32, #tpu.memory_space<hbm>> -> memref<8x128xf32, #tpu.memory_space<hbm>>
    tpu.enqueue_dma source(%dma_start3A_252 : memref<8x128xf32, #tpu.memory_space<hbm>>) target(%dma_start3A_251 : memref<8x128xf32, #tpu.memory_space<vmem>>) target_semaphore(%arg8 : memref<!tpu.dma_semaphore, #tpu.memory_space<semaphore_mem>>)
    %add3A_253 = arith.constant 6 : i32
    %add3A_254 = arith.addi %mul3A_2, %add3A_253 : i32
    %jit3A_255 = arith.constant 8 : i32
    %div3A_256 = arith.divsi %add3A_254, %jit3A_255 : i32
    %sign3A_257 = arith.constant 0 : i32
    %sign3A_258 = arith.cmpi sgt, %add3A_254, %sign3A_257 : i32
    %sign3A_259 = arith.extui %sign3A_258 : i1 to i32
    %sign3A_260 = arith.constant 0 : i32
    %sign3A_261 = arith.cmpi slt, %add3A_254, %sign3A_260 : i32
    %sign3A_262 = arith.extui %sign3A_261 : i1 to i32
    %sign3A_263 = arith.subi %sign3A_259, %sign3A_262 : i32
    %sign3A_264 = arith.constant 0 : i32
    %sign3A_265 = arith.cmpi sgt, %jit3A_255, %sign3A_264 : i32
    %sign3A_266 = arith.extui %sign3A_265 : i1 to i32
    %sign3A_267 = arith.constant 0 : i32
    %sign3A_268 = arith.cmpi slt, %jit3A_255, %sign3A_267 : i32
    %sign3A_269 = arith.extui %sign3A_268 : i1 to i32
    %sign3A_270 = arith.subi %sign3A_266, %sign3A_269 : i32
    %ne3A_271 = arith.cmpi ne, %sign3A_263, %sign3A_270 : i32
    %rem3A_272 = arith.remsi %add3A_254, %jit3A_255 : i32
    %ne3A_273 = arith.constant 0 : i32
    %ne3A_274 = arith.cmpi ne, %rem3A_272, %ne3A_273 : i32
    %and3A_275 = arith.andi %ne3A_271, %ne3A_274 : i1
    %sub3A_276 = arith.constant 1 : i32
    %sub3A_277 = arith.subi %div3A_256, %sub3A_276 : i32
    %select_n3A_278 = arith.select %and3A_275, %sub3A_277, %div3A_256 : i32
    %mul3A_279 = arith.constant 8 : i32
    %mul3A_280 = arith.muli %select_n3A_278, %mul3A_279 : i32
    %slice3A_281 = vector.extract_strided_slice %shift_right_logical3A_5 {offsets = [6], sizes = [1], strides = [1]} : vector<16xi32> to vector<1xi32>
    %squeeze3A_282 = vector.extract %slice3A_281[0] : i32 from vector<1xi32>
    %mul3A_283 = arith.constant 128 : i32
    %mul3A_284 = arith.muli %squeeze3A_282, %mul3A_283 : i32
    %dma_start3A_285 = arith.constant 6 : i32
    %dma_start3A_286 = arith.constant 0 : i32
    %dma_start3A_287 = arith.constant 0 : i32
    %dma_start3A_288 = tpu.memref_slice %arg6[%dma_start3A_285, %dma_start3A_286, %dma_start3A_287] : memref<32x8x128xf32, #tpu.memory_space<vmem>> -> memref<1x8x128xf32, #tpu.memory_space<vmem>>
    %dma_start3A_289 = tpu.memref_squeeze %dma_start3A_288 : memref<1x8x128xf32, #tpu.memory_space<vmem>> -> memref<8x128xf32, #tpu.memory_space<vmem>>
    %dma_start3A_290 = tpu.memref_slice %arg2[%mul3A_280, %mul3A_284] : memref<1024x100000xf32, #tpu.memory_space<hbm>> -> memref<8x128xf32, #tpu.memory_space<hbm>>
    %dma_start3A_291 = arith.constant 0 : i32
    %dma_start3A_292 = arith.constant 0 : i32
    %dma_start3A_293 = tpu.memref_slice %arg6[%dma_start3A_285, %dma_start3A_291, %dma_start3A_292] : memref<32x8x128xf32, #tpu.memory_space<vmem>> -> memref<1x8x128xf32, #tpu.memory_space<vmem>>
    %dma_start3A_294 = tpu.memref_squeeze %dma_start3A_293 : memref<1x8x128xf32, #tpu.memory_space<vmem>> -> memref<8x128xf32, #tpu.memory_space<vmem>>
    %dma_start3A_295 = tpu.memref_slice %arg2[%mul3A_280, %mul3A_284] : memref<1024x100000xf32, #tpu.memory_space<hbm>> -> memref<8x128xf32, #tpu.memory_space<hbm>>
    tpu.enqueue_dma source(%dma_start3A_295 : memref<8x128xf32, #tpu.memory_space<hbm>>) target(%dma_start3A_294 : memref<8x128xf32, #tpu.memory_space<vmem>>) target_semaphore(%arg8 : memref<!tpu.dma_semaphore, #tpu.memory_space<semaphore_mem>>)
    %add3A_296 = arith.constant 7 : i32
    %add3A_297 = arith.addi %mul3A_2, %add3A_296 : i32
    %jit3A_298 = arith.constant 8 : i32
    %div3A_299 = arith.divsi %add3A_297, %jit3A_298 : i32
    %sign3A_300 = arith.constant 0 : i32
    %sign3A_301 = arith.cmpi sgt, %add3A_297, %sign3A_300 : i32
    %sign3A_302 = arith.extui %sign3A_301 : i1 to i32
    %sign3A_303 = arith.constant 0 : i32
    %sign3A_304 = arith.cmpi slt, %add3A_297, %sign3A_303 : i32
    %sign3A_305 = arith.extui %sign3A_304 : i1 to i32
    %sign3A_306 = arith.subi %sign3A_302, %sign3A_305 : i32
    %sign3A_307 = arith.constant 0 : i32
    %sign3A_308 = arith.cmpi sgt, %jit3A_298, %sign3A_307 : i32
    %sign3A_309 = arith.extui %sign3A_308 : i1 to i32
    %sign3A_310 = arith.constant 0 : i32
    %sign3A_311 = arith.cmpi slt, %jit3A_298, %sign3A_310 : i32
    %sign3A_312 = arith.extui %sign3A_311 : i1 to i32
    %sign3A_313 = arith.subi %sign3A_309, %sign3A_312 : i32
    %ne3A_314 = arith.cmpi ne, %sign3A_306, %sign3A_313 : i32
    %rem3A_315 = arith.remsi %add3A_297, %jit3A_298 : i32
    %ne3A_316 = arith.constant 0 : i32
    %ne3A_317 = arith.cmpi ne, %rem3A_315, %ne3A_316 : i32
    %and3A_318 = arith.andi %ne3A_314, %ne3A_317 : i1
    %sub3A_319 = arith.constant 1 : i32
    %sub3A_320 = arith.subi %div3A_299, %sub3A_319 : i32
    %select_n3A_321 = arith.select %and3A_318, %sub3A_320, %div3A_299 : i32
    %mul3A_322 = arith.constant 8 : i32
    %mul3A_323 = arith.muli %select_n3A_321, %mul3A_322 : i32
    %slice3A_324 = vector.extract_strided_slice %shift_right_logical3A_5 {offsets = [7], sizes = [1], strides = [1]} : vector<16xi32> to vector<1xi32>
    %squeeze3A_325 = vector.extract %slice3A_324[0] : i32 from vector<1xi32>
    %mul3A_326 = arith.constant 128 : i32
    %mul3A_327 = arith.muli %squeeze3A_325, %mul3A_326 : i32
    %dma_start3A_328 = arith.constant 7 : i32
    %dma_start3A_329 = arith.constant 0 : i32
    %dma_start3A_330 = arith.constant 0 : i32
    %dma_start3A_331 = tpu.memref_slice %arg6[%dma_start3A_328, %dma_start3A_329, %dma_start3A_330] : memref<32x8x128xf32, #tpu.memory_space<vmem>> -> memref<1x8x128xf32, #tpu.memory_space<vmem>>
    %dma_start3A_332 = tpu.memref_squeeze %dma_start3A_331 : memref<1x8x128xf32, #tpu.memory_space<vmem>> -> memref<8x128xf32, #tpu.memory_space<vmem>>
    %dma_start3A_333 = tpu.memref_slice %arg2[%mul3A_323, %mul3A_327] : memref<1024x100000xf32, #tpu.memory_space<hbm>> -> memref<8x128xf32, #tpu.memory_space<hbm>>
    %dma_start3A_334 = arith.constant 0 : i32
    %dma_start3A_335 = arith.constant 0 : i32
    %dma_start3A_336 = tpu.memref_slice %arg6[%dma_start3A_328, %dma_start3A_334, %dma_start3A_335] : memref<32x8x128xf32, #tpu.memory_space<vmem>> -> memref<1x8x128xf32, #tpu.memory_space<vmem>>
    %dma_start3A_337 = tpu.memref_squeeze %dma_start3A_336 : memref<1x8x128xf32, #tpu.memory_space<vmem>> -> memref<8x128xf32, #tpu.memory_space<vmem>>
    %dma_start3A_338 = tpu.memref_slice %arg2[%mul3A_323, %mul3A_327] : memref<1024x100000xf32, #tpu.memory_space<hbm>> -> memref<8x128xf32, #tpu.memory_space<hbm>>
    tpu.enqueue_dma source(%dma_start3A_338 : memref<8x128xf32, #tpu.memory_space<hbm>>) target(%dma_start3A_337 : memref<8x128xf32, #tpu.memory_space<vmem>>) target_semaphore(%arg8 : memref<!tpu.dma_semaphore, #tpu.memory_space<semaphore_mem>>)
    %add3A_339 = arith.constant 8 : i32
    %add3A_340 = arith.addi %mul3A_2, %add3A_339 : i32
    %jit3A_341 = arith.constant 8 : i32
    %div3A_342 = arith.divsi %add3A_340, %jit3A_341 : i32
    %sign3A_343 = arith.constant 0 : i32
    %sign3A_344 = arith.cmpi sgt, %add3A_340, %sign3A_343 : i32
    %sign3A_345 = arith.extui %sign3A_344 : i1 to i32
    %sign3A_346 = arith.constant 0 : i32
    %sign3A_347 = arith.cmpi slt, %add3A_340, %sign3A_346 : i32
    %sign3A_348 = arith.extui %sign3A_347 : i1 to i32
    %sign3A_349 = arith.subi %sign3A_345, %sign3A_348 : i32
    %sign3A_350 = arith.constant 0 : i32
    %sign3A_351 = arith.cmpi sgt, %jit3A_341, %sign3A_350 : i32
    %sign3A_352 = arith.extui %sign3A_351 : i1 to i32
    %sign3A_353 = arith.constant 0 : i32
    %sign3A_354 = arith.cmpi slt, %jit3A_341, %sign3A_353 : i32
    %sign3A_355 = arith.extui %sign3A_354 : i1 to i32
    %sign3A_356 = arith.subi %sign3A_352, %sign3A_355 : i32
    %ne3A_357 = arith.cmpi ne, %sign3A_349, %sign3A_356 : i32
    %rem3A_358 = arith.remsi %add3A_340, %jit3A_341 : i32
    %ne3A_359 = arith.constant 0 : i32
    %ne3A_360 = arith.cmpi ne, %rem3A_358, %ne3A_359 : i32
    %and3A_361 = arith.andi %ne3A_357, %ne3A_360 : i1
    %sub3A_362 = arith.constant 1 : i32
    %sub3A_363 = arith.subi %div3A_342, %sub3A_362 : i32
    %select_n3A_364 = arith.select %and3A_361, %sub3A_363, %div3A_342 : i32
    %mul3A_365 = arith.constant 8 : i32
    %mul3A_366 = arith.muli %select_n3A_364, %mul3A_365 : i32
    %slice3A_367 = vector.extract_strided_slice %shift_right_logical3A_5 {offsets = [8], sizes = [1], strides = [1]} : vector<16xi32> to vector<1xi32>
    %squeeze3A_368 = vector.extract %slice3A_367[0] : i32 from vector<1xi32>
    %mul3A_369 = arith.constant 128 : i32
    %mul3A_370 = arith.muli %squeeze3A_368, %mul3A_369 : i32
    %dma_start3A_371 = arith.constant 8 : i32
    %dma_start3A_372 = arith.constant 0 : i32
    %dma_start3A_373 = arith.constant 0 : i32
    %dma_start3A_374 = tpu.memref_slice %arg6[%dma_start3A_371, %dma_start3A_372, %dma_start3A_373] : memref<32x8x128xf32, #tpu.memory_space<vmem>> -> memref<1x8x128xf32, #tpu.memory_space<vmem>>
    %dma_start3A_375 = tpu.memref_squeeze %dma_start3A_374 : memref<1x8x128xf32, #tpu.memory_space<vmem>> -> memref<8x128xf32, #tpu.memory_space<vmem>>
    %dma_start3A_376 = tpu.memref_slice %arg2[%mul3A_366, %mul3A_370] : memref<1024x100000xf32, #tpu.memory_space<hbm>> -> memref<8x128xf32, #tpu.memory_space<hbm>>
    %dma_start3A_377 = arith.constant 0 : i32
    %dma_start3A_378 = arith.constant 0 : i32
    %dma_start3A_379 = tpu.memref_slice %arg6[%dma_start3A_371, %dma_start3A_377, %dma_start3A_378] : memref<32x8x128xf32, #tpu.memory_space<vmem>> -> memref<1x8x128xf32, #tpu.memory_space<vmem>>
    %dma_start3A_380 = tpu.memref_squeeze %dma_start3A_379 : memref<1x8x128xf32, #tpu.memory_space<vmem>> -> memref<8x128xf32, #tpu.memory_space<vmem>>
    %dma_start3A_381 = tpu.memref_slice %arg2[%mul3A_366, %mul3A_370] : memref<1024x100000xf32, #tpu.memory_space<hbm>> -> memref<8x128xf32, #tpu.memory_space<hbm>>
    tpu.enqueue_dma source(%dma_start3A_381 : memref<8x128xf32, #tpu.memory_space<hbm>>) target(%dma_start3A_380 : memref<8x128xf32, #tpu.memory_space<vmem>>) target_semaphore(%arg8 : memref<!tpu.dma_semaphore, #tpu.memory_space<semaphore_mem>>)
    %add3A_382 = arith.constant 9 : i32
    %add3A_383 = arith.addi %mul3A_2, %add3A_382 : i32
    %jit3A_384 = arith.constant 8 : i32
    %div3A_385 = arith.divsi %add3A_383, %jit3A_384 : i32
    %sign3A_386 = arith.constant 0 : i32
    %sign3A_387 = arith.cmpi sgt, %add3A_383, %sign3A_386 : i32
    %sign3A_388 = arith.extui %sign3A_387 : i1 to i32
    %sign3A_389 = arith.constant 0 : i32
    %sign3A_390 = arith.cmpi slt, %add3A_383, %sign3A_389 : i32
    %sign3A_391 = arith.extui %sign3A_390 : i1 to i32
    %sign3A_392 = arith.subi %sign3A_388, %sign3A_391 : i32
    %sign3A_393 = arith.constant 0 : i32
    %sign3A_394 = arith.cmpi sgt, %jit3A_384, %sign3A_393 : i32
    %sign3A_395 = arith.extui %sign3A_394 : i1 to i32
    %sign3A_396 = arith.constant 0 : i32
    %sign3A_397 = arith.cmpi slt, %jit3A_384, %sign3A_396 : i32
    %sign3A_398 = arith.extui %sign3A_397 : i1 to i32
    %sign3A_399 = arith.subi %sign3A_395, %sign3A_398 : i32
    %ne3A_400 = arith.cmpi ne, %sign3A_392, %sign3A_399 : i32
    %rem3A_401 = arith.remsi %add3A_383, %jit3A_384 : i32
    %ne3A_402 = arith.constant 0 : i32
    %ne3A_403 = arith.cmpi ne, %rem3A_401, %ne3A_402 : i32
    %and3A_404 = arith.andi %ne3A_400, %ne3A_403 : i1
    %sub3A_405 = arith.constant 1 : i32
    %sub3A_406 = arith.subi %div3A_385, %sub3A_405 : i32
    %select_n3A_407 = arith.select %and3A_404, %sub3A_406, %div3A_385 : i32
    %mul3A_408 = arith.constant 8 : i32
    %mul3A_409 = arith.muli %select_n3A_407, %mul3A_408 : i32
    %slice3A_410 = vector.extract_strided_slice %shift_right_logical3A_5 {offsets = [9], sizes = [1], strides = [1]} : vector<16xi32> to vector<1xi32>
    %squeeze3A_411 = vector.extract %slice3A_410[0] : i32 from vector<1xi32>
    %mul3A_412 = arith.constant 128 : i32
    %mul3A_413 = arith.muli %squeeze3A_411, %mul3A_412 : i32
    %dma_start3A_414 = arith.constant 9 : i32
    %dma_start3A_415 = arith.constant 0 : i32
    %dma_start3A_416 = arith.constant 0 : i32
    %dma_start3A_417 = tpu.memref_slice %arg6[%dma_start3A_414, %dma_start3A_415, %dma_start3A_416] : memref<32x8x128xf32, #tpu.memory_space<vmem>> -> memref<1x8x128xf32, #tpu.memory_space<vmem>>
    %dma_start3A_418 = tpu.memref_squeeze %dma_start3A_417 : memref<1x8x128xf32, #tpu.memory_space<vmem>> -> memref<8x128xf32, #tpu.memory_space<vmem>>
    %dma_start3A_419 = tpu.memref_slice %arg2[%mul3A_409, %mul3A_413] : memref<1024x100000xf32, #tpu.memory_space<hbm>> -> memref<8x128xf32, #tpu.memory_space<hbm>>
    %dma_start3A_420 = arith.constant 0 : i32
    %dma_start3A_421 = arith.constant 0 : i32
    %dma_start3A_422 = tpu.memref_slice %arg6[%dma_start3A_414, %dma_start3A_420, %dma_start3A_421] : memref<32x8x128xf32, #tpu.memory_space<vmem>> -> memref<1x8x128xf32, #tpu.memory_space<vmem>>
    %dma_start3A_423 = tpu.memref_squeeze %dma_start3A_422 : memref<1x8x128xf32, #tpu.memory_space<vmem>> -> memref<8x128xf32, #tpu.memory_space<vmem>>
    %dma_start3A_424 = tpu.memref_slice %arg2[%mul3A_409, %mul3A_413] : memref<1024x100000xf32, #tpu.memory_space<hbm>> -> memref<8x128xf32, #tpu.memory_space<hbm>>
    tpu.enqueue_dma source(%dma_start3A_424 : memref<8x128xf32, #tpu.memory_space<hbm>>) target(%dma_start3A_423 : memref<8x128xf32, #tpu.memory_space<vmem>>) target_semaphore(%arg8 : memref<!tpu.dma_semaphore, #tpu.memory_space<semaphore_mem>>)
    %add3A_425 = arith.constant 10 : i32
    %add3A_426 = arith.addi %mul3A_2, %add3A_425 : i32
    %jit3A_427 = arith.constant 8 : i32
    %div3A_428 = arith.divsi %add3A_426, %jit3A_427 : i32
    %sign3A_429 = arith.constant 0 : i32
    %sign3A_430 = arith.cmpi sgt, %add3A_426, %sign3A_429 : i32
    %sign3A_431 = arith.extui %sign3A_430 : i1 to i32
    %sign3A_432 = arith.constant 0 : i32
    %sign3A_433 = arith.cmpi slt, %add3A_426, %sign3A_432 : i32
    %sign3A_434 = arith.extui %sign3A_433 : i1 to i32
    %sign3A_435 = arith.subi %sign3A_431, %sign3A_434 : i32
    %sign3A_436 = arith.constant 0 : i32
    %sign3A_437 = arith.cmpi sgt, %jit3A_427, %sign3A_436 : i32
    %sign3A_438 = arith.extui %sign3A_437 : i1 to i32
    %sign3A_439 = arith.constant 0 : i32
    %sign3A_440 = arith.cmpi slt, %jit3A_427, %sign3A_439 : i32
    %sign3A_441 = arith.extui %sign3A_440 : i1 to i32
    %sign3A_442 = arith.subi %sign3A_438, %sign3A_441 : i32
    %ne3A_443 = arith.cmpi ne, %sign3A_435, %sign3A_442 : i32
    %rem3A_444 = arith.remsi %add3A_426, %jit3A_427 : i32
    %ne3A_445 = arith.constant 0 : i32
    %ne3A_446 = arith.cmpi ne, %rem3A_444, %ne3A_445 : i32
    %and3A_447 = arith.andi %ne3A_443, %ne3A_446 : i1
    %sub3A_448 = arith.constant 1 : i32
    %sub3A_449 = arith.subi %div3A_428, %sub3A_448 : i32
    %select_n3A_450 = arith.select %and3A_447, %sub3A_449, %div3A_428 : i32
    %mul3A_451 = arith.constant 8 : i32
    %mul3A_452 = arith.muli %select_n3A_450, %mul3A_451 : i32
    %slice3A_453 = vector.extract_strided_slice %shift_right_logical3A_5 {offsets = [10], sizes = [1], strides = [1]} : vector<16xi32> to vector<1xi32>
    %squeeze3A_454 = vector.extract %slice3A_453[0] : i32 from vector<1xi32>
    %mul3A_455 = arith.constant 128 : i32
    %mul3A_456 = arith.muli %squeeze3A_454, %mul3A_455 : i32
    %dma_start3A_457 = arith.constant 10 : i32
    %dma_start3A_458 = arith.constant 0 : i32
    %dma_start3A_459 = arith.constant 0 : i32
    %dma_start3A_460 = tpu.memref_slice %arg6[%dma_start3A_457, %dma_start3A_458, %dma_start3A_459] : memref<32x8x128xf32, #tpu.memory_space<vmem>> -> memref<1x8x128xf32, #tpu.memory_space<vmem>>
    %dma_start3A_461 = tpu.memref_squeeze %dma_start3A_460 : memref<1x8x128xf32, #tpu.memory_space<vmem>> -> memref<8x128xf32, #tpu.memory_space<vmem>>
    %dma_start3A_462 = tpu.memref_slice %arg2[%mul3A_452, %mul3A_456] : memref<1024x100000xf32, #tpu.memory_space<hbm>> -> memref<8x128xf32, #tpu.memory_space<hbm>>
    %dma_start3A_463 = arith.constant 0 : i32
    %dma_start3A_464 = arith.constant 0 : i32
    %dma_start3A_465 = tpu.memref_slice %arg6[%dma_start3A_457, %dma_start3A_463, %dma_start3A_464] : memref<32x8x128xf32, #tpu.memory_space<vmem>> -> memref<1x8x128xf32, #tpu.memory_space<vmem>>
    %dma_start3A_466 = tpu.memref_squeeze %dma_start3A_465 : memref<1x8x128xf32, #tpu.memory_space<vmem>> -> memref<8x128xf32, #tpu.memory_space<vmem>>
    %dma_start3A_467 = tpu.memref_slice %arg2[%mul3A_452, %mul3A_456] : memref<1024x100000xf32, #tpu.memory_space<hbm>> -> memref<8x128xf32, #tpu.memory_space<hbm>>
    tpu.enqueue_dma source(%dma_start3A_467 : memref<8x128xf32, #tpu.memory_space<hbm>>) target(%dma_start3A_466 : memref<8x128xf32, #tpu.memory_space<vmem>>) target_semaphore(%arg8 : memref<!tpu.dma_semaphore, #tpu.memory_space<semaphore_mem>>)
    %add3A_468 = arith.constant 11 : i32
    %add3A_469 = arith.addi %mul3A_2, %add3A_468 : i32
    %jit3A_470 = arith.constant 8 : i32
    %div3A_471 = arith.divsi %add3A_469, %jit3A_470 : i32
    %sign3A_472 = arith.constant 0 : i32
    %sign3A_473 = arith.cmpi sgt, %add3A_469, %sign3A_472 : i32
    %sign3A_474 = arith.extui %sign3A_473 : i1 to i32
    %sign3A_475 = arith.constant 0 : i32
    %sign3A_476 = arith.cmpi slt, %add3A_469, %sign3A_475 : i32
    %sign3A_477 = arith.extui %sign3A_476 : i1 to i32
    %sign3A_478 = arith.subi %sign3A_474, %sign3A_477 : i32
    %sign3A_479 = arith.constant 0 : i32
    %sign3A_480 = arith.cmpi sgt, %jit3A_470, %sign3A_479 : i32
    %sign3A_481 = arith.extui %sign3A_480 : i1 to i32
    %sign3A_482 = arith.constant 0 : i32
    %sign3A_483 = arith.cmpi slt, %jit3A_470, %sign3A_482 : i32
    %sign3A_484 = arith.extui %sign3A_483 : i1 to i32
    %sign3A_485 = arith.subi %sign3A_481, %sign3A_484 : i32
    %ne3A_486 = arith.cmpi ne, %sign3A_478, %sign3A_485 : i32
    %rem3A_487 = arith.remsi %add3A_469, %jit3A_470 : i32
    %ne3A_488 = arith.constant 0 : i32
    %ne3A_489 = arith.cmpi ne, %rem3A_487, %ne3A_488 : i32
    %and3A_490 = arith.andi %ne3A_486, %ne3A_489 : i1
    %sub3A_491 = arith.constant 1 : i32
    %sub3A_492 = arith.subi %div3A_471, %sub3A_491 : i32
    %select_n3A_493 = arith.select %and3A_490, %sub3A_492, %div3A_471 : i32
    %mul3A_494 = arith.constant 8 : i32
    %mul3A_495 = arith.muli %select_n3A_493, %mul3A_494 : i32
    %slice3A_496 = vector.extract_strided_slice %shift_right_logical3A_5 {offsets = [11], sizes = [1], strides = [1]} : vector<16xi32> to vector<1xi32>
    %squeeze3A_497 = vector.extract %slice3A_496[0] : i32 from vector<1xi32>
    %mul3A_498 = arith.constant 128 : i32
    %mul3A_499 = arith.muli %squeeze3A_497, %mul3A_498 : i32
    %dma_start3A_500 = arith.constant 11 : i32
    %dma_start3A_501 = arith.constant 0 : i32
    %dma_start3A_502 = arith.constant 0 : i32
    %dma_start3A_503 = tpu.memref_slice %arg6[%dma_start3A_500, %dma_start3A_501, %dma_start3A_502] : memref<32x8x128xf32, #tpu.memory_space<vmem>> -> memref<1x8x128xf32, #tpu.memory_space<vmem>>
    %dma_start3A_504 = tpu.memref_squeeze %dma_start3A_503 : memref<1x8x128xf32, #tpu.memory_space<vmem>> -> memref<8x128xf32, #tpu.memory_space<vmem>>
    %dma_start3A_505 = tpu.memref_slice %arg2[%mul3A_495, %mul3A_499] : memref<1024x100000xf32, #tpu.memory_space<hbm>> -> memref<8x128xf32, #tpu.memory_space<hbm>>
    %dma_start3A_506 = arith.constant 0 : i32
    %dma_start3A_507 = arith.constant 0 : i32
    %dma_start3A_508 = tpu.memref_slice %arg6[%dma_start3A_500, %dma_start3A_506, %dma_start3A_507] : memref<32x8x128xf32, #tpu.memory_space<vmem>> -> memref<1x8x128xf32, #tpu.memory_space<vmem>>
    %dma_start3A_509 = tpu.memref_squeeze %dma_start3A_508 : memref<1x8x128xf32, #tpu.memory_space<vmem>> -> memref<8x128xf32, #tpu.memory_space<vmem>>
    %dma_start3A_510 = tpu.memref_slice %arg2[%mul3A_495, %mul3A_499] : memref<1024x100000xf32, #tpu.memory_space<hbm>> -> memref<8x128xf32, #tpu.memory_space<hbm>>
    tpu.enqueue_dma source(%dma_start3A_510 : memref<8x128xf32, #tpu.memory_space<hbm>>) target(%dma_start3A_509 : memref<8x128xf32, #tpu.memory_space<vmem>>) target_semaphore(%arg8 : memref<!tpu.dma_semaphore, #tpu.memory_space<semaphore_mem>>)
    %add3A_511 = arith.constant 12 : i32
    %add3A_512 = arith.addi %mul3A_2, %add3A_511 : i32
    %jit3A_513 = arith.constant 8 : i32
    %div3A_514 = arith.divsi %add3A_512, %jit3A_513 : i32
    %sign3A_515 = arith.constant 0 : i32
    %sign3A_516 = arith.cmpi sgt, %add3A_512, %sign3A_515 : i32
    %sign3A_517 = arith.extui %sign3A_516 : i1 to i32
    %sign3A_518 = arith.constant 0 : i32
    %sign3A_519 = arith.cmpi slt, %add3A_512, %sign3A_518 : i32
    %sign3A_520 = arith.extui %sign3A_519 : i1 to i32
    %sign3A_521 = arith.subi %sign3A_517, %sign3A_520 : i32
    %sign3A_522 = arith.constant 0 : i32
    %sign3A_523 = arith.cmpi sgt, %jit3A_513, %sign3A_522 : i32
    %sign3A_524 = arith.extui %sign3A_523 : i1 to i32
    %sign3A_525 = arith.constant 0 : i32
    %sign3A_526 = arith.cmpi slt, %jit3A_513, %sign3A_525 : i32
    %sign3A_527 = arith.extui %sign3A_526 : i1 to i32
    %sign3A_528 = arith.subi %sign3A_524, %sign3A_527 : i32
    %ne3A_529 = arith.cmpi ne, %sign3A_521, %sign3A_528 : i32
    %rem3A_530 = arith.remsi %add3A_512, %jit3A_513 : i32
    %ne3A_531 = arith.constant 0 : i32
    %ne3A_532 = arith.cmpi ne, %rem3A_530, %ne3A_531 : i32
    %and3A_533 = arith.andi %ne3A_529, %ne3A_532 : i1
    %sub3A_534 = arith.constant 1 : i32
    %sub3A_535 = arith.subi %div3A_514, %sub3A_534 : i32
    %select_n3A_536 = arith.select %and3A_533, %sub3A_535, %div3A_514 : i32
    %mul3A_537 = arith.constant 8 : i32
    %mul3A_538 = arith.muli %select_n3A_536, %mul3A_537 : i32
    %slice3A_539 = vector.extract_strided_slice %shift_right_logical3A_5 {offsets = [12], sizes = [1], strides = [1]} : vector<16xi32> to vector<1xi32>
    %squeeze3A_540 = vector.extract %slice3A_539[0] : i32 from vector<1xi32>
    %mul3A_541 = arith.constant 128 : i32
    %mul3A_542 = arith.muli %squeeze3A_540, %mul3A_541 : i32
    %dma_start3A_543 = arith.constant 12 : i32
    %dma_start3A_544 = arith.constant 0 : i32
    %dma_start3A_545 = arith.constant 0 : i32
    %dma_start3A_546 = tpu.memref_slice %arg6[%dma_start3A_543, %dma_start3A_544, %dma_start3A_545] : memref<32x8x128xf32, #tpu.memory_space<vmem>> -> memref<1x8x128xf32, #tpu.memory_space<vmem>>
    %dma_start3A_547 = tpu.memref_squeeze %dma_start3A_546 : memref<1x8x128xf32, #tpu.memory_space<vmem>> -> memref<8x128xf32, #tpu.memory_space<vmem>>
    %dma_start3A_548 = tpu.memref_slice %arg2[%mul3A_538, %mul3A_542] : memref<1024x100000xf32, #tpu.memory_space<hbm>> -> memref<8x128xf32, #tpu.memory_space<hbm>>
    %dma_start3A_549 = arith.constant 0 : i32
    %dma_start3A_550 = arith.constant 0 : i32
    %dma_start3A_551 = tpu.memref_slice %arg6[%dma_start3A_543, %dma_start3A_549, %dma_start3A_550] : memref<32x8x128xf32, #tpu.memory_space<vmem>> -> memref<1x8x128xf32, #tpu.memory_space<vmem>>
    %dma_start3A_552 = tpu.memref_squeeze %dma_start3A_551 : memref<1x8x128xf32, #tpu.memory_space<vmem>> -> memref<8x128xf32, #tpu.memory_space<vmem>>
    %dma_start3A_553 = tpu.memref_slice %arg2[%mul3A_538, %mul3A_542] : memref<1024x100000xf32, #tpu.memory_space<hbm>> -> memref<8x128xf32, #tpu.memory_space<hbm>>
    tpu.enqueue_dma source(%dma_start3A_553 : memref<8x128xf32, #tpu.memory_space<hbm>>) target(%dma_start3A_552 : memref<8x128xf32, #tpu.memory_space<vmem>>) target_semaphore(%arg8 : memref<!tpu.dma_semaphore, #tpu.memory_space<semaphore_mem>>)
    %add3A_554 = arith.constant 13 : i32
    %add3A_555 = arith.addi %mul3A_2, %add3A_554 : i32
    %jit3A_556 = arith.constant 8 : i32
    %div3A_557 = arith.divsi %add3A_555, %jit3A_556 : i32
    %sign3A_558 = arith.constant 0 : i32
    %sign3A_559 = arith.cmpi sgt, %add3A_555, %sign3A_558 : i32
    %sign3A_560 = arith.extui %sign3A_559 : i1 to i32
    %sign3A_561 = arith.constant 0 : i32
    %sign3A_562 = arith.cmpi slt, %add3A_555, %sign3A_561 : i32
    %sign3A_563 = arith.extui %sign3A_562 : i1 to i32
    %sign3A_564 = arith.subi %sign3A_560, %sign3A_563 : i32
    %sign3A_565 = arith.constant 0 : i32
    %sign3A_566 = arith.cmpi sgt, %jit3A_556, %sign3A_565 : i32
    %sign3A_567 = arith.extui %sign3A_566 : i1 to i32
    %sign3A_568 = arith.constant 0 : i32
    %sign3A_569 = arith.cmpi slt, %jit3A_556, %sign3A_568 : i32
    %sign3A_570 = arith.extui %sign3A_569 : i1 to i32
    %sign3A_571 = arith.subi %sign3A_567, %sign3A_570 : i32
    %ne3A_572 = arith.cmpi ne, %sign3A_564, %sign3A_571 : i32
    %rem3A_573 = arith.remsi %add3A_555, %jit3A_556 : i32
    %ne3A_574 = arith.constant 0 : i32
    %ne3A_575 = arith.cmpi ne, %rem3A_573, %ne3A_574 : i32
    %and3A_576 = arith.andi %ne3A_572, %ne3A_575 : i1
    %sub3A_577 = arith.constant 1 : i32
    %sub3A_578 = arith.subi %div3A_557, %sub3A_577 : i32
    %select_n3A_579 = arith.select %and3A_576, %sub3A_578, %div3A_557 : i32
    %mul3A_580 = arith.constant 8 : i32
    %mul3A_581 = arith.muli %select_n3A_579, %mul3A_580 : i32
    %slice3A_582 = vector.extract_strided_slice %shift_right_logical3A_5 {offsets = [13], sizes = [1], strides = [1]} : vector<16xi32> to vector<1xi32>
    %squeeze3A_583 = vector.extract %slice3A_582[0] : i32 from vector<1xi32>
    %mul3A_584 = arith.constant 128 : i32
    %mul3A_585 = arith.muli %squeeze3A_583, %mul3A_584 : i32
    %dma_start3A_586 = arith.constant 13 : i32
    %dma_start3A_587 = arith.constant 0 : i32
    %dma_start3A_588 = arith.constant 0 : i32
    %dma_start3A_589 = tpu.memref_slice %arg6[%dma_start3A_586, %dma_start3A_587, %dma_start3A_588] : memref<32x8x128xf32, #tpu.memory_space<vmem>> -> memref<1x8x128xf32, #tpu.memory_space<vmem>>
    %dma_start3A_590 = tpu.memref_squeeze %dma_start3A_589 : memref<1x8x128xf32, #tpu.memory_space<vmem>> -> memref<8x128xf32, #tpu.memory_space<vmem>>
    %dma_start3A_591 = tpu.memref_slice %arg2[%mul3A_581, %mul3A_585] : memref<1024x100000xf32, #tpu.memory_space<hbm>> -> memref<8x128xf32, #tpu.memory_space<hbm>>
    %dma_start3A_592 = arith.constant 0 : i32
    %dma_start3A_593 = arith.constant 0 : i32
    %dma_start3A_594 = tpu.memref_slice %arg6[%dma_start3A_586, %dma_start3A_592, %dma_start3A_593] : memref<32x8x128xf32, #tpu.memory_space<vmem>> -> memref<1x8x128xf32, #tpu.memory_space<vmem>>
    %dma_start3A_595 = tpu.memref_squeeze %dma_start3A_594 : memref<1x8x128xf32, #tpu.memory_space<vmem>> -> memref<8x128xf32, #tpu.memory_space<vmem>>
    %dma_start3A_596 = tpu.memref_slice %arg2[%mul3A_581, %mul3A_585] : memref<1024x100000xf32, #tpu.memory_space<hbm>> -> memref<8x128xf32, #tpu.memory_space<hbm>>
    tpu.enqueue_dma source(%dma_start3A_596 : memref<8x128xf32, #tpu.memory_space<hbm>>) target(%dma_start3A_595 : memref<8x128xf32, #tpu.memory_space<vmem>>) target_semaphore(%arg8 : memref<!tpu.dma_semaphore, #tpu.memory_space<semaphore_mem>>)
    %add3A_597 = arith.constant 14 : i32
    %add3A_598 = arith.addi %mul3A_2, %add3A_597 : i32
    %jit3A_599 = arith.constant 8 : i32
    %div3A_600 = arith.divsi %add3A_598, %jit3A_599 : i32
    %sign3A_601 = arith.constant 0 : i32
    %sign3A_602 = arith.cmpi sgt, %add3A_598, %sign3A_601 : i32
    %sign3A_603 = arith.extui %sign3A_602 : i1 to i32
    %sign3A_604 = arith.constant 0 : i32
    %sign3A_605 = arith.cmpi slt, %add3A_598, %sign3A_604 : i32
    %sign3A_606 = arith.extui %sign3A_605 : i1 to i32
    %sign3A_607 = arith.subi %sign3A_603, %sign3A_606 : i32
    %sign3A_608 = arith.constant 0 : i32
    %sign3A_609 = arith.cmpi sgt, %jit3A_599, %sign3A_608 : i32
    %sign3A_610 = arith.extui %sign3A_609 : i1 to i32
    %sign3A_611 = arith.constant 0 : i32
    %sign3A_612 = arith.cmpi slt, %jit3A_599, %sign3A_611 : i32
    %sign3A_613 = arith.extui %sign3A_612 : i1 to i32
    %sign3A_614 = arith.subi %sign3A_610, %sign3A_613 : i32
    %ne3A_615 = arith.cmpi ne, %sign3A_607, %sign3A_614 : i32
    %rem3A_616 = arith.remsi %add3A_598, %jit3A_599 : i32
    %ne3A_617 = arith.constant 0 : i32
    %ne3A_618 = arith.cmpi ne, %rem3A_616, %ne3A_617 : i32
    %and3A_619 = arith.andi %ne3A_615, %ne3A_618 : i1
    %sub3A_620 = arith.constant 1 : i32
    %sub3A_621 = arith.subi %div3A_600, %sub3A_620 : i32
    %select_n3A_622 = arith.select %and3A_619, %sub3A_621, %div3A_600 : i32
    %mul3A_623 = arith.constant 8 : i32
    %mul3A_624 = arith.muli %select_n3A_622, %mul3A_623 : i32
    %slice3A_625 = vector.extract_strided_slice %shift_right_logical3A_5 {offsets = [14], sizes = [1], strides = [1]} : vector<16xi32> to vector<1xi32>
    %squeeze3A_626 = vector.extract %slice3A_625[0] : i32 from vector<1xi32>
    %mul3A_627 = arith.constant 128 : i32
    %mul3A_628 = arith.muli %squeeze3A_626, %mul3A_627 : i32
    %dma_start3A_629 = arith.constant 14 : i32
    %dma_start3A_630 = arith.constant 0 : i32
    %dma_start3A_631 = arith.constant 0 : i32
    %dma_start3A_632 = tpu.memref_slice %arg6[%dma_start3A_629, %dma_start3A_630, %dma_start3A_631] : memref<32x8x128xf32, #tpu.memory_space<vmem>> -> memref<1x8x128xf32, #tpu.memory_space<vmem>>
    %dma_start3A_633 = tpu.memref_squeeze %dma_start3A_632 : memref<1x8x128xf32, #tpu.memory_space<vmem>> -> memref<8x128xf32, #tpu.memory_space<vmem>>
    %dma_start3A_634 = tpu.memref_slice %arg2[%mul3A_624, %mul3A_628] : memref<1024x100000xf32, #tpu.memory_space<hbm>> -> memref<8x128xf32, #tpu.memory_space<hbm>>
    %dma_start3A_635 = arith.constant 0 : i32
    %dma_start3A_636 = arith.constant 0 : i32
    %dma_start3A_637 = tpu.memref_slice %arg6[%dma_start3A_629, %dma_start3A_635, %dma_start3A_636] : memref<32x8x128xf32, #tpu.memory_space<vmem>> -> memref<1x8x128xf32, #tpu.memory_space<vmem>>
    %dma_start3A_638 = tpu.memref_squeeze %dma_start3A_637 : memref<1x8x128xf32, #tpu.memory_space<vmem>> -> memref<8x128xf32, #tpu.memory_space<vmem>>
    %dma_start3A_639 = tpu.memref_slice %arg2[%mul3A_624, %mul3A_628] : memref<1024x100000xf32, #tpu.memory_space<hbm>> -> memref<8x128xf32, #tpu.memory_space<hbm>>
    tpu.enqueue_dma source(%dma_start3A_639 : memref<8x128xf32, #tpu.memory_space<hbm>>) target(%dma_start3A_638 : memref<8x128xf32, #tpu.memory_space<vmem>>) target_semaphore(%arg8 : memref<!tpu.dma_semaphore, #tpu.memory_space<semaphore_mem>>)
    %add3A_640 = arith.constant 15 : i32
    %add3A_641 = arith.addi %mul3A_2, %add3A_640 : i32
    %jit3A_642 = arith.constant 8 : i32
    %div3A_643 = arith.divsi %add3A_641, %jit3A_642 : i32
    %sign3A_644 = arith.constant 0 : i32
    %sign3A_645 = arith.cmpi sgt, %add3A_641, %sign3A_644 : i32
    %sign3A_646 = arith.extui %sign3A_645 : i1 to i32
    %sign3A_647 = arith.constant 0 : i32
    %sign3A_648 = arith.cmpi slt, %add3A_641, %sign3A_647 : i32
    %sign3A_649 = arith.extui %sign3A_648 : i1 to i32
    %sign3A_650 = arith.subi %sign3A_646, %sign3A_649 : i32
    %sign3A_651 = arith.constant 0 : i32
    %sign3A_652 = arith.cmpi sgt, %jit3A_642, %sign3A_651 : i32
    %sign3A_653 = arith.extui %sign3A_652 : i1 to i32
    %sign3A_654 = arith.constant 0 : i32
    %sign3A_655 = arith.cmpi slt, %jit3A_642, %sign3A_654 : i32
    %sign3A_656 = arith.extui %sign3A_655 : i1 to i32
    %sign3A_657 = arith.subi %sign3A_653, %sign3A_656 : i32
    %ne3A_658 = arith.cmpi ne, %sign3A_650, %sign3A_657 : i32
    %rem3A_659 = arith.remsi %add3A_641, %jit3A_642 : i32
    %ne3A_660 = arith.constant 0 : i32
    %ne3A_661 = arith.cmpi ne, %rem3A_659, %ne3A_660 : i32
    %and3A_662 = arith.andi %ne3A_658, %ne3A_661 : i1
    %sub3A_663 = arith.constant 1 : i32
    %sub3A_664 = arith.subi %div3A_643, %sub3A_663 : i32
    %select_n3A_665 = arith.select %and3A_662, %sub3A_664, %div3A_643 : i32
    %mul3A_666 = arith.constant 8 : i32
    %mul3A_667 = arith.muli %select_n3A_665, %mul3A_666 : i32
    %slice3A_668 = vector.extract_strided_slice %shift_right_logical3A_5 {offsets = [15], sizes = [1], strides = [1]} : vector<16xi32> to vector<1xi32>
    %squeeze3A_669 = vector.extract %slice3A_668[0] : i32 from vector<1xi32>
    %mul3A_670 = arith.constant 128 : i32
    %mul3A_671 = arith.muli %squeeze3A_669, %mul3A_670 : i32
    %dma_start3A_672 = arith.constant 15 : i32
    %dma_start3A_673 = arith.constant 0 : i32
    %dma_start3A_674 = arith.constant 0 : i32
    %dma_start3A_675 = tpu.memref_slice %arg6[%dma_start3A_672, %dma_start3A_673, %dma_start3A_674] : memref<32x8x128xf32, #tpu.memory_space<vmem>> -> memref<1x8x128xf32, #tpu.memory_space<vmem>>
    %dma_start3A_676 = tpu.memref_squeeze %dma_start3A_675 : memref<1x8x128xf32, #tpu.memory_space<vmem>> -> memref<8x128xf32, #tpu.memory_space<vmem>>
    %dma_start3A_677 = tpu.memref_slice %arg2[%mul3A_667, %mul3A_671] : memref<1024x100000xf32, #tpu.memory_space<hbm>> -> memref<8x128xf32, #tpu.memory_space<hbm>>
    %dma_start3A_678 = arith.constant 0 : i32
    %dma_start3A_679 = arith.constant 0 : i32
    %dma_start3A_680 = tpu.memref_slice %arg6[%dma_start3A_672, %dma_start3A_678, %dma_start3A_679] : memref<32x8x128xf32, #tpu.memory_space<vmem>> -> memref<1x8x128xf32, #tpu.memory_space<vmem>>
    %dma_start3A_681 = tpu.memref_squeeze %dma_start3A_680 : memref<1x8x128xf32, #tpu.memory_space<vmem>> -> memref<8x128xf32, #tpu.memory_space<vmem>>
    %dma_start3A_682 = tpu.memref_slice %arg2[%mul3A_667, %mul3A_671] : memref<1024x100000xf32, #tpu.memory_space<hbm>> -> memref<8x128xf32, #tpu.memory_space<hbm>>
    tpu.enqueue_dma source(%dma_start3A_682 : memref<8x128xf32, #tpu.memory_space<hbm>>) target(%dma_start3A_681 : memref<8x128xf32, #tpu.memory_space<vmem>>) target_semaphore(%arg8 : memref<!tpu.dma_semaphore, #tpu.memory_space<semaphore_mem>>)
    %get3A_683 = arith.constant 16 : index
    %get3A_684 = tpu.vector_load %arg5[%get3A_683] {strides = array<i32>} : memref<32xi32, #tpu.memory_space<vmem>>, vector<16xi32>,
    %shift_right_logical3A_685 = arith.constant 7 : i32
    %shift_right_logical3A_686 = vector.broadcast %shift_right_logical3A_685 : i32 to vector<16xi32>
    %shift_right_logical3A_687 = arith.shrui %get3A_684, %shift_right_logical3A_686 : vector<16xi32>
    %add3A_688 = arith.constant 16 : i32
    %add3A_689 = arith.addi %mul3A_2, %add3A_688 : i32
    %jit3A_690 = arith.constant 8 : i32
    %div3A_691 = arith.divsi %add3A_689, %jit3A_690 : i32
    %sign3A_692 = arith.constant 0 : i32
    %sign3A_693 = arith.cmpi sgt, %add3A_689, %sign3A_692 : i32
    %sign3A_694 = arith.extui %sign3A_693 : i1 to i32
    %sign3A_695 = arith.constant 0 : i32
    %sign3A_696 = arith.cmpi slt, %add3A_689, %sign3A_695 : i32
    %sign3A_697 = arith.extui %sign3A_696 : i1 to i32
    %sign3A_698 = arith.subi %sign3A_694, %sign3A_697 : i32
    %sign3A_699 = arith.constant 0 : i32
    %sign3A_700 = arith.cmpi sgt, %jit3A_690, %sign3A_699 : i32
    %sign3A_701 = arith.extui %sign3A_700 : i1 to i32
    %sign3A_702 = arith.constant 0 : i32
    %sign3A_703 = arith.cmpi slt, %jit3A_690, %sign3A_702 : i32
    %sign3A_704 = arith.extui %sign3A_703 : i1 to i32
    %sign3A_705 = arith.subi %sign3A_701, %sign3A_704 : i32
    %ne3A_706 = arith.cmpi ne, %sign3A_698, %sign3A_705 : i32
    %rem3A_707 = arith.remsi %add3A_689, %jit3A_690 : i32
    %ne3A_708 = arith.constant 0 : i32
    %ne3A_709 = arith.cmpi ne, %rem3A_707, %ne3A_708 : i32
    %and3A_710 = arith.andi %ne3A_706, %ne3A_709 : i1
    %sub3A_711 = arith.constant 1 : i32
    %sub3A_712 = arith.subi %div3A_691, %sub3A_711 : i32
    %select_n3A_713 = arith.select %and3A_710, %sub3A_712, %div3A_691 : i32
    %mul3A_714 = arith.constant 8 : i32
    %mul3A_715 = arith.muli %select_n3A_713, %mul3A_714 : i32
    %slice3A_716 = vector.extract_strided_slice %shift_right_logical3A_687 {offsets = [0], sizes = [1], strides = [1]} : vector<16xi32> to vector<1xi32>
    %squeeze3A_717 = vector.extract %slice3A_716[0] : i32 from vector<1xi32>
    %mul3A_718 = arith.constant 128 : i32
    %mul3A_719 = arith.muli %squeeze3A_717, %mul3A_718 : i32
    %dma_start3A_720 = arith.constant 16 : i32
    %dma_start3A_721 = arith.constant 0 : i32
    %dma_start3A_722 = arith.constant 0 : i32
    %dma_start3A_723 = tpu.memref_slice %arg6[%dma_start3A_720, %dma_start3A_721, %dma_start3A_722] : memref<32x8x128xf32, #tpu.memory_space<vmem>> -> memref<1x8x128xf32, #tpu.memory_space<vmem>>
    %dma_start3A_724 = tpu.memref_squeeze %dma_start3A_723 : memref<1x8x128xf32, #tpu.memory_space<vmem>> -> memref<8x128xf32, #tpu.memory_space<vmem>>
    %dma_start3A_725 = tpu.memref_slice %arg2[%mul3A_715, %mul3A_719] : memref<1024x100000xf32, #tpu.memory_space<hbm>> -> memref<8x128xf32, #tpu.memory_space<hbm>>
    %dma_start3A_726 = arith.constant 0 : i32
    %dma_start3A_727 = arith.constant 0 : i32
    %dma_start3A_728 = tpu.memref_slice %arg6[%dma_start3A_720, %dma_start3A_726, %dma_start3A_727] : memref<32x8x128xf32, #tpu.memory_space<vmem>> -> memref<1x8x128xf32, #tpu.memory_space<vmem>>
    %dma_start3A_729 = tpu.memref_squeeze %dma_start3A_728 : memref<1x8x128xf32, #tpu.memory_space<vmem>> -> memref<8x128xf32, #tpu.memory_space<vmem>>
    %dma_start3A_730 = tpu.memref_slice %arg2[%mul3A_715, %mul3A_719] : memref<1024x100000xf32, #tpu.memory_space<hbm>> -> memref<8x128xf32, #tpu.memory_space<hbm>>
    tpu.enqueue_dma source(%dma_start3A_730 : memref<8x128xf32, #tpu.memory_space<hbm>>) target(%dma_start3A_729 : memref<8x128xf32, #tpu.memory_space<vmem>>) target_semaphore(%arg8 : memref<!tpu.dma_semaphore, #tpu.memory_space<semaphore_mem>>)
    %add3A_731 = arith.constant 17 : i32
    %add3A_732 = arith.addi %mul3A_2, %add3A_731 : i32
    %jit3A_733 = arith.constant 8 : i32
    %div3A_734 = arith.divsi %add3A_732, %jit3A_733 : i32
    %sign3A_735 = arith.constant 0 : i32
    %sign3A_736 = arith.cmpi sgt, %add3A_732, %sign3A_735 : i32
    %sign3A_737 = arith.extui %sign3A_736 : i1 to i32
    %sign3A_738 = arith.constant 0 : i32
    %sign3A_739 = arith.cmpi slt, %add3A_732, %sign3A_738 : i32
    %sign3A_740 = arith.extui %sign3A_739 : i1 to i32
    %sign3A_741 = arith.subi %sign3A_737, %sign3A_740 : i32
    %sign3A_742 = arith.constant 0 : i32
    %sign3A_743 = arith.cmpi sgt, %jit3A_733, %sign3A_742 : i32
    %sign3A_744 = arith.extui %sign3A_743 : i1 to i32
    %sign3A_745 = arith.constant 0 : i32
    %sign3A_746 = arith.cmpi slt, %jit3A_733, %sign3A_745 : i32
    %sign3A_747 = arith.extui %sign3A_746 : i1 to i32
    %sign3A_748 = arith.subi %sign3A_744, %sign3A_747 : i32
    %ne3A_749 = arith.cmpi ne, %sign3A_741, %sign3A_748 : i32
    %rem3A_750 = arith.remsi %add3A_732, %jit3A_733 : i32
    %ne3A_751 = arith.constant 0 : i32
    %ne3A_752 = arith.cmpi ne, %rem3A_750, %ne3A_751 : i32
    %and3A_753 = arith.andi %ne3A_749, %ne3A_752 : i1
    %sub3A_754 = arith.constant 1 : i32
    %sub3A_755 = arith.subi %div3A_734, %sub3A_754 : i32
    %select_n3A_756 = arith.select %and3A_753, %sub3A_755, %div3A_734 : i32
    %mul3A_757 = arith.constant 8 : i32
    %mul3A_758 = arith.muli %select_n3A_756, %mul3A_757 : i32
    %slice3A_759 = vector.extract_strided_slice %shift_right_logical3A_687 {offsets = [1], sizes = [1], strides = [1]} : vector<16xi32> to vector<1xi32>
    %squeeze3A_760 = vector.extract %slice3A_759[0] : i32 from vector<1xi32>
    %mul3A_761 = arith.constant 128 : i32
    %mul3A_762 = arith.muli %squeeze3A_760, %mul3A_761 : i32
    %dma_start3A_763 = arith.constant 17 : i32
    %dma_start3A_764 = arith.constant 0 : i32
    %dma_start3A_765 = arith.constant 0 : i32
    %dma_start3A_766 = tpu.memref_slice %arg6[%dma_start3A_763, %dma_start3A_764, %dma_start3A_765] : memref<32x8x128xf32, #tpu.memory_space<vmem>> -> memref<1x8x128xf32, #tpu.memory_space<vmem>>
    %dma_start3A_767 = tpu.memref_squeeze %dma_start3A_766 : memref<1x8x128xf32, #tpu.memory_space<vmem>> -> memref<8x128xf32, #tpu.memory_space<vmem>>
    %dma_start3A_768 = tpu.memref_slice %arg2[%mul3A_758, %mul3A_762] : memref<1024x100000xf32, #tpu.memory_space<hbm>> -> memref<8x128xf32, #tpu.memory_space<hbm>>
    %dma_start3A_769 = arith.constant 0 : i32
    %dma_start3A_770 = arith.constant 0 : i32
    %dma_start3A_771 = tpu.memref_slice %arg6[%dma_start3A_763, %dma_start3A_769, %dma_start3A_770] : memref<32x8x128xf32, #tpu.memory_space<vmem>> -> memref<1x8x128xf32, #tpu.memory_space<vmem>>
    %dma_start3A_772 = tpu.memref_squeeze %dma_start3A_771 : memref<1x8x128xf32, #tpu.memory_space<vmem>> -> memref<8x128xf32, #tpu.memory_space<vmem>>
    %dma_start3A_773 = tpu.memref_slice %arg2[%mul3A_758, %mul3A_762] : memref<1024x100000xf32, #tpu.memory_space<hbm>> -> memref<8x128xf32, #tpu.memory_space<hbm>>
    tpu.enqueue_dma source(%dma_start3A_773 : memref<8x128xf32, #tpu.memory_space<hbm>>) target(%dma_start3A_772 : memref<8x128xf32, #tpu.memory_space<vmem>>) target_semaphore(%arg8 : memref<!tpu.dma_semaphore, #tpu.memory_space<semaphore_mem>>)
    %add3A_774 = arith.constant 18 : i32
    %add3A_775 = arith.addi %mul3A_2, %add3A_774 : i32
    %jit3A_776 = arith.constant 8 : i32
    %div3A_777 = arith.divsi %add3A_775, %jit3A_776 : i32
    %sign3A_778 = arith.constant 0 : i32
    %sign3A_779 = arith.cmpi sgt, %add3A_775, %sign3A_778 : i32
    %sign3A_780 = arith.extui %sign3A_779 : i1 to i32
    %sign3A_781 = arith.constant 0 : i32
    %sign3A_782 = arith.cmpi slt, %add3A_775, %sign3A_781 : i32
    %sign3A_783 = arith.extui %sign3A_782 : i1 to i32
    %sign3A_784 = arith.subi %sign3A_780, %sign3A_783 : i32
    %sign3A_785 = arith.constant 0 : i32
    %sign3A_786 = arith.cmpi sgt, %jit3A_776, %sign3A_785 : i32
    %sign3A_787 = arith.extui %sign3A_786 : i1 to i32
    %sign3A_788 = arith.constant 0 : i32
    %sign3A_789 = arith.cmpi slt, %jit3A_776, %sign3A_788 : i32
    %sign3A_790 = arith.extui %sign3A_789 : i1 to i32
    %sign3A_791 = arith.subi %sign3A_787, %sign3A_790 : i32
    %ne3A_792 = arith.cmpi ne, %sign3A_784, %sign3A_791 : i32
    %rem3A_793 = arith.remsi %add3A_775, %jit3A_776 : i32
    %ne3A_794 = arith.constant 0 : i32
    %ne3A_795 = arith.cmpi ne, %rem3A_793, %ne3A_794 : i32
    %and3A_796 = arith.andi %ne3A_792, %ne3A_795 : i1
    %sub3A_797 = arith.constant 1 : i32
    %sub3A_798 = arith.subi %div3A_777, %sub3A_797 : i32
    %select_n3A_799 = arith.select %and3A_796, %sub3A_798, %div3A_777 : i32
    %mul3A_800 = arith.constant 8 : i32
    %mul3A_801 = arith.muli %select_n3A_799, %mul3A_800 : i32
    %slice3A_802 = vector.extract_strided_slice %shift_right_logical3A_687 {offsets = [2], sizes = [1], strides = [1]} : vector<16xi32> to vector<1xi32>
    %squeeze3A_803 = vector.extract %slice3A_802[0] : i32 from vector<1xi32>
    %mul3A_804 = arith.constant 128 : i32
    %mul3A_805 = arith.muli %squeeze3A_803, %mul3A_804 : i32
    %dma_start3A_806 = arith.constant 18 : i32
    %dma_start3A_807 = arith.constant 0 : i32
    %dma_start3A_808 = arith.constant 0 : i32
    %dma_start3A_809 = tpu.memref_slice %arg6[%dma_start3A_806, %dma_start3A_807, %dma_start3A_808] : memref<32x8x128xf32, #tpu.memory_space<vmem>> -> memref<1x8x128xf32, #tpu.memory_space<vmem>>
    %dma_start3A_810 = tpu.memref_squeeze %dma_start3A_809 : memref<1x8x128xf32, #tpu.memory_space<vmem>> -> memref<8x128xf32, #tpu.memory_space<vmem>>
    %dma_start3A_811 = tpu.memref_slice %arg2[%mul3A_801, %mul3A_805] : memref<1024x100000xf32, #tpu.memory_space<hbm>> -> memref<8x128xf32, #tpu.memory_space<hbm>>
    %dma_start3A_812 = arith.constant 0 : i32
    %dma_start3A_813 = arith.constant 0 : i32
    %dma_start3A_814 = tpu.memref_slice %arg6[%dma_start3A_806, %dma_start3A_812, %dma_start3A_813] : memref<32x8x128xf32, #tpu.memory_space<vmem>> -> memref<1x8x128xf32, #tpu.memory_space<vmem>>
    %dma_start3A_815 = tpu.memref_squeeze %dma_start3A_814 : memref<1x8x128xf32, #tpu.memory_space<vmem>> -> memref<8x128xf32, #tpu.memory_space<vmem>>
    %dma_start3A_816 = tpu.memref_slice %arg2[%mul3A_801, %mul3A_805] : memref<1024x100000xf32, #tpu.memory_space<hbm>> -> memref<8x128xf32, #tpu.memory_space<hbm>>
    tpu.enqueue_dma source(%dma_start3A_816 : memref<8x128xf32, #tpu.memory_space<hbm>>) target(%dma_start3A_815 : memref<8x128xf32, #tpu.memory_space<vmem>>) target_semaphore(%arg8 : memref<!tpu.dma_semaphore, #tpu.memory_space<semaphore_mem>>)
    %add3A_817 = arith.constant 19 : i32
    %add3A_818 = arith.addi %mul3A_2, %add3A_817 : i32
    %jit3A_819 = arith.constant 8 : i32
    %div3A_820 = arith.divsi %add3A_818, %jit3A_819 : i32
    %sign3A_821 = arith.constant 0 : i32
    %sign3A_822 = arith.cmpi sgt, %add3A_818, %sign3A_821 : i32
    %sign3A_823 = arith.extui %sign3A_822 : i1 to i32
    %sign3A_824 = arith.constant 0 : i32
    %sign3A_825 = arith.cmpi slt, %add3A_818, %sign3A_824 : i32
    %sign3A_826 = arith.extui %sign3A_825 : i1 to i32
    %sign3A_827 = arith.subi %sign3A_823, %sign3A_826 : i32
    %sign3A_828 = arith.constant 0 : i32
    %sign3A_829 = arith.cmpi sgt, %jit3A_819, %sign3A_828 : i32
    %sign3A_830 = arith.extui %sign3A_829 : i1 to i32
    %sign3A_831 = arith.constant 0 : i32
    %sign3A_832 = arith.cmpi slt, %jit3A_819, %sign3A_831 : i32
    %sign3A_833 = arith.extui %sign3A_832 : i1 to i32
    %sign3A_834 = arith.subi %sign3A_830, %sign3A_833 : i32
    %ne3A_835 = arith.cmpi ne, %sign3A_827, %sign3A_834 : i32
    %rem3A_836 = arith.remsi %add3A_818, %jit3A_819 : i32
    %ne3A_837 = arith.constant 0 : i32
    %ne3A_838 = arith.cmpi ne, %rem3A_836, %ne3A_837 : i32
    %and3A_839 = arith.andi %ne3A_835, %ne3A_838 : i1
    %sub3A_840 = arith.constant 1 : i32
    %sub3A_841 = arith.subi %div3A_820, %sub3A_840 : i32
    %select_n3A_842 = arith.select %and3A_839, %sub3A_841, %div3A_820 : i32
    %mul3A_843 = arith.constant 8 : i32
    %mul3A_844 = arith.muli %select_n3A_842, %mul3A_843 : i32
    %slice3A_845 = vector.extract_strided_slice %shift_right_logical3A_687 {offsets = [3], sizes = [1], strides = [1]} : vector<16xi32> to vector<1xi32>
    %squeeze3A_846 = vector.extract %slice3A_845[0] : i32 from vector<1xi32>
    %mul3A_847 = arith.constant 128 : i32
    %mul3A_848 = arith.muli %squeeze3A_846, %mul3A_847 : i32
    %dma_start3A_849 = arith.constant 19 : i32
    %dma_start3A_850 = arith.constant 0 : i32
    %dma_start3A_851 = arith.constant 0 : i32
    %dma_start3A_852 = tpu.memref_slice %arg6[%dma_start3A_849, %dma_start3A_850, %dma_start3A_851] : memref<32x8x128xf32, #tpu.memory_space<vmem>> -> memref<1x8x128xf32, #tpu.memory_space<vmem>>
    %dma_start3A_853 = tpu.memref_squeeze %dma_start3A_852 : memref<1x8x128xf32, #tpu.memory_space<vmem>> -> memref<8x128xf32, #tpu.memory_space<vmem>>
    %dma_start3A_854 = tpu.memref_slice %arg2[%mul3A_844, %mul3A_848] : memref<1024x100000xf32, #tpu.memory_space<hbm>> -> memref<8x128xf32, #tpu.memory_space<hbm>>
    %dma_start3A_855 = arith.constant 0 : i32
    %dma_start3A_856 = arith.constant 0 : i32
    %dma_start3A_857 = tpu.memref_slice %arg6[%dma_start3A_849, %dma_start3A_855, %dma_start3A_856] : memref<32x8x128xf32, #tpu.memory_space<vmem>> -> memref<1x8x128xf32, #tpu.memory_space<vmem>>
    %dma_start3A_858 = tpu.memref_squeeze %dma_start3A_857 : memref<1x8x128xf32, #tpu.memory_space<vmem>> -> memref<8x128xf32, #tpu.memory_space<vmem>>
    %dma_start3A_859 = tpu.memref_slice %arg2[%mul3A_844, %mul3A_848] : memref<1024x100000xf32, #tpu.memory_space<hbm>> -> memref<8x128xf32, #tpu.memory_space<hbm>>
    tpu.enqueue_dma source(%dma_start3A_859 : memref<8x128xf32, #tpu.memory_space<hbm>>) target(%dma_start3A_858 : memref<8x128xf32, #tpu.memory_space<vmem>>) target_semaphore(%arg8 : memref<!tpu.dma_semaphore, #tpu.memory_space<semaphore_mem>>)
    %add3A_860 = arith.constant 20 : i32
    %add3A_861 = arith.addi %mul3A_2, %add3A_860 : i32
    %jit3A_862 = arith.constant 8 : i32
    %div3A_863 = arith.divsi %add3A_861, %jit3A_862 : i32
    %sign3A_864 = arith.constant 0 : i32
    %sign3A_865 = arith.cmpi sgt, %add3A_861, %sign3A_864 : i32
    %sign3A_866 = arith.extui %sign3A_865 : i1 to i32
    %sign3A_867 = arith.constant 0 : i32
    %sign3A_868 = arith.cmpi slt, %add3A_861, %sign3A_867 : i32
    %sign3A_869 = arith.extui %sign3A_868 : i1 to i32
    %sign3A_870 = arith.subi %sign3A_866, %sign3A_869 : i32
    %sign3A_871 = arith.constant 0 : i32
    %sign3A_872 = arith.cmpi sgt, %jit3A_862, %sign3A_871 : i32
    %sign3A_873 = arith.extui %sign3A_872 : i1 to i32
    %sign3A_874 = arith.constant 0 : i32
    %sign3A_875 = arith.cmpi slt, %jit3A_862, %sign3A_874 : i32
    %sign3A_876 = arith.extui %sign3A_875 : i1 to i32
    %sign3A_877 = arith.subi %sign3A_873, %sign3A_876 : i32
    %ne3A_878 = arith.cmpi ne, %sign3A_870, %sign3A_877 : i32
    %rem3A_879 = arith.remsi %add3A_861, %jit3A_862 : i32
    %ne3A_880 = arith.constant 0 : i32
    %ne3A_881 = arith.cmpi ne, %rem3A_879, %ne3A_880 : i32
    %and3A_882 = arith.andi %ne3A_878, %ne3A_881 : i1
    %sub3A_883 = arith.constant 1 : i32
    %sub3A_884 = arith.subi %div3A_863, %sub3A_883 : i32
    %select_n3A_885 = arith.select %and3A_882, %sub3A_884, %div3A_863 : i32
    %mul3A_886 = arith.constant 8 : i32
    %mul3A_887 = arith.muli %select_n3A_885, %mul3A_886 : i32
    %slice3A_888 = vector.extract_strided_slice %shift_right_logical3A_687 {offsets = [4], sizes = [1], strides = [1]} : vector<16xi32> to vector<1xi32>
    %squeeze3A_889 = vector.extract %slice3A_888[0] : i32 from vector<1xi32>
    %mul3A_890 = arith.constant 128 : i32
    %mul3A_891 = arith.muli %squeeze3A_889, %mul3A_890 : i32
    %dma_start3A_892 = arith.constant 20 : i32
    %dma_start3A_893 = arith.constant 0 : i32
    %dma_start3A_894 = arith.constant 0 : i32
    %dma_start3A_895 = tpu.memref_slice %arg6[%dma_start3A_892, %dma_start3A_893, %dma_start3A_894] : memref<32x8x128xf32, #tpu.memory_space<vmem>> -> memref<1x8x128xf32, #tpu.memory_space<vmem>>
    %dma_start3A_896 = tpu.memref_squeeze %dma_start3A_895 : memref<1x8x128xf32, #tpu.memory_space<vmem>> -> memref<8x128xf32, #tpu.memory_space<vmem>>
    %dma_start3A_897 = tpu.memref_slice %arg2[%mul3A_887, %mul3A_891] : memref<1024x100000xf32, #tpu.memory_space<hbm>> -> memref<8x128xf32, #tpu.memory_space<hbm>>
    %dma_start3A_898 = arith.constant 0 : i32
    %dma_start3A_899 = arith.constant 0 : i32
    %dma_start3A_900 = tpu.memref_slice %arg6[%dma_start3A_892, %dma_start3A_898, %dma_start3A_899] : memref<32x8x128xf32, #tpu.memory_space<vmem>> -> memref<1x8x128xf32, #tpu.memory_space<vmem>>
    %dma_start3A_901 = tpu.memref_squeeze %dma_start3A_900 : memref<1x8x128xf32, #tpu.memory_space<vmem>> -> memref<8x128xf32, #tpu.memory_space<vmem>>
    %dma_start3A_902 = tpu.memref_slice %arg2[%mul3A_887, %mul3A_891] : memref<1024x100000xf32, #tpu.memory_space<hbm>> -> memref<8x128xf32, #tpu.memory_space<hbm>>
    tpu.enqueue_dma source(%dma_start3A_902 : memref<8x128xf32, #tpu.memory_space<hbm>>) target(%dma_start3A_901 : memref<8x128xf32, #tpu.memory_space<vmem>>) target_semaphore(%arg8 : memref<!tpu.dma_semaphore, #tpu.memory_space<semaphore_mem>>)
    %add3A_903 = arith.constant 21 : i32
    %add3A_904 = arith.addi %mul3A_2, %add3A_903 : i32
    %jit3A_905 = arith.constant 8 : i32
    %div3A_906 = arith.divsi %add3A_904, %jit3A_905 : i32
    %sign3A_907 = arith.constant 0 : i32
    %sign3A_908 = arith.cmpi sgt, %add3A_904, %sign3A_907 : i32
    %sign3A_909 = arith.extui %sign3A_908 : i1 to i32
    %sign3A_910 = arith.constant 0 : i32
    %sign3A_911 = arith.cmpi slt, %add3A_904, %sign3A_910 : i32
    %sign3A_912 = arith.extui %sign3A_911 : i1 to i32
    %sign3A_913 = arith.subi %sign3A_909, %sign3A_912 : i32
    %sign3A_914 = arith.constant 0 : i32
    %sign3A_915 = arith.cmpi sgt, %jit3A_905, %sign3A_914 : i32
    %sign3A_916 = arith.extui %sign3A_915 : i1 to i32
    %sign3A_917 = arith.constant 0 : i32
    %sign3A_918 = arith.cmpi slt, %jit3A_905, %sign3A_917 : i32
    %sign3A_919 = arith.extui %sign3A_918 : i1 to i32
    %sign3A_920 = arith.subi %sign3A_916, %sign3A_919 : i32
    %ne3A_921 = arith.cmpi ne, %sign3A_913, %sign3A_920 : i32
    %rem3A_922 = arith.remsi %add3A_904, %jit3A_905 : i32
    %ne3A_923 = arith.constant 0 : i32
    %ne3A_924 = arith.cmpi ne, %rem3A_922, %ne3A_923 : i32
    %and3A_925 = arith.andi %ne3A_921, %ne3A_924 : i1
    %sub3A_926 = arith.constant 1 : i32
    %sub3A_927 = arith.subi %div3A_906, %sub3A_926 : i32
    %select_n3A_928 = arith.select %and3A_925, %sub3A_927, %div3A_906 : i32
    %mul3A_929 = arith.constant 8 : i32
    %mul3A_930 = arith.muli %select_n3A_928, %mul3A_929 : i32
    %slice3A_931 = vector.extract_strided_slice %shift_right_logical3A_687 {offsets = [5], sizes = [1], strides = [1]} : vector<16xi32> to vector<1xi32>
    %squeeze3A_932 = vector.extract %slice3A_931[0] : i32 from vector<1xi32>
    %mul3A_933 = arith.constant 128 : i32
    %mul3A_934 = arith.muli %squeeze3A_932, %mul3A_933 : i32
    %dma_start3A_935 = arith.constant 21 : i32
    %dma_start3A_936 = arith.constant 0 : i32
    %dma_start3A_937 = arith.constant 0 : i32
    %dma_start3A_938 = tpu.memref_slice %arg6[%dma_start3A_935, %dma_start3A_936, %dma_start3A_937] : memref<32x8x128xf32, #tpu.memory_space<vmem>> -> memref<1x8x128xf32, #tpu.memory_space<vmem>>
    %dma_start3A_939 = tpu.memref_squeeze %dma_start3A_938 : memref<1x8x128xf32, #tpu.memory_space<vmem>> -> memref<8x128xf32, #tpu.memory_space<vmem>>
    %dma_start3A_940 = tpu.memref_slice %arg2[%mul3A_930, %mul3A_934] : memref<1024x100000xf32, #tpu.memory_space<hbm>> -> memref<8x128xf32, #tpu.memory_space<hbm>>
    %dma_start3A_941 = arith.constant 0 : i32
    %dma_start3A_942 = arith.constant 0 : i32
    %dma_start3A_943 = tpu.memref_slice %arg6[%dma_start3A_935, %dma_start3A_941, %dma_start3A_942] : memref<32x8x128xf32, #tpu.memory_space<vmem>> -> memref<1x8x128xf32, #tpu.memory_space<vmem>>
    %dma_start3A_944 = tpu.memref_squeeze %dma_start3A_943 : memref<1x8x128xf32, #tpu.memory_space<vmem>> -> memref<8x128xf32, #tpu.memory_space<vmem>>
    %dma_start3A_945 = tpu.memref_slice %arg2[%mul3A_930, %mul3A_934] : memref<1024x100000xf32, #tpu.memory_space<hbm>> -> memref<8x128xf32, #tpu.memory_space<hbm>>
    tpu.enqueue_dma source(%dma_start3A_945 : memref<8x128xf32, #tpu.memory_space<hbm>>) target(%dma_start3A_944 : memref<8x128xf32, #tpu.memory_space<vmem>>) target_semaphore(%arg8 : memref<!tpu.dma_semaphore, #tpu.memory_space<semaphore_mem>>)
    %add3A_946 = arith.constant 22 : i32
    %add3A_947 = arith.addi %mul3A_2, %add3A_946 : i32
    %jit3A_948 = arith.constant 8 : i32
    %div3A_949 = arith.divsi %add3A_947, %jit3A_948 : i32
    %sign3A_950 = arith.constant 0 : i32
    %sign3A_951 = arith.cmpi sgt, %add3A_947, %sign3A_950 : i32
    %sign3A_952 = arith.extui %sign3A_951 : i1 to i32
    %sign3A_953 = arith.constant 0 : i32
    %sign3A_954 = arith.cmpi slt, %add3A_947, %sign3A_953 : i32
    %sign3A_955 = arith.extui %sign3A_954 : i1 to i32
    %sign3A_956 = arith.subi %sign3A_952, %sign3A_955 : i32
    %sign3A_957 = arith.constant 0 : i32
    %sign3A_958 = arith.cmpi sgt, %jit3A_948, %sign3A_957 : i32
    %sign3A_959 = arith.extui %sign3A_958 : i1 to i32
    %sign3A_960 = arith.constant 0 : i32
    %sign3A_961 = arith.cmpi slt, %jit3A_948, %sign3A_960 : i32
    %sign3A_962 = arith.extui %sign3A_961 : i1 to i32
    %sign3A_963 = arith.subi %sign3A_959, %sign3A_962 : i32
    %ne3A_964 = arith.cmpi ne, %sign3A_956, %sign3A_963 : i32
    %rem3A_965 = arith.remsi %add3A_947, %jit3A_948 : i32
    %ne3A_966 = arith.constant 0 : i32
    %ne3A_967 = arith.cmpi ne, %rem3A_965, %ne3A_966 : i32
    %and3A_968 = arith.andi %ne3A_964, %ne3A_967 : i1
    %sub3A_969 = arith.constant 1 : i32
    %sub3A_970 = arith.subi %div3A_949, %sub3A_969 : i32
    %select_n3A_971 = arith.select %and3A_968, %sub3A_970, %div3A_949 : i32
    %mul3A_972 = arith.constant 8 : i32
    %mul3A_973 = arith.muli %select_n3A_971, %mul3A_972 : i32
    %slice3A_974 = vector.extract_strided_slice %shift_right_logical3A_687 {offsets = [6], sizes = [1], strides = [1]} : vector<16xi32> to vector<1xi32>
    %squeeze3A_975 = vector.extract %slice3A_974[0] : i32 from vector<1xi32>
    %mul3A_976 = arith.constant 128 : i32
    %mul3A_977 = arith.muli %squeeze3A_975, %mul3A_976 : i32
    %dma_start3A_978 = arith.constant 22 : i32
    %dma_start3A_979 = arith.constant 0 : i32
    %dma_start3A_980 = arith.constant 0 : i32
    %dma_start3A_981 = tpu.memref_slice %arg6[%dma_start3A_978, %dma_start3A_979, %dma_start3A_980] : memref<32x8x128xf32, #tpu.memory_space<vmem>> -> memref<1x8x128xf32, #tpu.memory_space<vmem>>
    %dma_start3A_982 = tpu.memref_squeeze %dma_start3A_981 : memref<1x8x128xf32, #tpu.memory_space<vmem>> -> memref<8x128xf32, #tpu.memory_space<vmem>>
    %dma_start3A_983 = tpu.memref_slice %arg2[%mul3A_973, %mul3A_977] : memref<1024x100000xf32, #tpu.memory_space<hbm>> -> memref<8x128xf32, #tpu.memory_space<hbm>>
    %dma_start3A_984 = arith.constant 0 : i32
    %dma_start3A_985 = arith.constant 0 : i32
    %dma_start3A_986 = tpu.memref_slice %arg6[%dma_start3A_978, %dma_start3A_984, %dma_start3A_985] : memref<32x8x128xf32, #tpu.memory_space<vmem>> -> memref<1x8x128xf32, #tpu.memory_space<vmem>>
    %dma_start3A_987 = tpu.memref_squeeze %dma_start3A_986 : memref<1x8x128xf32, #tpu.memory_space<vmem>> -> memref<8x128xf32, #tpu.memory_space<vmem>>
    %dma_start3A_988 = tpu.memref_slice %arg2[%mul3A_973, %mul3A_977] : memref<1024x100000xf32, #tpu.memory_space<hbm>> -> memref<8x128xf32, #tpu.memory_space<hbm>>
    tpu.enqueue_dma source(%dma_start3A_988 : memref<8x128xf32, #tpu.memory_space<hbm>>) target(%dma_start3A_987 : memref<8x128xf32, #tpu.memory_space<vmem>>) target_semaphore(%arg8 : memref<!tpu.dma_semaphore, #tpu.memory_space<semaphore_mem>>)
    %add3A_989 = arith.constant 23 : i32
    %add3A_990 = arith.addi %mul3A_2, %add3A_989 : i32
    %jit3A_991 = arith.constant 8 : i32
    %div3A_992 = arith.divsi %add3A_990, %jit3A_991 : i32
    %sign3A_993 = arith.constant 0 : i32
    %sign3A_994 = arith.cmpi sgt, %add3A_990, %sign3A_993 : i32
    %sign3A_995 = arith.extui %sign3A_994 : i1 to i32
    %sign3A_996 = arith.constant 0 : i32
    %sign3A_997 = arith.cmpi slt, %add3A_990, %sign3A_996 : i32
    %sign3A_998 = arith.extui %sign3A_997 : i1 to i32
    %sign3A_999 = arith.subi %sign3A_995, %sign3A_998 : i32
    %sign3A_1000 = arith.constant 0 : i32
    %sign3A_1001 = arith.cmpi sgt, %jit3A_991, %sign3A_1000 : i32
    %sign3A_1002 = arith.extui %sign3A_1001 : i1 to i32
    %sign3A_1003 = arith.constant 0 : i32
    %sign3A_1004 = arith.cmpi slt, %jit3A_991, %sign3A_1003 : i32
    %sign3A_1005 = arith.extui %sign3A_1004 : i1 to i32
    %sign3A_1006 = arith.subi %sign3A_1002, %sign3A_1005 : i32
    %ne3A_1007 = arith.cmpi ne, %sign3A_999, %sign3A_1006 : i32
    %rem3A_1008 = arith.remsi %add3A_990, %jit3A_991 : i32
    %ne3A_1009 = arith.constant 0 : i32
    %ne3A_1010 = arith.cmpi ne, %rem3A_1008, %ne3A_1009 : i32
    %and3A_1011 = arith.andi %ne3A_1007, %ne3A_1010 : i1
    %sub3A_1012 = arith.constant 1 : i32
    %sub3A_1013 = arith.subi %div3A_992, %sub3A_1012 : i32
    %select_n3A_1014 = arith.select %and3A_1011, %sub3A_1013, %div3A_992 : i32
    %mul3A_1015 = arith.constant 8 : i32
    %mul3A_1016 = arith.muli %select_n3A_1014, %mul3A_1015 : i32
    %slice3A_1017 = vector.extract_strided_slice %shift_right_logical3A_687 {offsets = [7], sizes = [1], strides = [1]} : vector<16xi32> to vector<1xi32>
    %squeeze3A_1018 = vector.extract %slice3A_1017[0] : i32 from vector<1xi32>
    %mul3A_1019 = arith.constant 128 : i32
    %mul3A_1020 = arith.muli %squeeze3A_1018, %mul3A_1019 : i32
    %dma_start3A_1021 = arith.constant 23 : i32
    %dma_start3A_1022 = arith.constant 0 : i32
    %dma_start3A_1023 = arith.constant 0 : i32
    %dma_start3A_1024 = tpu.memref_slice %arg6[%dma_start3A_1021, %dma_start3A_1022, %dma_start3A_1023] : memref<32x8x128xf32, #tpu.memory_space<vmem>> -> memref<1x8x128xf32, #tpu.memory_space<vmem>>
    %dma_start3A_1025 = tpu.memref_squeeze %dma_start3A_1024 : memref<1x8x128xf32, #tpu.memory_space<vmem>> -> memref<8x128xf32, #tpu.memory_space<vmem>>
    %dma_start3A_1026 = tpu.memref_slice %arg2[%mul3A_1016, %mul3A_1020] : memref<1024x100000xf32, #tpu.memory_space<hbm>> -> memref<8x128xf32, #tpu.memory_space<hbm>>
    %dma_start3A_1027 = arith.constant 0 : i32
    %dma_start3A_1028 = arith.constant 0 : i32
    %dma_start3A_1029 = tpu.memref_slice %arg6[%dma_start3A_1021, %dma_start3A_1027, %dma_start3A_1028] : memref<32x8x128xf32, #tpu.memory_space<vmem>> -> memref<1x8x128xf32, #tpu.memory_space<vmem>>
    %dma_start3A_1030 = tpu.memref_squeeze %dma_start3A_1029 : memref<1x8x128xf32, #tpu.memory_space<vmem>> -> memref<8x128xf32, #tpu.memory_space<vmem>>
    %dma_start3A_1031 = tpu.memref_slice %arg2[%mul3A_1016, %mul3A_1020] : memref<1024x100000xf32, #tpu.memory_space<hbm>> -> memref<8x128xf32, #tpu.memory_space<hbm>>
    tpu.enqueue_dma source(%dma_start3A_1031 : memref<8x128xf32, #tpu.memory_space<hbm>>) target(%dma_start3A_1030 : memref<8x128xf32, #tpu.memory_space<vmem>>) target_semaphore(%arg8 : memref<!tpu.dma_semaphore, #tpu.memory_space<semaphore_mem>>)
    %add3A_1032 = arith.constant 24 : i32
    %add3A_1033 = arith.addi %mul3A_2, %add3A_1032 : i32
    %jit3A_1034 = arith.constant 8 : i32
    %div3A_1035 = arith.divsi %add3A_1033, %jit3A_1034 : i32
    %sign3A_1036 = arith.constant 0 : i32
    %sign3A_1037 = arith.cmpi sgt, %add3A_1033, %sign3A_1036 : i32
    %sign3A_1038 = arith.extui %sign3A_1037 : i1 to i32
    %sign3A_1039 = arith.constant 0 : i32
    %sign3A_1040 = arith.cmpi slt, %add3A_1033, %sign3A_1039 : i32
    %sign3A_1041 = arith.extui %sign3A_1040 : i1 to i32
    %sign3A_1042 = arith.subi %sign3A_1038, %sign3A_1041 : i32
    %sign3A_1043 = arith.constant 0 : i32
    %sign3A_1044 = arith.cmpi sgt, %jit3A_1034, %sign3A_1043 : i32
    %sign3A_1045 = arith.extui %sign3A_1044 : i1 to i32
    %sign3A_1046 = arith.constant 0 : i32
    %sign3A_1047 = arith.cmpi slt, %jit3A_1034, %sign3A_1046 : i32
    %sign3A_1048 = arith.extui %sign3A_1047 : i1 to i32
    %sign3A_1049 = arith.subi %sign3A_1045, %sign3A_1048 : i32
    %ne3A_1050 = arith.cmpi ne, %sign3A_1042, %sign3A_1049 : i32
    %rem3A_1051 = arith.remsi %add3A_1033, %jit3A_1034 : i32
    %ne3A_1052 = arith.constant 0 : i32
    %ne3A_1053 = arith.cmpi ne, %rem3A_1051, %ne3A_1052 : i32
    %and3A_1054 = arith.andi %ne3A_1050, %ne3A_1053 : i1
    %sub3A_1055 = arith.constant 1 : i32
    %sub3A_1056 = arith.subi %div3A_1035, %sub3A_1055 : i32
    %select_n3A_1057 = arith.select %and3A_1054, %sub3A_1056, %div3A_1035 : i32
    %mul3A_1058 = arith.constant 8 : i32
    %mul3A_1059 = arith.muli %select_n3A_1057, %mul3A_1058 : i32
    %slice3A_1060 = vector.extract_strided_slice %shift_right_logical3A_687 {offsets = [8], sizes = [1], strides = [1]} : vector<16xi32> to vector<1xi32>
    %squeeze3A_1061 = vector.extract %slice3A_1060[0] : i32 from vector<1xi32>
    %mul3A_1062 = arith.constant 128 : i32
    %mul3A_1063 = arith.muli %squeeze3A_1061, %mul3A_1062 : i32
    %dma_start3A_1064 = arith.constant 24 : i32
    %dma_start3A_1065 = arith.constant 0 : i32
    %dma_start3A_1066 = arith.constant 0 : i32
    %dma_start3A_1067 = tpu.memref_slice %arg6[%dma_start3A_1064, %dma_start3A_1065, %dma_start3A_1066] : memref<32x8x128xf32, #tpu.memory_space<vmem>> -> memref<1x8x128xf32, #tpu.memory_space<vmem>>
    %dma_start3A_1068 = tpu.memref_squeeze %dma_start3A_1067 : memref<1x8x128xf32, #tpu.memory_space<vmem>> -> memref<8x128xf32, #tpu.memory_space<vmem>>
    %dma_start3A_1069 = tpu.memref_slice %arg2[%mul3A_1059, %mul3A_1063] : memref<1024x100000xf32, #tpu.memory_space<hbm>> -> memref<8x128xf32, #tpu.memory_space<hbm>>
    %dma_start3A_1070 = arith.constant 0 : i32
    %dma_start3A_1071 = arith.constant 0 : i32
    %dma_start3A_1072 = tpu.memref_slice %arg6[%dma_start3A_1064, %dma_start3A_1070, %dma_start3A_1071] : memref<32x8x128xf32, #tpu.memory_space<vmem>> -> memref<1x8x128xf32, #tpu.memory_space<vmem>>
    %dma_start3A_1073 = tpu.memref_squeeze %dma_start3A_1072 : memref<1x8x128xf32, #tpu.memory_space<vmem>> -> memref<8x128xf32, #tpu.memory_space<vmem>>
    %dma_start3A_1074 = tpu.memref_slice %arg2[%mul3A_1059, %mul3A_1063] : memref<1024x100000xf32, #tpu.memory_space<hbm>> -> memref<8x128xf32, #tpu.memory_space<hbm>>
    tpu.enqueue_dma source(%dma_start3A_1074 : memref<8x128xf32, #tpu.memory_space<hbm>>) target(%dma_start3A_1073 : memref<8x128xf32, #tpu.memory_space<vmem>>) target_semaphore(%arg8 : memref<!tpu.dma_semaphore, #tpu.memory_space<semaphore_mem>>)
    %add3A_1075 = arith.constant 25 : i32
    %add3A_1076 = arith.addi %mul3A_2, %add3A_1075 : i32
    %jit3A_1077 = arith.constant 8 : i32
    %div3A_1078 = arith.divsi %add3A_1076, %jit3A_1077 : i32
    %sign3A_1079 = arith.constant 0 : i32
    %sign3A_1080 = arith.cmpi sgt, %add3A_1076, %sign3A_1079 : i32
    %sign3A_1081 = arith.extui %sign3A_1080 : i1 to i32
    %sign3A_1082 = arith.constant 0 : i32
    %sign3A_1083 = arith.cmpi slt, %add3A_1076, %sign3A_1082 : i32
    %sign3A_1084 = arith.extui %sign3A_1083 : i1 to i32
    %sign3A_1085 = arith.subi %sign3A_1081, %sign3A_1084 : i32
    %sign3A_1086 = arith.constant 0 : i32
    %sign3A_1087 = arith.cmpi sgt, %jit3A_1077, %sign3A_1086 : i32
    %sign3A_1088 = arith.extui %sign3A_1087 : i1 to i32
    %sign3A_1089 = arith.constant 0 : i32
    %sign3A_1090 = arith.cmpi slt, %jit3A_1077, %sign3A_1089 : i32
    %sign3A_1091 = arith.extui %sign3A_1090 : i1 to i32
    %sign3A_1092 = arith.subi %sign3A_1088, %sign3A_1091 : i32
    %ne3A_1093 = arith.cmpi ne, %sign3A_1085, %sign3A_1092 : i32
    %rem3A_1094 = arith.remsi %add3A_1076, %jit3A_1077 : i32
    %ne3A_1095 = arith.constant 0 : i32
    %ne3A_1096 = arith.cmpi ne, %rem3A_1094, %ne3A_1095 : i32
    %and3A_1097 = arith.andi %ne3A_1093, %ne3A_1096 : i1
    %sub3A_1098 = arith.constant 1 : i32
    %sub3A_1099 = arith.subi %div3A_1078, %sub3A_1098 : i32
    %select_n3A_1100 = arith.select %and3A_1097, %sub3A_1099, %div3A_1078 : i32
    %mul3A_1101 = arith.constant 8 : i32
    %mul3A_1102 = arith.muli %select_n3A_1100, %mul3A_1101 : i32
    %slice3A_1103 = vector.extract_strided_slice %shift_right_logical3A_687 {offsets = [9], sizes = [1], strides = [1]} : vector<16xi32> to vector<1xi32>
    %squeeze3A_1104 = vector.extract %slice3A_1103[0] : i32 from vector<1xi32>
    %mul3A_1105 = arith.constant 128 : i32
    %mul3A_1106 = arith.muli %squeeze3A_1104, %mul3A_1105 : i32
    %dma_start3A_1107 = arith.constant 25 : i32
    %dma_start3A_1108 = arith.constant 0 : i32
    %dma_start3A_1109 = arith.constant 0 : i32
    %dma_start3A_1110 = tpu.memref_slice %arg6[%dma_start3A_1107, %dma_start3A_1108, %dma_start3A_1109] : memref<32x8x128xf32, #tpu.memory_space<vmem>> -> memref<1x8x128xf32, #tpu.memory_space<vmem>>
    %dma_start3A_1111 = tpu.memref_squeeze %dma_start3A_1110 : memref<1x8x128xf32, #tpu.memory_space<vmem>> -> memref<8x128xf32, #tpu.memory_space<vmem>>
    %dma_start3A_1112 = tpu.memref_slice %arg2[%mul3A_1102, %mul3A_1106] : memref<1024x100000xf32, #tpu.memory_space<hbm>> -> memref<8x128xf32, #tpu.memory_space<hbm>>
    %dma_start3A_1113 = arith.constant 0 : i32
    %dma_start3A_1114 = arith.constant 0 : i32
    %dma_start3A_1115 = tpu.memref_slice %arg6[%dma_start3A_1107, %dma_start3A_1113, %dma_start3A_1114] : memref<32x8x128xf32, #tpu.memory_space<vmem>> -> memref<1x8x128xf32, #tpu.memory_space<vmem>>
    %dma_start3A_1116 = tpu.memref_squeeze %dma_start3A_1115 : memref<1x8x128xf32, #tpu.memory_space<vmem>> -> memref<8x128xf32, #tpu.memory_space<vmem>>
    %dma_start3A_1117 = tpu.memref_slice %arg2[%mul3A_1102, %mul3A_1106] : memref<1024x100000xf32, #tpu.memory_space<hbm>> -> memref<8x128xf32, #tpu.memory_space<hbm>>
    tpu.enqueue_dma source(%dma_start3A_1117 : memref<8x128xf32, #tpu.memory_space<hbm>>) target(%dma_start3A_1116 : memref<8x128xf32, #tpu.memory_space<vmem>>) target_semaphore(%arg8 : memref<!tpu.dma_semaphore, #tpu.memory_space<semaphore_mem>>)
    %add3A_1118 = arith.constant 26 : i32
    %add3A_1119 = arith.addi %mul3A_2, %add3A_1118 : i32
    %jit3A_1120 = arith.constant 8 : i32
    %div3A_1121 = arith.divsi %add3A_1119, %jit3A_1120 : i32
    %sign3A_1122 = arith.constant 0 : i32
    %sign3A_1123 = arith.cmpi sgt, %add3A_1119, %sign3A_1122 : i32
    %sign3A_1124 = arith.extui %sign3A_1123 : i1 to i32
    %sign3A_1125 = arith.constant 0 : i32
    %sign3A_1126 = arith.cmpi slt, %add3A_1119, %sign3A_1125 : i32
    %sign3A_1127 = arith.extui %sign3A_1126 : i1 to i32
    %sign3A_1128 = arith.subi %sign3A_1124, %sign3A_1127 : i32
    %sign3A_1129 = arith.constant 0 : i32
    %sign3A_1130 = arith.cmpi sgt, %jit3A_1120, %sign3A_1129 : i32
    %sign3A_1131 = arith.extui %sign3A_1130 : i1 to i32
    %sign3A_1132 = arith.constant 0 : i32
    %sign3A_1133 = arith.cmpi slt, %jit3A_1120, %sign3A_1132 : i32
    %sign3A_1134 = arith.extui %sign3A_1133 : i1 to i32
    %sign3A_1135 = arith.subi %sign3A_1131, %sign3A_1134 : i32
    %ne3A_1136 = arith.cmpi ne, %sign3A_1128, %sign3A_1135 : i32
    %rem3A_1137 = arith.remsi %add3A_1119, %jit3A_1120 : i32
    %ne3A_1138 = arith.constant 0 : i32
    %ne3A_1139 = arith.cmpi ne, %rem3A_1137, %ne3A_1138 : i32
    %and3A_1140 = arith.andi %ne3A_1136, %ne3A_1139 : i1
    %sub3A_1141 = arith.constant 1 : i32
    %sub3A_1142 = arith.subi %div3A_1121, %sub3A_1141 : i32
    %select_n3A_1143 = arith.select %and3A_1140, %sub3A_1142, %div3A_1121 : i32
    %mul3A_1144 = arith.constant 8 : i32
    %mul3A_1145 = arith.muli %select_n3A_1143, %mul3A_1144 : i32
    %slice3A_1146 = vector.extract_strided_slice %shift_right_logical3A_687 {offsets = [10], sizes = [1], strides = [1]} : vector<16xi32> to vector<1xi32>
    %squeeze3A_1147 = vector.extract %slice3A_1146[0] : i32 from vector<1xi32>
    %mul3A_1148 = arith.constant 128 : i32
    %mul3A_1149 = arith.muli %squeeze3A_1147, %mul3A_1148 : i32
    %dma_start3A_1150 = arith.constant 26 : i32
    %dma_start3A_1151 = arith.constant 0 : i32
    %dma_start3A_1152 = arith.constant 0 : i32
    %dma_start3A_1153 = tpu.memref_slice %arg6[%dma_start3A_1150, %dma_start3A_1151, %dma_start3A_1152] : memref<32x8x128xf32, #tpu.memory_space<vmem>> -> memref<1x8x128xf32, #tpu.memory_space<vmem>>
    %dma_start3A_1154 = tpu.memref_squeeze %dma_start3A_1153 : memref<1x8x128xf32, #tpu.memory_space<vmem>> -> memref<8x128xf32, #tpu.memory_space<vmem>>
    %dma_start3A_1155 = tpu.memref_slice %arg2[%mul3A_1145, %mul3A_1149] : memref<1024x100000xf32, #tpu.memory_space<hbm>> -> memref<8x128xf32, #tpu.memory_space<hbm>>
    %dma_start3A_1156 = arith.constant 0 : i32
    %dma_start3A_1157 = arith.constant 0 : i32
    %dma_start3A_1158 = tpu.memref_slice %arg6[%dma_start3A_1150, %dma_start3A_1156, %dma_start3A_1157] : memref<32x8x128xf32, #tpu.memory_space<vmem>> -> memref<1x8x128xf32, #tpu.memory_space<vmem>>
    %dma_start3A_1159 = tpu.memref_squeeze %dma_start3A_1158 : memref<1x8x128xf32, #tpu.memory_space<vmem>> -> memref<8x128xf32, #tpu.memory_space<vmem>>
    %dma_start3A_1160 = tpu.memref_slice %arg2[%mul3A_1145, %mul3A_1149] : memref<1024x100000xf32, #tpu.memory_space<hbm>> -> memref<8x128xf32, #tpu.memory_space<hbm>>
    tpu.enqueue_dma source(%dma_start3A_1160 : memref<8x128xf32, #tpu.memory_space<hbm>>) target(%dma_start3A_1159 : memref<8x128xf32, #tpu.memory_space<vmem>>) target_semaphore(%arg8 : memref<!tpu.dma_semaphore, #tpu.memory_space<semaphore_mem>>)
    %add3A_1161 = arith.constant 27 : i32
    %add3A_1162 = arith.addi %mul3A_2, %add3A_1161 : i32
    %jit3A_1163 = arith.constant 8 : i32
    %div3A_1164 = arith.divsi %add3A_1162, %jit3A_1163 : i32
    %sign3A_1165 = arith.constant 0 : i32
    %sign3A_1166 = arith.cmpi sgt, %add3A_1162, %sign3A_1165 : i32
    %sign3A_1167 = arith.extui %sign3A_1166 : i1 to i32
    %sign3A_1168 = arith.constant 0 : i32
    %sign3A_1169 = arith.cmpi slt, %add3A_1162, %sign3A_1168 : i32
    %sign3A_1170 = arith.extui %sign3A_1169 : i1 to i32
    %sign3A_1171 = arith.subi %sign3A_1167, %sign3A_1170 : i32
    %sign3A_1172 = arith.constant 0 : i32
    %sign3A_1173 = arith.cmpi sgt, %jit3A_1163, %sign3A_1172 : i32
    %sign3A_1174 = arith.extui %sign3A_1173 : i1 to i32
    %sign3A_1175 = arith.constant 0 : i32
    %sign3A_1176 = arith.cmpi slt, %jit3A_1163, %sign3A_1175 : i32
    %sign3A_1177 = arith.extui %sign3A_1176 : i1 to i32
    %sign3A_1178 = arith.subi %sign3A_1174, %sign3A_1177 : i32
    %ne3A_1179 = arith.cmpi ne, %sign3A_1171, %sign3A_1178 : i32
    %rem3A_1180 = arith.remsi %add3A_1162, %jit3A_1163 : i32
    %ne3A_1181 = arith.constant 0 : i32
    %ne3A_1182 = arith.cmpi ne, %rem3A_1180, %ne3A_1181 : i32
    %and3A_1183 = arith.andi %ne3A_1179, %ne3A_1182 : i1
    %sub3A_1184 = arith.constant 1 : i32
    %sub3A_1185 = arith.subi %div3A_1164, %sub3A_1184 : i32
    %select_n3A_1186 = arith.select %and3A_1183, %sub3A_1185, %div3A_1164 : i32
    %mul3A_1187 = arith.constant 8 : i32
    %mul3A_1188 = arith.muli %select_n3A_1186, %mul3A_1187 : i32
    %slice3A_1189 = vector.extract_strided_slice %shift_right_logical3A_687 {offsets = [11], sizes = [1], strides = [1]} : vector<16xi32> to vector<1xi32>
    %squeeze3A_1190 = vector.extract %slice3A_1189[0] : i32 from vector<1xi32>
    %mul3A_1191 = arith.constant 128 : i32
    %mul3A_1192 = arith.muli %squeeze3A_1190, %mul3A_1191 : i32
    %dma_start3A_1193 = arith.constant 27 : i32
    %dma_start3A_1194 = arith.constant 0 : i32
    %dma_start3A_1195 = arith.constant 0 : i32
    %dma_start3A_1196 = tpu.memref_slice %arg6[%dma_start3A_1193, %dma_start3A_1194, %dma_start3A_1195] : memref<32x8x128xf32, #tpu.memory_space<vmem>> -> memref<1x8x128xf32, #tpu.memory_space<vmem>>
    %dma_start3A_1197 = tpu.memref_squeeze %dma_start3A_1196 : memref<1x8x128xf32, #tpu.memory_space<vmem>> -> memref<8x128xf32, #tpu.memory_space<vmem>>
    %dma_start3A_1198 = tpu.memref_slice %arg2[%mul3A_1188, %mul3A_1192] : memref<1024x100000xf32, #tpu.memory_space<hbm>> -> memref<8x128xf32, #tpu.memory_space<hbm>>
    %dma_start3A_1199 = arith.constant 0 : i32
    %dma_start3A_1200 = arith.constant 0 : i32
    %dma_start3A_1201 = tpu.memref_slice %arg6[%dma_start3A_1193, %dma_start3A_1199, %dma_start3A_1200] : memref<32x8x128xf32, #tpu.memory_space<vmem>> -> memref<1x8x128xf32, #tpu.memory_space<vmem>>
    %dma_start3A_1202 = tpu.memref_squeeze %dma_start3A_1201 : memref<1x8x128xf32, #tpu.memory_space<vmem>> -> memref<8x128xf32, #tpu.memory_space<vmem>>
    %dma_start3A_1203 = tpu.memref_slice %arg2[%mul3A_1188, %mul3A_1192] : memref<1024x100000xf32, #tpu.memory_space<hbm>> -> memref<8x128xf32, #tpu.memory_space<hbm>>
    tpu.enqueue_dma source(%dma_start3A_1203 : memref<8x128xf32, #tpu.memory_space<hbm>>) target(%dma_start3A_1202 : memref<8x128xf32, #tpu.memory_space<vmem>>) target_semaphore(%arg8 : memref<!tpu.dma_semaphore, #tpu.memory_space<semaphore_mem>>)
    %add3A_1204 = arith.constant 28 : i32
    %add3A_1205 = arith.addi %mul3A_2, %add3A_1204 : i32
    %jit3A_1206 = arith.constant 8 : i32
    %div3A_1207 = arith.divsi %add3A_1205, %jit3A_1206 : i32
    %sign3A_1208 = arith.constant 0 : i32
    %sign3A_1209 = arith.cmpi sgt, %add3A_1205, %sign3A_1208 : i32
    %sign3A_1210 = arith.extui %sign3A_1209 : i1 to i32
    %sign3A_1211 = arith.constant 0 : i32
    %sign3A_1212 = arith.cmpi slt, %add3A_1205, %sign3A_1211 : i32
    %sign3A_1213 = arith.extui %sign3A_1212 : i1 to i32
    %sign3A_1214 = arith.subi %sign3A_1210, %sign3A_1213 : i32
    %sign3A_1215 = arith.constant 0 : i32
    %sign3A_1216 = arith.cmpi sgt, %jit3A_1206, %sign3A_1215 : i32
    %sign3A_1217 = arith.extui %sign3A_1216 : i1 to i32
    %sign3A_1218 = arith.constant 0 : i32
    %sign3A_1219 = arith.cmpi slt, %jit3A_1206, %sign3A_1218 : i32
    %sign3A_1220 = arith.extui %sign3A_1219 : i1 to i32
    %sign3A_1221 = arith.subi %sign3A_1217, %sign3A_1220 : i32
    %ne3A_1222 = arith.cmpi ne, %sign3A_1214, %sign3A_1221 : i32
    %rem3A_1223 = arith.remsi %add3A_1205, %jit3A_1206 : i32
    %ne3A_1224 = arith.constant 0 : i32
    %ne3A_1225 = arith.cmpi ne, %rem3A_1223, %ne3A_1224 : i32
    %and3A_1226 = arith.andi %ne3A_1222, %ne3A_1225 : i1
    %sub3A_1227 = arith.constant 1 : i32
    %sub3A_1228 = arith.subi %div3A_1207, %sub3A_1227 : i32
    %select_n3A_1229 = arith.select %and3A_1226, %sub3A_1228, %div3A_1207 : i32
    %mul3A_1230 = arith.constant 8 : i32
    %mul3A_1231 = arith.muli %select_n3A_1229, %mul3A_1230 : i32
    %slice3A_1232 = vector.extract_strided_slice %shift_right_logical3A_687 {offsets = [12], sizes = [1], strides = [1]} : vector<16xi32> to vector<1xi32>
    %squeeze3A_1233 = vector.extract %slice3A_1232[0] : i32 from vector<1xi32>
    %mul3A_1234 = arith.constant 128 : i32
    %mul3A_1235 = arith.muli %squeeze3A_1233, %mul3A_1234 : i32
    %dma_start3A_1236 = arith.constant 28 : i32
    %dma_start3A_1237 = arith.constant 0 : i32
    %dma_start3A_1238 = arith.constant 0 : i32
    %dma_start3A_1239 = tpu.memref_slice %arg6[%dma_start3A_1236, %dma_start3A_1237, %dma_start3A_1238] : memref<32x8x128xf32, #tpu.memory_space<vmem>> -> memref<1x8x128xf32, #tpu.memory_space<vmem>>
    %dma_start3A_1240 = tpu.memref_squeeze %dma_start3A_1239 : memref<1x8x128xf32, #tpu.memory_space<vmem>> -> memref<8x128xf32, #tpu.memory_space<vmem>>
    %dma_start3A_1241 = tpu.memref_slice %arg2[%mul3A_1231, %mul3A_1235] : memref<1024x100000xf32, #tpu.memory_space<hbm>> -> memref<8x128xf32, #tpu.memory_space<hbm>>
    %dma_start3A_1242 = arith.constant 0 : i32
    %dma_start3A_1243 = arith.constant 0 : i32
    %dma_start3A_1244 = tpu.memref_slice %arg6[%dma_start3A_1236, %dma_start3A_1242, %dma_start3A_1243] : memref<32x8x128xf32, #tpu.memory_space<vmem>> -> memref<1x8x128xf32, #tpu.memory_space<vmem>>
    %dma_start3A_1245 = tpu.memref_squeeze %dma_start3A_1244 : memref<1x8x128xf32, #tpu.memory_space<vmem>> -> memref<8x128xf32, #tpu.memory_space<vmem>>
    %dma_start3A_1246 = tpu.memref_slice %arg2[%mul3A_1231, %mul3A_1235] : memref<1024x100000xf32, #tpu.memory_space<hbm>> -> memref<8x128xf32, #tpu.memory_space<hbm>>
    tpu.enqueue_dma source(%dma_start3A_1246 : memref<8x128xf32, #tpu.memory_space<hbm>>) target(%dma_start3A_1245 : memref<8x128xf32, #tpu.memory_space<vmem>>) target_semaphore(%arg8 : memref<!tpu.dma_semaphore, #tpu.memory_space<semaphore_mem>>)
    %add3A_1247 = arith.constant 29 : i32
    %add3A_1248 = arith.addi %mul3A_2, %add3A_1247 : i32
    %jit3A_1249 = arith.constant 8 : i32
    %div3A_1250 = arith.divsi %add3A_1248, %jit3A_1249 : i32
    %sign3A_1251 = arith.constant 0 : i32
    %sign3A_1252 = arith.cmpi sgt, %add3A_1248, %sign3A_1251 : i32
    %sign3A_1253 = arith.extui %sign3A_1252 : i1 to i32
    %sign3A_1254 = arith.constant 0 : i32
    %sign3A_1255 = arith.cmpi slt, %add3A_1248, %sign3A_1254 : i32
    %sign3A_1256 = arith.extui %sign3A_1255 : i1 to i32
    %sign3A_1257 = arith.subi %sign3A_1253, %sign3A_1256 : i32
    %sign3A_1258 = arith.constant 0 : i32
    %sign3A_1259 = arith.cmpi sgt, %jit3A_1249, %sign3A_1258 : i32
    %sign3A_1260 = arith.extui %sign3A_1259 : i1 to i32
    %sign3A_1261 = arith.constant 0 : i32
    %sign3A_1262 = arith.cmpi slt, %jit3A_1249, %sign3A_1261 : i32
    %sign3A_1263 = arith.extui %sign3A_1262 : i1 to i32
    %sign3A_1264 = arith.subi %sign3A_1260, %sign3A_1263 : i32
    %ne3A_1265 = arith.cmpi ne, %sign3A_1257, %sign3A_1264 : i32
    %rem3A_1266 = arith.remsi %add3A_1248, %jit3A_1249 : i32
    %ne3A_1267 = arith.constant 0 : i32
    %ne3A_1268 = arith.cmpi ne, %rem3A_1266, %ne3A_1267 : i32
    %and3A_1269 = arith.andi %ne3A_1265, %ne3A_1268 : i1
    %sub3A_1270 = arith.constant 1 : i32
    %sub3A_1271 = arith.subi %div3A_1250, %sub3A_1270 : i32
    %select_n3A_1272 = arith.select %and3A_1269, %sub3A_1271, %div3A_1250 : i32
    %mul3A_1273 = arith.constant 8 : i32
    %mul3A_1274 = arith.muli %select_n3A_1272, %mul3A_1273 : i32
    %slice3A_1275 = vector.extract_strided_slice %shift_right_logical3A_687 {offsets = [13], sizes = [1], strides = [1]} : vector<16xi32> to vector<1xi32>
    %squeeze3A_1276 = vector.extract %slice3A_1275[0] : i32 from vector<1xi32>
    %mul3A_1277 = arith.constant 128 : i32
    %mul3A_1278 = arith.muli %squeeze3A_1276, %mul3A_1277 : i32
    %dma_start3A_1279 = arith.constant 29 : i32
    %dma_start3A_1280 = arith.constant 0 : i32
    %dma_start3A_1281 = arith.constant 0 : i32
    %dma_start3A_1282 = tpu.memref_slice %arg6[%dma_start3A_1279, %dma_start3A_1280, %dma_start3A_1281] : memref<32x8x128xf32, #tpu.memory_space<vmem>> -> memref<1x8x128xf32, #tpu.memory_space<vmem>>
    %dma_start3A_1283 = tpu.memref_squeeze %dma_start3A_1282 : memref<1x8x128xf32, #tpu.memory_space<vmem>> -> memref<8x128xf32, #tpu.memory_space<vmem>>
    %dma_start3A_1284 = tpu.memref_slice %arg2[%mul3A_1274, %mul3A_1278] : memref<1024x100000xf32, #tpu.memory_space<hbm>> -> memref<8x128xf32, #tpu.memory_space<hbm>>
    %dma_start3A_1285 = arith.constant 0 : i32
    %dma_start3A_1286 = arith.constant 0 : i32
    %dma_start3A_1287 = tpu.memref_slice %arg6[%dma_start3A_1279, %dma_start3A_1285, %dma_start3A_1286] : memref<32x8x128xf32, #tpu.memory_space<vmem>> -> memref<1x8x128xf32, #tpu.memory_space<vmem>>
    %dma_start3A_1288 = tpu.memref_squeeze %dma_start3A_1287 : memref<1x8x128xf32, #tpu.memory_space<vmem>> -> memref<8x128xf32, #tpu.memory_space<vmem>>
    %dma_start3A_1289 = tpu.memref_slice %arg2[%mul3A_1274, %mul3A_1278] : memref<1024x100000xf32, #tpu.memory_space<hbm>> -> memref<8x128xf32, #tpu.memory_space<hbm>>
    tpu.enqueue_dma source(%dma_start3A_1289 : memref<8x128xf32, #tpu.memory_space<hbm>>) target(%dma_start3A_1288 : memref<8x128xf32, #tpu.memory_space<vmem>>) target_semaphore(%arg8 : memref<!tpu.dma_semaphore, #tpu.memory_space<semaphore_mem>>)
    %add3A_1290 = arith.constant 30 : i32
    %add3A_1291 = arith.addi %mul3A_2, %add3A_1290 : i32
    %jit3A_1292 = arith.constant 8 : i32
    %div3A_1293 = arith.divsi %add3A_1291, %jit3A_1292 : i32
    %sign3A_1294 = arith.constant 0 : i32
    %sign3A_1295 = arith.cmpi sgt, %add3A_1291, %sign3A_1294 : i32
    %sign3A_1296 = arith.extui %sign3A_1295 : i1 to i32
    %sign3A_1297 = arith.constant 0 : i32
    %sign3A_1298 = arith.cmpi slt, %add3A_1291, %sign3A_1297 : i32
    %sign3A_1299 = arith.extui %sign3A_1298 : i1 to i32
    %sign3A_1300 = arith.subi %sign3A_1296, %sign3A_1299 : i32
    %sign3A_1301 = arith.constant 0 : i32
    %sign3A_1302 = arith.cmpi sgt, %jit3A_1292, %sign3A_1301 : i32
    %sign3A_1303 = arith.extui %sign3A_1302 : i1 to i32
    %sign3A_1304 = arith.constant 0 : i32
    %sign3A_1305 = arith.cmpi slt, %jit3A_1292, %sign3A_1304 : i32
    %sign3A_1306 = arith.extui %sign3A_1305 : i1 to i32
    %sign3A_1307 = arith.subi %sign3A_1303, %sign3A_1306 : i32
    %ne3A_1308 = arith.cmpi ne, %sign3A_1300, %sign3A_1307 : i32
    %rem3A_1309 = arith.remsi %add3A_1291, %jit3A_1292 : i32
    %ne3A_1310 = arith.constant 0 : i32
    %ne3A_1311 = arith.cmpi ne, %rem3A_1309, %ne3A_1310 : i32
    %and3A_1312 = arith.andi %ne3A_1308, %ne3A_1311 : i1
    %sub3A_1313 = arith.constant 1 : i32
    %sub3A_1314 = arith.subi %div3A_1293, %sub3A_1313 : i32
    %select_n3A_1315 = arith.select %and3A_1312, %sub3A_1314, %div3A_1293 : i32
    %mul3A_1316 = arith.constant 8 : i32
    %mul3A_1317 = arith.muli %select_n3A_1315, %mul3A_1316 : i32
    %slice3A_1318 = vector.extract_strided_slice %shift_right_logical3A_687 {offsets = [14], sizes = [1], strides = [1]} : vector<16xi32> to vector<1xi32>
    %squeeze3A_1319 = vector.extract %slice3A_1318[0] : i32 from vector<1xi32>
    %mul3A_1320 = arith.constant 128 : i32
    %mul3A_1321 = arith.muli %squeeze3A_1319, %mul3A_1320 : i32
    %dma_start3A_1322 = arith.constant 30 : i32
    %dma_start3A_1323 = arith.constant 0 : i32
    %dma_start3A_1324 = arith.constant 0 : i32
    %dma_start3A_1325 = tpu.memref_slice %arg6[%dma_start3A_1322, %dma_start3A_1323, %dma_start3A_1324] : memref<32x8x128xf32, #tpu.memory_space<vmem>> -> memref<1x8x128xf32, #tpu.memory_space<vmem>>
    %dma_start3A_1326 = tpu.memref_squeeze %dma_start3A_1325 : memref<1x8x128xf32, #tpu.memory_space<vmem>> -> memref<8x128xf32, #tpu.memory_space<vmem>>
    %dma_start3A_1327 = tpu.memref_slice %arg2[%mul3A_1317, %mul3A_1321] : memref<1024x100000xf32, #tpu.memory_space<hbm>> -> memref<8x128xf32, #tpu.memory_space<hbm>>
    %dma_start3A_1328 = arith.constant 0 : i32
    %dma_start3A_1329 = arith.constant 0 : i32
    %dma_start3A_1330 = tpu.memref_slice %arg6[%dma_start3A_1322, %dma_start3A_1328, %dma_start3A_1329] : memref<32x8x128xf32, #tpu.memory_space<vmem>> -> memref<1x8x128xf32, #tpu.memory_space<vmem>>
    %dma_start3A_1331 = tpu.memref_squeeze %dma_start3A_1330 : memref<1x8x128xf32, #tpu.memory_space<vmem>> -> memref<8x128xf32, #tpu.memory_space<vmem>>
    %dma_start3A_1332 = tpu.memref_slice %arg2[%mul3A_1317, %mul3A_1321] : memref<1024x100000xf32, #tpu.memory_space<hbm>> -> memref<8x128xf32, #tpu.memory_space<hbm>>
    tpu.enqueue_dma source(%dma_start3A_1332 : memref<8x128xf32, #tpu.memory_space<hbm>>) target(%dma_start3A_1331 : memref<8x128xf32, #tpu.memory_space<vmem>>) target_semaphore(%arg8 : memref<!tpu.dma_semaphore, #tpu.memory_space<semaphore_mem>>)
    %add3A_1333 = arith.constant 31 : i32
    %add3A_1334 = arith.addi %mul3A_2, %add3A_1333 : i32
    %jit3A_1335 = arith.constant 8 : i32
    %div3A_1336 = arith.divsi %add3A_1334, %jit3A_1335 : i32
    %sign3A_1337 = arith.constant 0 : i32
    %sign3A_1338 = arith.cmpi sgt, %add3A_1334, %sign3A_1337 : i32
    %sign3A_1339 = arith.extui %sign3A_1338 : i1 to i32
    %sign3A_1340 = arith.constant 0 : i32
    %sign3A_1341 = arith.cmpi slt, %add3A_1334, %sign3A_1340 : i32
    %sign3A_1342 = arith.extui %sign3A_1341 : i1 to i32
    %sign3A_1343 = arith.subi %sign3A_1339, %sign3A_1342 : i32
    %sign3A_1344 = arith.constant 0 : i32
    %sign3A_1345 = arith.cmpi sgt, %jit3A_1335, %sign3A_1344 : i32
    %sign3A_1346 = arith.extui %sign3A_1345 : i1 to i32
    %sign3A_1347 = arith.constant 0 : i32
    %sign3A_1348 = arith.cmpi slt, %jit3A_1335, %sign3A_1347 : i32
    %sign3A_1349 = arith.extui %sign3A_1348 : i1 to i32
    %sign3A_1350 = arith.subi %sign3A_1346, %sign3A_1349 : i32
    %ne3A_1351 = arith.cmpi ne, %sign3A_1343, %sign3A_1350 : i32
    %rem3A_1352 = arith.remsi %add3A_1334, %jit3A_1335 : i32
    %ne3A_1353 = arith.constant 0 : i32
    %ne3A_1354 = arith.cmpi ne, %rem3A_1352, %ne3A_1353 : i32
    %and3A_1355 = arith.andi %ne3A_1351, %ne3A_1354 : i1
    %sub3A_1356 = arith.constant 1 : i32
    %sub3A_1357 = arith.subi %div3A_1336, %sub3A_1356 : i32
    %select_n3A_1358 = arith.select %and3A_1355, %sub3A_1357, %div3A_1336 : i32
    %mul3A_1359 = arith.constant 8 : i32
    %mul3A_1360 = arith.muli %select_n3A_1358, %mul3A_1359 : i32
    %slice3A_1361 = vector.extract_strided_slice %shift_right_logical3A_687 {offsets = [15], sizes = [1], strides = [1]} : vector<16xi32> to vector<1xi32>
    %squeeze3A_1362 = vector.extract %slice3A_1361[0] : i32 from vector<1xi32>
    %mul3A_1363 = arith.constant 128 : i32
    %mul3A_1364 = arith.muli %squeeze3A_1362, %mul3A_1363 : i32
    %dma_start3A_1365 = arith.constant 31 : i32
    %dma_start3A_1366 = arith.constant 0 : i32
    %dma_start3A_1367 = arith.constant 0 : i32
    %dma_start3A_1368 = tpu.memref_slice %arg6[%dma_start3A_1365, %dma_start3A_1366, %dma_start3A_1367] : memref<32x8x128xf32, #tpu.memory_space<vmem>> -> memref<1x8x128xf32, #tpu.memory_space<vmem>>
    %dma_start3A_1369 = tpu.memref_squeeze %dma_start3A_1368 : memref<1x8x128xf32, #tpu.memory_space<vmem>> -> memref<8x128xf32, #tpu.memory_space<vmem>>
    %dma_start3A_1370 = tpu.memref_slice %arg2[%mul3A_1360, %mul3A_1364] : memref<1024x100000xf32, #tpu.memory_space<hbm>> -> memref<8x128xf32, #tpu.memory_space<hbm>>
    %dma_start3A_1371 = arith.constant 0 : i32
    %dma_start3A_1372 = arith.constant 0 : i32
    %dma_start3A_1373 = tpu.memref_slice %arg6[%dma_start3A_1365, %dma_start3A_1371, %dma_start3A_1372] : memref<32x8x128xf32, #tpu.memory_space<vmem>> -> memref<1x8x128xf32, #tpu.memory_space<vmem>>
    %dma_start3A_1374 = tpu.memref_squeeze %dma_start3A_1373 : memref<1x8x128xf32, #tpu.memory_space<vmem>> -> memref<8x128xf32, #tpu.memory_space<vmem>>
    %dma_start3A_1375 = tpu.memref_slice %arg2[%mul3A_1360, %mul3A_1364] : memref<1024x100000xf32, #tpu.memory_space<hbm>> -> memref<8x128xf32, #tpu.memory_space<hbm>>
    tpu.enqueue_dma source(%dma_start3A_1375 : memref<8x128xf32, #tpu.memory_space<hbm>>) target(%dma_start3A_1374 : memref<8x128xf32, #tpu.memory_space<vmem>>) target_semaphore(%arg8 : memref<!tpu.dma_semaphore, #tpu.memory_space<semaphore_mem>>)
    %dma_wait3A = arith.constant 0 : i32
    %dma_wait3A_1376 = arith.constant 0 : i32
    %dma_wait3A_1377 = arith.constant 0 : i32
    %dma_wait3A_1378 = tpu.memref_slice %arg6[%dma_wait3A, %dma_wait3A_1376, %dma_wait3A_1377] : memref<32x8x128xf32, #tpu.memory_space<vmem>> -> memref<1x8x128xf32, #tpu.memory_space<vmem>>
    %dma_wait3A_1379 = tpu.memref_squeeze %dma_wait3A_1378 : memref<1x8x128xf32, #tpu.memory_space<vmem>> -> memref<8x128xf32, #tpu.memory_space<vmem>>
    %dma_wait3A_1380 = tpu.memref_slice %arg2[%mul3A_25, %mul3A_27] : memref<1024x100000xf32, #tpu.memory_space<hbm>> -> memref<8x128xf32, #tpu.memory_space<hbm>>
    %dma_wait3A_1381 = arith.constant 0 : i32
    %dma_wait3A_1382 = arith.constant 0 : i32
    %dma_wait3A_1383 = tpu.memref_slice %arg6[%dma_wait3A, %dma_wait3A_1381, %dma_wait3A_1382] : memref<32x8x128xf32, #tpu.memory_space<vmem>> -> memref<1x8x128xf32, #tpu.memory_space<vmem>>
    %dma_wait3A_1384 = tpu.memref_squeeze %dma_wait3A_1383 : memref<1x8x128xf32, #tpu.memory_space<vmem>> -> memref<8x128xf32, #tpu.memory_space<vmem>>
    %dma_wait3A_1385 = tpu.memref_slice %arg2[%mul3A_25, %mul3A_27] : memref<1024x100000xf32, #tpu.memory_space<hbm>> -> memref<8x128xf32, #tpu.memory_space<hbm>>
    tpu.wait_dma2 semaphore(%arg8 : memref<!tpu.dma_semaphore, #tpu.memory_space<semaphore_mem>>) src(%dma_wait3A_1385 : memref<8x128xf32, #tpu.memory_space<hbm>>) dst(%dma_wait3A_1384 : memref<8x128xf32, #tpu.memory_space<vmem>>)
    %dma_wait3A_1386 = arith.constant 1 : i32
    %dma_wait3A_1387 = arith.constant 0 : i32
    %dma_wait3A_1388 = arith.constant 0 : i32
    %dma_wait3A_1389 = tpu.memref_slice %arg6[%dma_wait3A_1386, %dma_wait3A_1387, %dma_wait3A_1388] : memref<32x8x128xf32, #tpu.memory_space<vmem>> -> memref<1x8x128xf32, #tpu.memory_space<vmem>>
    %dma_wait3A_1390 = tpu.memref_squeeze %dma_wait3A_1389 : memref<1x8x128xf32, #tpu.memory_space<vmem>> -> memref<8x128xf32, #tpu.memory_space<vmem>>
    %dma_wait3A_1391 = tpu.memref_slice %arg2[%mul3A_65, %mul3A_69] : memref<1024x100000xf32, #tpu.memory_space<hbm>> -> memref<8x128xf32, #tpu.memory_space<hbm>>
    %dma_wait3A_1392 = arith.constant 0 : i32
    %dma_wait3A_1393 = arith.constant 0 : i32
    %dma_wait3A_1394 = tpu.memref_slice %arg6[%dma_wait3A_1386, %dma_wait3A_1392, %dma_wait3A_1393] : memref<32x8x128xf32, #tpu.memory_space<vmem>> -> memref<1x8x128xf32, #tpu.memory_space<vmem>>
    %dma_wait3A_1395 = tpu.memref_squeeze %dma_wait3A_1394 : memref<1x8x128xf32, #tpu.memory_space<vmem>> -> memref<8x128xf32, #tpu.memory_space<vmem>>
    %dma_wait3A_1396 = tpu.memref_slice %arg2[%mul3A_65, %mul3A_69] : memref<1024x100000xf32, #tpu.memory_space<hbm>> -> memref<8x128xf32, #tpu.memory_space<hbm>>
    tpu.wait_dma2 semaphore(%arg8 : memref<!tpu.dma_semaphore, #tpu.memory_space<semaphore_mem>>) src(%dma_wait3A_1396 : memref<8x128xf32, #tpu.memory_space<hbm>>) dst(%dma_wait3A_1395 : memref<8x128xf32, #tpu.memory_space<vmem>>)
    %dma_wait3A_1397 = arith.constant 2 : i32
    %dma_wait3A_1398 = arith.constant 0 : i32
    %dma_wait3A_1399 = arith.constant 0 : i32
    %dma_wait3A_1400 = tpu.memref_slice %arg6[%dma_wait3A_1397, %dma_wait3A_1398, %dma_wait3A_1399] : memref<32x8x128xf32, #tpu.memory_space<vmem>> -> memref<1x8x128xf32, #tpu.memory_space<vmem>>
    %dma_wait3A_1401 = tpu.memref_squeeze %dma_wait3A_1400 : memref<1x8x128xf32, #tpu.memory_space<vmem>> -> memref<8x128xf32, #tpu.memory_space<vmem>>
    %dma_wait3A_1402 = tpu.memref_slice %arg2[%mul3A_108, %mul3A_112] : memref<1024x100000xf32, #tpu.memory_space<hbm>> -> memref<8x128xf32, #tpu.memory_space<hbm>>
    %dma_wait3A_1403 = arith.constant 0 : i32
    %dma_wait3A_1404 = arith.constant 0 : i32
    %dma_wait3A_1405 = tpu.memref_slice %arg6[%dma_wait3A_1397, %dma_wait3A_1403, %dma_wait3A_1404] : memref<32x8x128xf32, #tpu.memory_space<vmem>> -> memref<1x8x128xf32, #tpu.memory_space<vmem>>
    %dma_wait3A_1406 = tpu.memref_squeeze %dma_wait3A_1405 : memref<1x8x128xf32, #tpu.memory_space<vmem>> -> memref<8x128xf32, #tpu.memory_space<vmem>>
    %dma_wait3A_1407 = tpu.memref_slice %arg2[%mul3A_108, %mul3A_112] : memref<1024x100000xf32, #tpu.memory_space<hbm>> -> memref<8x128xf32, #tpu.memory_space<hbm>>
    tpu.wait_dma2 semaphore(%arg8 : memref<!tpu.dma_semaphore, #tpu.memory_space<semaphore_mem>>) src(%dma_wait3A_1407 : memref<8x128xf32, #tpu.memory_space<hbm>>) dst(%dma_wait3A_1406 : memref<8x128xf32, #tpu.memory_space<vmem>>)
    %dma_wait3A_1408 = arith.constant 3 : i32
    %dma_wait3A_1409 = arith.constant 0 : i32
    %dma_wait3A_1410 = arith.constant 0 : i32
    %dma_wait3A_1411 = tpu.memref_slice %arg6[%dma_wait3A_1408, %dma_wait3A_1409, %dma_wait3A_1410] : memref<32x8x128xf32, #tpu.memory_space<vmem>> -> memref<1x8x128xf32, #tpu.memory_space<vmem>>
    %dma_wait3A_1412 = tpu.memref_squeeze %dma_wait3A_1411 : memref<1x8x128xf32, #tpu.memory_space<vmem>> -> memref<8x128xf32, #tpu.memory_space<vmem>>
    %dma_wait3A_1413 = tpu.memref_slice %arg2[%mul3A_151, %mul3A_155] : memref<1024x100000xf32, #tpu.memory_space<hbm>> -> memref<8x128xf32, #tpu.memory_space<hbm>>
    %dma_wait3A_1414 = arith.constant 0 : i32
    %dma_wait3A_1415 = arith.constant 0 : i32
    %dma_wait3A_1416 = tpu.memref_slice %arg6[%dma_wait3A_1408, %dma_wait3A_1414, %dma_wait3A_1415] : memref<32x8x128xf32, #tpu.memory_space<vmem>> -> memref<1x8x128xf32, #tpu.memory_space<vmem>>
    %dma_wait3A_1417 = tpu.memref_squeeze %dma_wait3A_1416 : memref<1x8x128xf32, #tpu.memory_space<vmem>> -> memref<8x128xf32, #tpu.memory_space<vmem>>
    %dma_wait3A_1418 = tpu.memref_slice %arg2[%mul3A_151, %mul3A_155] : memref<1024x100000xf32, #tpu.memory_space<hbm>> -> memref<8x128xf32, #tpu.memory_space<hbm>>
    tpu.wait_dma2 semaphore(%arg8 : memref<!tpu.dma_semaphore, #tpu.memory_space<semaphore_mem>>) src(%dma_wait3A_1418 : memref<8x128xf32, #tpu.memory_space<hbm>>) dst(%dma_wait3A_1417 : memref<8x128xf32, #tpu.memory_space<vmem>>)
    %dma_wait3A_1419 = arith.constant 4 : i32
    %dma_wait3A_1420 = arith.constant 0 : i32
    %dma_wait3A_1421 = arith.constant 0 : i32
    %dma_wait3A_1422 = tpu.memref_slice %arg6[%dma_wait3A_1419, %dma_wait3A_1420, %dma_wait3A_1421] : memref<32x8x128xf32, #tpu.memory_space<vmem>> -> memref<1x8x128xf32, #tpu.memory_space<vmem>>
    %dma_wait3A_1423 = tpu.memref_squeeze %dma_wait3A_1422 : memref<1x8x128xf32, #tpu.memory_space<vmem>> -> memref<8x128xf32, #tpu.memory_space<vmem>>
    %dma_wait3A_1424 = tpu.memref_slice %arg2[%mul3A_194, %mul3A_198] : memref<1024x100000xf32, #tpu.memory_space<hbm>> -> memref<8x128xf32, #tpu.memory_space<hbm>>
    %dma_wait3A_1425 = arith.constant 0 : i32
    %dma_wait3A_1426 = arith.constant 0 : i32
    %dma_wait3A_1427 = tpu.memref_slice %arg6[%dma_wait3A_1419, %dma_wait3A_1425, %dma_wait3A_1426] : memref<32x8x128xf32, #tpu.memory_space<vmem>> -> memref<1x8x128xf32, #tpu.memory_space<vmem>>
    %dma_wait3A_1428 = tpu.memref_squeeze %dma_wait3A_1427 : memref<1x8x128xf32, #tpu.memory_space<vmem>> -> memref<8x128xf32, #tpu.memory_space<vmem>>
    %dma_wait3A_1429 = tpu.memref_slice %arg2[%mul3A_194, %mul3A_198] : memref<1024x100000xf32, #tpu.memory_space<hbm>> -> memref<8x128xf32, #tpu.memory_space<hbm>>
    tpu.wait_dma2 semaphore(%arg8 : memref<!tpu.dma_semaphore, #tpu.memory_space<semaphore_mem>>) src(%dma_wait3A_1429 : memref<8x128xf32, #tpu.memory_space<hbm>>) dst(%dma_wait3A_1428 : memref<8x128xf32, #tpu.memory_space<vmem>>)
    %dma_wait3A_1430 = arith.constant 5 : i32
    %dma_wait3A_1431 = arith.constant 0 : i32
    %dma_wait3A_1432 = arith.constant 0 : i32
    %dma_wait3A_1433 = tpu.memref_slice %arg6[%dma_wait3A_1430, %dma_wait3A_1431, %dma_wait3A_1432] : memref<32x8x128xf32, #tpu.memory_space<vmem>> -> memref<1x8x128xf32, #tpu.memory_space<vmem>>
    %dma_wait3A_1434 = tpu.memref_squeeze %dma_wait3A_1433 : memref<1x8x128xf32, #tpu.memory_space<vmem>> -> memref<8x128xf32, #tpu.memory_space<vmem>>
    %dma_wait3A_1435 = tpu.memref_slice %arg2[%mul3A_237, %mul3A_241] : memref<1024x100000xf32, #tpu.memory_space<hbm>> -> memref<8x128xf32, #tpu.memory_space<hbm>>
    %dma_wait3A_1436 = arith.constant 0 : i32
    %dma_wait3A_1437 = arith.constant 0 : i32
    %dma_wait3A_1438 = tpu.memref_slice %arg6[%dma_wait3A_1430, %dma_wait3A_1436, %dma_wait3A_1437] : memref<32x8x128xf32, #tpu.memory_space<vmem>> -> memref<1x8x128xf32, #tpu.memory_space<vmem>>
    %dma_wait3A_1439 = tpu.memref_squeeze %dma_wait3A_1438 : memref<1x8x128xf32, #tpu.memory_space<vmem>> -> memref<8x128xf32, #tpu.memory_space<vmem>>
    %dma_wait3A_1440 = tpu.memref_slice %arg2[%mul3A_237, %mul3A_241] : memref<1024x100000xf32, #tpu.memory_space<hbm>> -> memref<8x128xf32, #tpu.memory_space<hbm>>
    tpu.wait_dma2 semaphore(%arg8 : memref<!tpu.dma_semaphore, #tpu.memory_space<semaphore_mem>>) src(%dma_wait3A_1440 : memref<8x128xf32, #tpu.memory_space<hbm>>) dst(%dma_wait3A_1439 : memref<8x128xf32, #tpu.memory_space<vmem>>)
    %dma_wait3A_1441 = arith.constant 6 : i32
    %dma_wait3A_1442 = arith.constant 0 : i32
    %dma_wait3A_1443 = arith.constant 0 : i32
    %dma_wait3A_1444 = tpu.memref_slice %arg6[%dma_wait3A_1441, %dma_wait3A_1442, %dma_wait3A_1443] : memref<32x8x128xf32, #tpu.memory_space<vmem>> -> memref<1x8x128xf32, #tpu.memory_space<vmem>>
    %dma_wait3A_1445 = tpu.memref_squeeze %dma_wait3A_1444 : memref<1x8x128xf32, #tpu.memory_space<vmem>> -> memref<8x128xf32, #tpu.memory_space<vmem>>
    %dma_wait3A_1446 = tpu.memref_slice %arg2[%mul3A_280, %mul3A_284] : memref<1024x100000xf32, #tpu.memory_space<hbm>> -> memref<8x128xf32, #tpu.memory_space<hbm>>
    %dma_wait3A_1447 = arith.constant 0 : i32
    %dma_wait3A_1448 = arith.constant 0 : i32
    %dma_wait3A_1449 = tpu.memref_slice %arg6[%dma_wait3A_1441, %dma_wait3A_1447, %dma_wait3A_1448] : memref<32x8x128xf32, #tpu.memory_space<vmem>> -> memref<1x8x128xf32, #tpu.memory_space<vmem>>
    %dma_wait3A_1450 = tpu.memref_squeeze %dma_wait3A_1449 : memref<1x8x128xf32, #tpu.memory_space<vmem>> -> memref<8x128xf32, #tpu.memory_space<vmem>>
    %dma_wait3A_1451 = tpu.memref_slice %arg2[%mul3A_280, %mul3A_284] : memref<1024x100000xf32, #tpu.memory_space<hbm>> -> memref<8x128xf32, #tpu.memory_space<hbm>>
    tpu.wait_dma2 semaphore(%arg8 : memref<!tpu.dma_semaphore, #tpu.memory_space<semaphore_mem>>) src(%dma_wait3A_1451 : memref<8x128xf32, #tpu.memory_space<hbm>>) dst(%dma_wait3A_1450 : memref<8x128xf32, #tpu.memory_space<vmem>>)
    %dma_wait3A_1452 = arith.constant 7 : i32
    %dma_wait3A_1453 = arith.constant 0 : i32
    %dma_wait3A_1454 = arith.constant 0 : i32
    %dma_wait3A_1455 = tpu.memref_slice %arg6[%dma_wait3A_1452, %dma_wait3A_1453, %dma_wait3A_1454] : memref<32x8x128xf32, #tpu.memory_space<vmem>> -> memref<1x8x128xf32, #tpu.memory_space<vmem>>
    %dma_wait3A_1456 = tpu.memref_squeeze %dma_wait3A_1455 : memref<1x8x128xf32, #tpu.memory_space<vmem>> -> memref<8x128xf32, #tpu.memory_space<vmem>>
    %dma_wait3A_1457 = tpu.memref_slice %arg2[%mul3A_323, %mul3A_327] : memref<1024x100000xf32, #tpu.memory_space<hbm>> -> memref<8x128xf32, #tpu.memory_space<hbm>>
    %dma_wait3A_1458 = arith.constant 0 : i32
    %dma_wait3A_1459 = arith.constant 0 : i32
    %dma_wait3A_1460 = tpu.memref_slice %arg6[%dma_wait3A_1452, %dma_wait3A_1458, %dma_wait3A_1459] : memref<32x8x128xf32, #tpu.memory_space<vmem>> -> memref<1x8x128xf32, #tpu.memory_space<vmem>>
    %dma_wait3A_1461 = tpu.memref_squeeze %dma_wait3A_1460 : memref<1x8x128xf32, #tpu.memory_space<vmem>> -> memref<8x128xf32, #tpu.memory_space<vmem>>
    %dma_wait3A_1462 = tpu.memref_slice %arg2[%mul3A_323, %mul3A_327] : memref<1024x100000xf32, #tpu.memory_space<hbm>> -> memref<8x128xf32, #tpu.memory_space<hbm>>
    tpu.wait_dma2 semaphore(%arg8 : memref<!tpu.dma_semaphore, #tpu.memory_space<semaphore_mem>>) src(%dma_wait3A_1462 : memref<8x128xf32, #tpu.memory_space<hbm>>) dst(%dma_wait3A_1461 : memref<8x128xf32, #tpu.memory_space<vmem>>)
    %dma_wait3A_1463 = arith.constant 8 : i32
    %dma_wait3A_1464 = arith.constant 0 : i32
    %dma_wait3A_1465 = arith.constant 0 : i32
    %dma_wait3A_1466 = tpu.memref_slice %arg6[%dma_wait3A_1463, %dma_wait3A_1464, %dma_wait3A_1465] : memref<32x8x128xf32, #tpu.memory_space<vmem>> -> memref<1x8x128xf32, #tpu.memory_space<vmem>>
    %dma_wait3A_1467 = tpu.memref_squeeze %dma_wait3A_1466 : memref<1x8x128xf32, #tpu.memory_space<vmem>> -> memref<8x128xf32, #tpu.memory_space<vmem>>
    %dma_wait3A_1468 = tpu.memref_slice %arg2[%mul3A_366, %mul3A_370] : memref<1024x100000xf32, #tpu.memory_space<hbm>> -> memref<8x128xf32, #tpu.memory_space<hbm>>
    %dma_wait3A_1469 = arith.constant 0 : i32
    %dma_wait3A_1470 = arith.constant 0 : i32
    %dma_wait3A_1471 = tpu.memref_slice %arg6[%dma_wait3A_1463, %dma_wait3A_1469, %dma_wait3A_1470] : memref<32x8x128xf32, #tpu.memory_space<vmem>> -> memref<1x8x128xf32, #tpu.memory_space<vmem>>
    %dma_wait3A_1472 = tpu.memref_squeeze %dma_wait3A_1471 : memref<1x8x128xf32, #tpu.memory_space<vmem>> -> memref<8x128xf32, #tpu.memory_space<vmem>>
    %dma_wait3A_1473 = tpu.memref_slice %arg2[%mul3A_366, %mul3A_370] : memref<1024x100000xf32, #tpu.memory_space<hbm>> -> memref<8x128xf32, #tpu.memory_space<hbm>>
    tpu.wait_dma2 semaphore(%arg8 : memref<!tpu.dma_semaphore, #tpu.memory_space<semaphore_mem>>) src(%dma_wait3A_1473 : memref<8x128xf32, #tpu.memory_space<hbm>>) dst(%dma_wait3A_1472 : memref<8x128xf32, #tpu.memory_space<vmem>>)
    %dma_wait3A_1474 = arith.constant 9 : i32
    %dma_wait3A_1475 = arith.constant 0 : i32
    %dma_wait3A_1476 = arith.constant 0 : i32
    %dma_wait3A_1477 = tpu.memref_slice %arg6[%dma_wait3A_1474, %dma_wait3A_1475, %dma_wait3A_1476] : memref<32x8x128xf32, #tpu.memory_space<vmem>> -> memref<1x8x128xf32, #tpu.memory_space<vmem>>
    %dma_wait3A_1478 = tpu.memref_squeeze %dma_wait3A_1477 : memref<1x8x128xf32, #tpu.memory_space<vmem>> -> memref<8x128xf32, #tpu.memory_space<vmem>>
    %dma_wait3A_1479 = tpu.memref_slice %arg2[%mul3A_409, %mul3A_413] : memref<1024x100000xf32, #tpu.memory_space<hbm>> -> memref<8x128xf32, #tpu.memory_space<hbm>>
    %dma_wait3A_1480 = arith.constant 0 : i32
    %dma_wait3A_1481 = arith.constant 0 : i32
    %dma_wait3A_1482 = tpu.memref_slice %arg6[%dma_wait3A_1474, %dma_wait3A_1480, %dma_wait3A_1481] : memref<32x8x128xf32, #tpu.memory_space<vmem>> -> memref<1x8x128xf32, #tpu.memory_space<vmem>>
    %dma_wait3A_1483 = tpu.memref_squeeze %dma_wait3A_1482 : memref<1x8x128xf32, #tpu.memory_space<vmem>> -> memref<8x128xf32, #tpu.memory_space<vmem>>
    %dma_wait3A_1484 = tpu.memref_slice %arg2[%mul3A_409, %mul3A_413] : memref<1024x100000xf32, #tpu.memory_space<hbm>> -> memref<8x128xf32, #tpu.memory_space<hbm>>
    tpu.wait_dma2 semaphore(%arg8 : memref<!tpu.dma_semaphore, #tpu.memory_space<semaphore_mem>>) src(%dma_wait3A_1484 : memref<8x128xf32, #tpu.memory_space<hbm>>) dst(%dma_wait3A_1483 : memref<8x128xf32, #tpu.memory_space<vmem>>)
    %dma_wait3A_1485 = arith.constant 10 : i32
    %dma_wait3A_1486 = arith.constant 0 : i32
    %dma_wait3A_1487 = arith.constant 0 : i32
    %dma_wait3A_1488 = tpu.memref_slice %arg6[%dma_wait3A_1485, %dma_wait3A_1486, %dma_wait3A_1487] : memref<32x8x128xf32, #tpu.memory_space<vmem>> -> memref<1x8x128xf32, #tpu.memory_space<vmem>>
    %dma_wait3A_1489 = tpu.memref_squeeze %dma_wait3A_1488 : memref<1x8x128xf32, #tpu.memory_space<vmem>> -> memref<8x128xf32, #tpu.memory_space<vmem>>
    %dma_wait3A_1490 = tpu.memref_slice %arg2[%mul3A_452, %mul3A_456] : memref<1024x100000xf32, #tpu.memory_space<hbm>> -> memref<8x128xf32, #tpu.memory_space<hbm>>
    %dma_wait3A_1491 = arith.constant 0 : i32
    %dma_wait3A_1492 = arith.constant 0 : i32
    %dma_wait3A_1493 = tpu.memref_slice %arg6[%dma_wait3A_1485, %dma_wait3A_1491, %dma_wait3A_1492] : memref<32x8x128xf32, #tpu.memory_space<vmem>> -> memref<1x8x128xf32, #tpu.memory_space<vmem>>
    %dma_wait3A_1494 = tpu.memref_squeeze %dma_wait3A_1493 : memref<1x8x128xf32, #tpu.memory_space<vmem>> -> memref<8x128xf32, #tpu.memory_space<vmem>>
    %dma_wait3A_1495 = tpu.memref_slice %arg2[%mul3A_452, %mul3A_456] : memref<1024x100000xf32, #tpu.memory_space<hbm>> -> memref<8x128xf32, #tpu.memory_space<hbm>>
    tpu.wait_dma2 semaphore(%arg8 : memref<!tpu.dma_semaphore, #tpu.memory_space<semaphore_mem>>) src(%dma_wait3A_1495 : memref<8x128xf32, #tpu.memory_space<hbm>>) dst(%dma_wait3A_1494 : memref<8x128xf32, #tpu.memory_space<vmem>>)
    %dma_wait3A_1496 = arith.constant 11 : i32
    %dma_wait3A_1497 = arith.constant 0 : i32
    %dma_wait3A_1498 = arith.constant 0 : i32
    %dma_wait3A_1499 = tpu.memref_slice %arg6[%dma_wait3A_1496, %dma_wait3A_1497, %dma_wait3A_1498] : memref<32x8x128xf32, #tpu.memory_space<vmem>> -> memref<1x8x128xf32, #tpu.memory_space<vmem>>
    %dma_wait3A_1500 = tpu.memref_squeeze %dma_wait3A_1499 : memref<1x8x128xf32, #tpu.memory_space<vmem>> -> memref<8x128xf32, #tpu.memory_space<vmem>>
    %dma_wait3A_1501 = tpu.memref_slice %arg2[%mul3A_495, %mul3A_499] : memref<1024x100000xf32, #tpu.memory_space<hbm>> -> memref<8x128xf32, #tpu.memory_space<hbm>>
    %dma_wait3A_1502 = arith.constant 0 : i32
    %dma_wait3A_1503 = arith.constant 0 : i32
    %dma_wait3A_1504 = tpu.memref_slice %arg6[%dma_wait3A_1496, %dma_wait3A_1502, %dma_wait3A_1503] : memref<32x8x128xf32, #tpu.memory_space<vmem>> -> memref<1x8x128xf32, #tpu.memory_space<vmem>>
    %dma_wait3A_1505 = tpu.memref_squeeze %dma_wait3A_1504 : memref<1x8x128xf32, #tpu.memory_space<vmem>> -> memref<8x128xf32, #tpu.memory_space<vmem>>
    %dma_wait3A_1506 = tpu.memref_slice %arg2[%mul3A_495, %mul3A_499] : memref<1024x100000xf32, #tpu.memory_space<hbm>> -> memref<8x128xf32, #tpu.memory_space<hbm>>
    tpu.wait_dma2 semaphore(%arg8 : memref<!tpu.dma_semaphore, #tpu.memory_space<semaphore_mem>>) src(%dma_wait3A_1506 : memref<8x128xf32, #tpu.memory_space<hbm>>) dst(%dma_wait3A_1505 : memref<8x128xf32, #tpu.memory_space<vmem>>)
    %dma_wait3A_1507 = arith.constant 12 : i32
    %dma_wait3A_1508 = arith.constant 0 : i32
    %dma_wait3A_1509 = arith.constant 0 : i32
    %dma_wait3A_1510 = tpu.memref_slice %arg6[%dma_wait3A_1507, %dma_wait3A_1508, %dma_wait3A_1509] : memref<32x8x128xf32, #tpu.memory_space<vmem>> -> memref<1x8x128xf32, #tpu.memory_space<vmem>>
    %dma_wait3A_1511 = tpu.memref_squeeze %dma_wait3A_1510 : memref<1x8x128xf32, #tpu.memory_space<vmem>> -> memref<8x128xf32, #tpu.memory_space<vmem>>
    %dma_wait3A_1512 = tpu.memref_slice %arg2[%mul3A_538, %mul3A_542] : memref<1024x100000xf32, #tpu.memory_space<hbm>> -> memref<8x128xf32, #tpu.memory_space<hbm>>
    %dma_wait3A_1513 = arith.constant 0 : i32
    %dma_wait3A_1514 = arith.constant 0 : i32
    %dma_wait3A_1515 = tpu.memref_slice %arg6[%dma_wait3A_1507, %dma_wait3A_1513, %dma_wait3A_1514] : memref<32x8x128xf32, #tpu.memory_space<vmem>> -> memref<1x8x128xf32, #tpu.memory_space<vmem>>
    %dma_wait3A_1516 = tpu.memref_squeeze %dma_wait3A_1515 : memref<1x8x128xf32, #tpu.memory_space<vmem>> -> memref<8x128xf32, #tpu.memory_space<vmem>>
    %dma_wait3A_1517 = tpu.memref_slice %arg2[%mul3A_538, %mul3A_542] : memref<1024x100000xf32, #tpu.memory_space<hbm>> -> memref<8x128xf32, #tpu.memory_space<hbm>>
    tpu.wait_dma2 semaphore(%arg8 : memref<!tpu.dma_semaphore, #tpu.memory_space<semaphore_mem>>) src(%dma_wait3A_1517 : memref<8x128xf32, #tpu.memory_space<hbm>>) dst(%dma_wait3A_1516 : memref<8x128xf32, #tpu.memory_space<vmem>>)
    %dma_wait3A_1518 = arith.constant 13 : i32
    %dma_wait3A_1519 = arith.constant 0 : i32
    %dma_wait3A_1520 = arith.constant 0 : i32
    %dma_wait3A_1521 = tpu.memref_slice %arg6[%dma_wait3A_1518, %dma_wait3A_1519, %dma_wait3A_1520] : memref<32x8x128xf32, #tpu.memory_space<vmem>> -> memref<1x8x128xf32, #tpu.memory_space<vmem>>
    %dma_wait3A_1522 = tpu.memref_squeeze %dma_wait3A_1521 : memref<1x8x128xf32, #tpu.memory_space<vmem>> -> memref<8x128xf32, #tpu.memory_space<vmem>>
    %dma_wait3A_1523 = tpu.memref_slice %arg2[%mul3A_581, %mul3A_585] : memref<1024x100000xf32, #tpu.memory_space<hbm>> -> memref<8x128xf32, #tpu.memory_space<hbm>>
    %dma_wait3A_1524 = arith.constant 0 : i32
    %dma_wait3A_1525 = arith.constant 0 : i32
    %dma_wait3A_1526 = tpu.memref_slice %arg6[%dma_wait3A_1518, %dma_wait3A_1524, %dma_wait3A_1525] : memref<32x8x128xf32, #tpu.memory_space<vmem>> -> memref<1x8x128xf32, #tpu.memory_space<vmem>>
    %dma_wait3A_1527 = tpu.memref_squeeze %dma_wait3A_1526 : memref<1x8x128xf32, #tpu.memory_space<vmem>> -> memref<8x128xf32, #tpu.memory_space<vmem>>
    %dma_wait3A_1528 = tpu.memref_slice %arg2[%mul3A_581, %mul3A_585] : memref<1024x100000xf32, #tpu.memory_space<hbm>> -> memref<8x128xf32, #tpu.memory_space<hbm>>
    tpu.wait_dma2 semaphore(%arg8 : memref<!tpu.dma_semaphore, #tpu.memory_space<semaphore_mem>>) src(%dma_wait3A_1528 : memref<8x128xf32, #tpu.memory_space<hbm>>) dst(%dma_wait3A_1527 : memref<8x128xf32, #tpu.memory_space<vmem>>)
    %dma_wait3A_1529 = arith.constant 14 : i32
    %dma_wait3A_1530 = arith.constant 0 : i32
    %dma_wait3A_1531 = arith.constant 0 : i32
    %dma_wait3A_1532 = tpu.memref_slice %arg6[%dma_wait3A_1529, %dma_wait3A_1530, %dma_wait3A_1531] : memref<32x8x128xf32, #tpu.memory_space<vmem>> -> memref<1x8x128xf32, #tpu.memory_space<vmem>>
    %dma_wait3A_1533 = tpu.memref_squeeze %dma_wait3A_1532 : memref<1x8x128xf32, #tpu.memory_space<vmem>> -> memref<8x128xf32, #tpu.memory_space<vmem>>
    %dma_wait3A_1534 = tpu.memref_slice %arg2[%mul3A_624, %mul3A_628] : memref<1024x100000xf32, #tpu.memory_space<hbm>> -> memref<8x128xf32, #tpu.memory_space<hbm>>
    %dma_wait3A_1535 = arith.constant 0 : i32
    %dma_wait3A_1536 = arith.constant 0 : i32
    %dma_wait3A_1537 = tpu.memref_slice %arg6[%dma_wait3A_1529, %dma_wait3A_1535, %dma_wait3A_1536] : memref<32x8x128xf32, #tpu.memory_space<vmem>> -> memref<1x8x128xf32, #tpu.memory_space<vmem>>
    %dma_wait3A_1538 = tpu.memref_squeeze %dma_wait3A_1537 : memref<1x8x128xf32, #tpu.memory_space<vmem>> -> memref<8x128xf32, #tpu.memory_space<vmem>>
    %dma_wait3A_1539 = tpu.memref_slice %arg2[%mul3A_624, %mul3A_628] : memref<1024x100000xf32, #tpu.memory_space<hbm>> -> memref<8x128xf32, #tpu.memory_space<hbm>>
    tpu.wait_dma2 semaphore(%arg8 : memref<!tpu.dma_semaphore, #tpu.memory_space<semaphore_mem>>) src(%dma_wait3A_1539 : memref<8x128xf32, #tpu.memory_space<hbm>>) dst(%dma_wait3A_1538 : memref<8x128xf32, #tpu.memory_space<vmem>>)
    %dma_wait3A_1540 = arith.constant 15 : i32
    %dma_wait3A_1541 = arith.constant 0 : i32
    %dma_wait3A_1542 = arith.constant 0 : i32
    %dma_wait3A_1543 = tpu.memref_slice %arg6[%dma_wait3A_1540, %dma_wait3A_1541, %dma_wait3A_1542] : memref<32x8x128xf32, #tpu.memory_space<vmem>> -> memref<1x8x128xf32, #tpu.memory_space<vmem>>
    %dma_wait3A_1544 = tpu.memref_squeeze %dma_wait3A_1543 : memref<1x8x128xf32, #tpu.memory_space<vmem>> -> memref<8x128xf32, #tpu.memory_space<vmem>>
    %dma_wait3A_1545 = tpu.memref_slice %arg2[%mul3A_667, %mul3A_671] : memref<1024x100000xf32, #tpu.memory_space<hbm>> -> memref<8x128xf32, #tpu.memory_space<hbm>>
    %dma_wait3A_1546 = arith.constant 0 : i32
    %dma_wait3A_1547 = arith.constant 0 : i32
    %dma_wait3A_1548 = tpu.memref_slice %arg6[%dma_wait3A_1540, %dma_wait3A_1546, %dma_wait3A_1547] : memref<32x8x128xf32, #tpu.memory_space<vmem>> -> memref<1x8x128xf32, #tpu.memory_space<vmem>>
    %dma_wait3A_1549 = tpu.memref_squeeze %dma_wait3A_1548 : memref<1x8x128xf32, #tpu.memory_space<vmem>> -> memref<8x128xf32, #tpu.memory_space<vmem>>
    %dma_wait3A_1550 = tpu.memref_slice %arg2[%mul3A_667, %mul3A_671] : memref<1024x100000xf32, #tpu.memory_space<hbm>> -> memref<8x128xf32, #tpu.memory_space<hbm>>
    tpu.wait_dma2 semaphore(%arg8 : memref<!tpu.dma_semaphore, #tpu.memory_space<semaphore_mem>>) src(%dma_wait3A_1550 : memref<8x128xf32, #tpu.memory_space<hbm>>) dst(%dma_wait3A_1549 : memref<8x128xf32, #tpu.memory_space<vmem>>)
    %dma_wait3A_1551 = arith.constant 16 : i32
    %dma_wait3A_1552 = arith.constant 0 : i32
    %dma_wait3A_1553 = arith.constant 0 : i32
    %dma_wait3A_1554 = tpu.memref_slice %arg6[%dma_wait3A_1551, %dma_wait3A_1552, %dma_wait3A_1553] : memref<32x8x128xf32, #tpu.memory_space<vmem>> -> memref<1x8x128xf32, #tpu.memory_space<vmem>>
    %dma_wait3A_1555 = tpu.memref_squeeze %dma_wait3A_1554 : memref<1x8x128xf32, #tpu.memory_space<vmem>> -> memref<8x128xf32, #tpu.memory_space<vmem>>
    %dma_wait3A_1556 = tpu.memref_slice %arg2[%mul3A_715, %mul3A_719] : memref<1024x100000xf32, #tpu.memory_space<hbm>> -> memref<8x128xf32, #tpu.memory_space<hbm>>
    %dma_wait3A_1557 = arith.constant 0 : i32
    %dma_wait3A_1558 = arith.constant 0 : i32
    %dma_wait3A_1559 = tpu.memref_slice %arg6[%dma_wait3A_1551, %dma_wait3A_1557, %dma_wait3A_1558] : memref<32x8x128xf32, #tpu.memory_space<vmem>> -> memref<1x8x128xf32, #tpu.memory_space<vmem>>
    %dma_wait3A_1560 = tpu.memref_squeeze %dma_wait3A_1559 : memref<1x8x128xf32, #tpu.memory_space<vmem>> -> memref<8x128xf32, #tpu.memory_space<vmem>>
    %dma_wait3A_1561 = tpu.memref_slice %arg2[%mul3A_715, %mul3A_719] : memref<1024x100000xf32, #tpu.memory_space<hbm>> -> memref<8x128xf32, #tpu.memory_space<hbm>>
    tpu.wait_dma2 semaphore(%arg8 : memref<!tpu.dma_semaphore, #tpu.memory_space<semaphore_mem>>) src(%dma_wait3A_1561 : memref<8x128xf32, #tpu.memory_space<hbm>>) dst(%dma_wait3A_1560 : memref<8x128xf32, #tpu.memory_space<vmem>>)
    %dma_wait3A_1562 = arith.constant 17 : i32
    %dma_wait3A_1563 = arith.constant 0 : i32
    %dma_wait3A_1564 = arith.constant 0 : i32
    %dma_wait3A_1565 = tpu.memref_slice %arg6[%dma_wait3A_1562, %dma_wait3A_1563, %dma_wait3A_1564] : memref<32x8x128xf32, #tpu.memory_space<vmem>> -> memref<1x8x128xf32, #tpu.memory_space<vmem>>
    %dma_wait3A_1566 = tpu.memref_squeeze %dma_wait3A_1565 : memref<1x8x128xf32, #tpu.memory_space<vmem>> -> memref<8x128xf32, #tpu.memory_space<vmem>>
    %dma_wait3A_1567 = tpu.memref_slice %arg2[%mul3A_758, %mul3A_762] : memref<1024x100000xf32, #tpu.memory_space<hbm>> -> memref<8x128xf32, #tpu.memory_space<hbm>>
    %dma_wait3A_1568 = arith.constant 0 : i32
    %dma_wait3A_1569 = arith.constant 0 : i32
    %dma_wait3A_1570 = tpu.memref_slice %arg6[%dma_wait3A_1562, %dma_wait3A_1568, %dma_wait3A_1569] : memref<32x8x128xf32, #tpu.memory_space<vmem>> -> memref<1x8x128xf32, #tpu.memory_space<vmem>>
    %dma_wait3A_1571 = tpu.memref_squeeze %dma_wait3A_1570 : memref<1x8x128xf32, #tpu.memory_space<vmem>> -> memref<8x128xf32, #tpu.memory_space<vmem>>
    %dma_wait3A_1572 = tpu.memref_slice %arg2[%mul3A_758, %mul3A_762] : memref<1024x100000xf32, #tpu.memory_space<hbm>> -> memref<8x128xf32, #tpu.memory_space<hbm>>
    tpu.wait_dma2 semaphore(%arg8 : memref<!tpu.dma_semaphore, #tpu.memory_space<semaphore_mem>>) src(%dma_wait3A_1572 : memref<8x128xf32, #tpu.memory_space<hbm>>) dst(%dma_wait3A_1571 : memref<8x128xf32, #tpu.memory_space<vmem>>)
    %dma_wait3A_1573 = arith.constant 18 : i32
    %dma_wait3A_1574 = arith.constant 0 : i32
    %dma_wait3A_1575 = arith.constant 0 : i32
    %dma_wait3A_1576 = tpu.memref_slice %arg6[%dma_wait3A_1573, %dma_wait3A_1574, %dma_wait3A_1575] : memref<32x8x128xf32, #tpu.memory_space<vmem>> -> memref<1x8x128xf32, #tpu.memory_space<vmem>>
    %dma_wait3A_1577 = tpu.memref_squeeze %dma_wait3A_1576 : memref<1x8x128xf32, #tpu.memory_space<vmem>> -> memref<8x128xf32, #tpu.memory_space<vmem>>
    %dma_wait3A_1578 = tpu.memref_slice %arg2[%mul3A_801, %mul3A_805] : memref<1024x100000xf32, #tpu.memory_space<hbm>> -> memref<8x128xf32, #tpu.memory_space<hbm>>
    %dma_wait3A_1579 = arith.constant 0 : i32
    %dma_wait3A_1580 = arith.constant 0 : i32
    %dma_wait3A_1581 = tpu.memref_slice %arg6[%dma_wait3A_1573, %dma_wait3A_1579, %dma_wait3A_1580] : memref<32x8x128xf32, #tpu.memory_space<vmem>> -> memref<1x8x128xf32, #tpu.memory_space<vmem>>
    %dma_wait3A_1582 = tpu.memref_squeeze %dma_wait3A_1581 : memref<1x8x128xf32, #tpu.memory_space<vmem>> -> memref<8x128xf32, #tpu.memory_space<vmem>>
    %dma_wait3A_1583 = tpu.memref_slice %arg2[%mul3A_801, %mul3A_805] : memref<1024x100000xf32, #tpu.memory_space<hbm>> -> memref<8x128xf32, #tpu.memory_space<hbm>>
    tpu.wait_dma2 semaphore(%arg8 : memref<!tpu.dma_semaphore, #tpu.memory_space<semaphore_mem>>) src(%dma_wait3A_1583 : memref<8x128xf32, #tpu.memory_space<hbm>>) dst(%dma_wait3A_1582 : memref<8x128xf32, #tpu.memory_space<vmem>>)
    %dma_wait3A_1584 = arith.constant 19 : i32
    %dma_wait3A_1585 = arith.constant 0 : i32
    %dma_wait3A_1586 = arith.constant 0 : i32
    %dma_wait3A_1587 = tpu.memref_slice %arg6[%dma_wait3A_1584, %dma_wait3A_1585, %dma_wait3A_1586] : memref<32x8x128xf32, #tpu.memory_space<vmem>> -> memref<1x8x128xf32, #tpu.memory_space<vmem>>
    %dma_wait3A_1588 = tpu.memref_squeeze %dma_wait3A_1587 : memref<1x8x128xf32, #tpu.memory_space<vmem>> -> memref<8x128xf32, #tpu.memory_space<vmem>>
    %dma_wait3A_1589 = tpu.memref_slice %arg2[%mul3A_844, %mul3A_848] : memref<1024x100000xf32, #tpu.memory_space<hbm>> -> memref<8x128xf32, #tpu.memory_space<hbm>>
    %dma_wait3A_1590 = arith.constant 0 : i32
    %dma_wait3A_1591 = arith.constant 0 : i32
    %dma_wait3A_1592 = tpu.memref_slice %arg6[%dma_wait3A_1584, %dma_wait3A_1590, %dma_wait3A_1591] : memref<32x8x128xf32, #tpu.memory_space<vmem>> -> memref<1x8x128xf32, #tpu.memory_space<vmem>>
    %dma_wait3A_1593 = tpu.memref_squeeze %dma_wait3A_1592 : memref<1x8x128xf32, #tpu.memory_space<vmem>> -> memref<8x128xf32, #tpu.memory_space<vmem>>
    %dma_wait3A_1594 = tpu.memref_slice %arg2[%mul3A_844, %mul3A_848] : memref<1024x100000xf32, #tpu.memory_space<hbm>> -> memref<8x128xf32, #tpu.memory_space<hbm>>
    tpu.wait_dma2 semaphore(%arg8 : memref<!tpu.dma_semaphore, #tpu.memory_space<semaphore_mem>>) src(%dma_wait3A_1594 : memref<8x128xf32, #tpu.memory_space<hbm>>) dst(%dma_wait3A_1593 : memref<8x128xf32, #tpu.memory_space<vmem>>)
    %dma_wait3A_1595 = arith.constant 20 : i32
    %dma_wait3A_1596 = arith.constant 0 : i32
    %dma_wait3A_1597 = arith.constant 0 : i32
    %dma_wait3A_1598 = tpu.memref_slice %arg6[%dma_wait3A_1595, %dma_wait3A_1596, %dma_wait3A_1597] : memref<32x8x128xf32, #tpu.memory_space<vmem>> -> memref<1x8x128xf32, #tpu.memory_space<vmem>>
    %dma_wait3A_1599 = tpu.memref_squeeze %dma_wait3A_1598 : memref<1x8x128xf32, #tpu.memory_space<vmem>> -> memref<8x128xf32, #tpu.memory_space<vmem>>
    %dma_wait3A_1600 = tpu.memref_slice %arg2[%mul3A_887, %mul3A_891] : memref<1024x100000xf32, #tpu.memory_space<hbm>> -> memref<8x128xf32, #tpu.memory_space<hbm>>
    %dma_wait3A_1601 = arith.constant 0 : i32
    %dma_wait3A_1602 = arith.constant 0 : i32
    %dma_wait3A_1603 = tpu.memref_slice %arg6[%dma_wait3A_1595, %dma_wait3A_1601, %dma_wait3A_1602] : memref<32x8x128xf32, #tpu.memory_space<vmem>> -> memref<1x8x128xf32, #tpu.memory_space<vmem>>
    %dma_wait3A_1604 = tpu.memref_squeeze %dma_wait3A_1603 : memref<1x8x128xf32, #tpu.memory_space<vmem>> -> memref<8x128xf32, #tpu.memory_space<vmem>>
    %dma_wait3A_1605 = tpu.memref_slice %arg2[%mul3A_887, %mul3A_891] : memref<1024x100000xf32, #tpu.memory_space<hbm>> -> memref<8x128xf32, #tpu.memory_space<hbm>>
    tpu.wait_dma2 semaphore(%arg8 : memref<!tpu.dma_semaphore, #tpu.memory_space<semaphore_mem>>) src(%dma_wait3A_1605 : memref<8x128xf32, #tpu.memory_space<hbm>>) dst(%dma_wait3A_1604 : memref<8x128xf32, #tpu.memory_space<vmem>>)
    %dma_wait3A_1606 = arith.constant 21 : i32
    %dma_wait3A_1607 = arith.constant 0 : i32
    %dma_wait3A_1608 = arith.constant 0 : i32
    %dma_wait3A_1609 = tpu.memref_slice %arg6[%dma_wait3A_1606, %dma_wait3A_1607, %dma_wait3A_1608] : memref<32x8x128xf32, #tpu.memory_space<vmem>> -> memref<1x8x128xf32, #tpu.memory_space<vmem>>
    %dma_wait3A_1610 = tpu.memref_squeeze %dma_wait3A_1609 : memref<1x8x128xf32, #tpu.memory_space<vmem>> -> memref<8x128xf32, #tpu.memory_space<vmem>>
    %dma_wait3A_1611 = tpu.memref_slice %arg2[%mul3A_930, %mul3A_934] : memref<1024x100000xf32, #tpu.memory_space<hbm>> -> memref<8x128xf32, #tpu.memory_space<hbm>>
    %dma_wait3A_1612 = arith.constant 0 : i32
    %dma_wait3A_1613 = arith.constant 0 : i32
    %dma_wait3A_1614 = tpu.memref_slice %arg6[%dma_wait3A_1606, %dma_wait3A_1612, %dma_wait3A_1613] : memref<32x8x128xf32, #tpu.memory_space<vmem>> -> memref<1x8x128xf32, #tpu.memory_space<vmem>>
    %dma_wait3A_1615 = tpu.memref_squeeze %dma_wait3A_1614 : memref<1x8x128xf32, #tpu.memory_space<vmem>> -> memref<8x128xf32, #tpu.memory_space<vmem>>
    %dma_wait3A_1616 = tpu.memref_slice %arg2[%mul3A_930, %mul3A_934] : memref<1024x100000xf32, #tpu.memory_space<hbm>> -> memref<8x128xf32, #tpu.memory_space<hbm>>
    tpu.wait_dma2 semaphore(%arg8 : memref<!tpu.dma_semaphore, #tpu.memory_space<semaphore_mem>>) src(%dma_wait3A_1616 : memref<8x128xf32, #tpu.memory_space<hbm>>) dst(%dma_wait3A_1615 : memref<8x128xf32, #tpu.memory_space<vmem>>)
    %dma_wait3A_1617 = arith.constant 22 : i32
    %dma_wait3A_1618 = arith.constant 0 : i32
    %dma_wait3A_1619 = arith.constant 0 : i32
    %dma_wait3A_1620 = tpu.memref_slice %arg6[%dma_wait3A_1617, %dma_wait3A_1618, %dma_wait3A_1619] : memref<32x8x128xf32, #tpu.memory_space<vmem>> -> memref<1x8x128xf32, #tpu.memory_space<vmem>>
    %dma_wait3A_1621 = tpu.memref_squeeze %dma_wait3A_1620 : memref<1x8x128xf32, #tpu.memory_space<vmem>> -> memref<8x128xf32, #tpu.memory_space<vmem>>
    %dma_wait3A_1622 = tpu.memref_slice %arg2[%mul3A_973, %mul3A_977] : memref<1024x100000xf32, #tpu.memory_space<hbm>> -> memref<8x128xf32, #tpu.memory_space<hbm>>
    %dma_wait3A_1623 = arith.constant 0 : i32
    %dma_wait3A_1624 = arith.constant 0 : i32
    %dma_wait3A_1625 = tpu.memref_slice %arg6[%dma_wait3A_1617, %dma_wait3A_1623, %dma_wait3A_1624] : memref<32x8x128xf32, #tpu.memory_space<vmem>> -> memref<1x8x128xf32, #tpu.memory_space<vmem>>
    %dma_wait3A_1626 = tpu.memref_squeeze %dma_wait3A_1625 : memref<1x8x128xf32, #tpu.memory_space<vmem>> -> memref<8x128xf32, #tpu.memory_space<vmem>>
    %dma_wait3A_1627 = tpu.memref_slice %arg2[%mul3A_973, %mul3A_977] : memref<1024x100000xf32, #tpu.memory_space<hbm>> -> memref<8x128xf32, #tpu.memory_space<hbm>>
    tpu.wait_dma2 semaphore(%arg8 : memref<!tpu.dma_semaphore, #tpu.memory_space<semaphore_mem>>) src(%dma_wait3A_1627 : memref<8x128xf32, #tpu.memory_space<hbm>>) dst(%dma_wait3A_1626 : memref<8x128xf32, #tpu.memory_space<vmem>>)
    %dma_wait3A_1628 = arith.constant 23 : i32
    %dma_wait3A_1629 = arith.constant 0 : i32
    %dma_wait3A_1630 = arith.constant 0 : i32
    %dma_wait3A_1631 = tpu.memref_slice %arg6[%dma_wait3A_1628, %dma_wait3A_1629, %dma_wait3A_1630] : memref<32x8x128xf32, #tpu.memory_space<vmem>> -> memref<1x8x128xf32, #tpu.memory_space<vmem>>
    %dma_wait3A_1632 = tpu.memref_squeeze %dma_wait3A_1631 : memref<1x8x128xf32, #tpu.memory_space<vmem>> -> memref<8x128xf32, #tpu.memory_space<vmem>>
    %dma_wait3A_1633 = tpu.memref_slice %arg2[%mul3A_1016, %mul3A_1020] : memref<1024x100000xf32, #tpu.memory_space<hbm>> -> memref<8x128xf32, #tpu.memory_space<hbm>>
    %dma_wait3A_1634 = arith.constant 0 : i32
    %dma_wait3A_1635 = arith.constant 0 : i32
    %dma_wait3A_1636 = tpu.memref_slice %arg6[%dma_wait3A_1628, %dma_wait3A_1634, %dma_wait3A_1635] : memref<32x8x128xf32, #tpu.memory_space<vmem>> -> memref<1x8x128xf32, #tpu.memory_space<vmem>>
    %dma_wait3A_1637 = tpu.memref_squeeze %dma_wait3A_1636 : memref<1x8x128xf32, #tpu.memory_space<vmem>> -> memref<8x128xf32, #tpu.memory_space<vmem>>
    %dma_wait3A_1638 = tpu.memref_slice %arg2[%mul3A_1016, %mul3A_1020] : memref<1024x100000xf32, #tpu.memory_space<hbm>> -> memref<8x128xf32, #tpu.memory_space<hbm>>
    tpu.wait_dma2 semaphore(%arg8 : memref<!tpu.dma_semaphore, #tpu.memory_space<semaphore_mem>>) src(%dma_wait3A_1638 : memref<8x128xf32, #tpu.memory_space<hbm>>) dst(%dma_wait3A_1637 : memref<8x128xf32, #tpu.memory_space<vmem>>)
    %dma_wait3A_1639 = arith.constant 24 : i32
    %dma_wait3A_1640 = arith.constant 0 : i32
    %dma_wait3A_1641 = arith.constant 0 : i32
    %dma_wait3A_1642 = tpu.memref_slice %arg6[%dma_wait3A_1639, %dma_wait3A_1640, %dma_wait3A_1641] : memref<32x8x128xf32, #tpu.memory_space<vmem>> -> memref<1x8x128xf32, #tpu.memory_space<vmem>>
    %dma_wait3A_1643 = tpu.memref_squeeze %dma_wait3A_1642 : memref<1x8x128xf32, #tpu.memory_space<vmem>> -> memref<8x128xf32, #tpu.memory_space<vmem>>
    %dma_wait3A_1644 = tpu.memref_slice %arg2[%mul3A_1059, %mul3A_1063] : memref<1024x100000xf32, #tpu.memory_space<hbm>> -> memref<8x128xf32, #tpu.memory_space<hbm>>
    %dma_wait3A_1645 = arith.constant 0 : i32
    %dma_wait3A_1646 = arith.constant 0 : i32
    %dma_wait3A_1647 = tpu.memref_slice %arg6[%dma_wait3A_1639, %dma_wait3A_1645, %dma_wait3A_1646] : memref<32x8x128xf32, #tpu.memory_space<vmem>> -> memref<1x8x128xf32, #tpu.memory_space<vmem>>
    %dma_wait3A_1648 = tpu.memref_squeeze %dma_wait3A_1647 : memref<1x8x128xf32, #tpu.memory_space<vmem>> -> memref<8x128xf32, #tpu.memory_space<vmem>>
    %dma_wait3A_1649 = tpu.memref_slice %arg2[%mul3A_1059, %mul3A_1063] : memref<1024x100000xf32, #tpu.memory_space<hbm>> -> memref<8x128xf32, #tpu.memory_space<hbm>>
    tpu.wait_dma2 semaphore(%arg8 : memref<!tpu.dma_semaphore, #tpu.memory_space<semaphore_mem>>) src(%dma_wait3A_1649 : memref<8x128xf32, #tpu.memory_space<hbm>>) dst(%dma_wait3A_1648 : memref<8x128xf32, #tpu.memory_space<vmem>>)
    %dma_wait3A_1650 = arith.constant 25 : i32
    %dma_wait3A_1651 = arith.constant 0 : i32
    %dma_wait3A_1652 = arith.constant 0 : i32
    %dma_wait3A_1653 = tpu.memref_slice %arg6[%dma_wait3A_1650, %dma_wait3A_1651, %dma_wait3A_1652] : memref<32x8x128xf32, #tpu.memory_space<vmem>> -> memref<1x8x128xf32, #tpu.memory_space<vmem>>
    %dma_wait3A_1654 = tpu.memref_squeeze %dma_wait3A_1653 : memref<1x8x128xf32, #tpu.memory_space<vmem>> -> memref<8x128xf32, #tpu.memory_space<vmem>>
    %dma_wait3A_1655 = tpu.memref_slice %arg2[%mul3A_1102, %mul3A_1106] : memref<1024x100000xf32, #tpu.memory_space<hbm>> -> memref<8x128xf32, #tpu.memory_space<hbm>>
    %dma_wait3A_1656 = arith.constant 0 : i32
    %dma_wait3A_1657 = arith.constant 0 : i32
    %dma_wait3A_1658 = tpu.memref_slice %arg6[%dma_wait3A_1650, %dma_wait3A_1656, %dma_wait3A_1657] : memref<32x8x128xf32, #tpu.memory_space<vmem>> -> memref<1x8x128xf32, #tpu.memory_space<vmem>>
    %dma_wait3A_1659 = tpu.memref_squeeze %dma_wait3A_1658 : memref<1x8x128xf32, #tpu.memory_space<vmem>> -> memref<8x128xf32, #tpu.memory_space<vmem>>
    %dma_wait3A_1660 = tpu.memref_slice %arg2[%mul3A_1102, %mul3A_1106] : memref<1024x100000xf32, #tpu.memory_space<hbm>> -> memref<8x128xf32, #tpu.memory_space<hbm>>
    tpu.wait_dma2 semaphore(%arg8 : memref<!tpu.dma_semaphore, #tpu.memory_space<semaphore_mem>>) src(%dma_wait3A_1660 : memref<8x128xf32, #tpu.memory_space<hbm>>) dst(%dma_wait3A_1659 : memref<8x128xf32, #tpu.memory_space<vmem>>)
    %dma_wait3A_1661 = arith.constant 26 : i32
    %dma_wait3A_1662 = arith.constant 0 : i32
    %dma_wait3A_1663 = arith.constant 0 : i32
    %dma_wait3A_1664 = tpu.memref_slice %arg6[%dma_wait3A_1661, %dma_wait3A_1662, %dma_wait3A_1663] : memref<32x8x128xf32, #tpu.memory_space<vmem>> -> memref<1x8x128xf32, #tpu.memory_space<vmem>>
    %dma_wait3A_1665 = tpu.memref_squeeze %dma_wait3A_1664 : memref<1x8x128xf32, #tpu.memory_space<vmem>> -> memref<8x128xf32, #tpu.memory_space<vmem>>
    %dma_wait3A_1666 = tpu.memref_slice %arg2[%mul3A_1145, %mul3A_1149] : memref<1024x100000xf32, #tpu.memory_space<hbm>> -> memref<8x128xf32, #tpu.memory_space<hbm>>
    %dma_wait3A_1667 = arith.constant 0 : i32
    %dma_wait3A_1668 = arith.constant 0 : i32
    %dma_wait3A_1669 = tpu.memref_slice %arg6[%dma_wait3A_1661, %dma_wait3A_1667, %dma_wait3A_1668] : memref<32x8x128xf32, #tpu.memory_space<vmem>> -> memref<1x8x128xf32, #tpu.memory_space<vmem>>
    %dma_wait3A_1670 = tpu.memref_squeeze %dma_wait3A_1669 : memref<1x8x128xf32, #tpu.memory_space<vmem>> -> memref<8x128xf32, #tpu.memory_space<vmem>>
    %dma_wait3A_1671 = tpu.memref_slice %arg2[%mul3A_1145, %mul3A_1149] : memref<1024x100000xf32, #tpu.memory_space<hbm>> -> memref<8x128xf32, #tpu.memory_space<hbm>>
    tpu.wait_dma2 semaphore(%arg8 : memref<!tpu.dma_semaphore, #tpu.memory_space<semaphore_mem>>) src(%dma_wait3A_1671 : memref<8x128xf32, #tpu.memory_space<hbm>>) dst(%dma_wait3A_1670 : memref<8x128xf32, #tpu.memory_space<vmem>>)
    %dma_wait3A_1672 = arith.constant 27 : i32
    %dma_wait3A_1673 = arith.constant 0 : i32
    %dma_wait3A_1674 = arith.constant 0 : i32
    %dma_wait3A_1675 = tpu.memref_slice %arg6[%dma_wait3A_1672, %dma_wait3A_1673, %dma_wait3A_1674] : memref<32x8x128xf32, #tpu.memory_space<vmem>> -> memref<1x8x128xf32, #tpu.memory_space<vmem>>
    %dma_wait3A_1676 = tpu.memref_squeeze %dma_wait3A_1675 : memref<1x8x128xf32, #tpu.memory_space<vmem>> -> memref<8x128xf32, #tpu.memory_space<vmem>>
    %dma_wait3A_1677 = tpu.memref_slice %arg2[%mul3A_1188, %mul3A_1192] : memref<1024x100000xf32, #tpu.memory_space<hbm>> -> memref<8x128xf32, #tpu.memory_space<hbm>>
    %dma_wait3A_1678 = arith.constant 0 : i32
    %dma_wait3A_1679 = arith.constant 0 : i32
    %dma_wait3A_1680 = tpu.memref_slice %arg6[%dma_wait3A_1672, %dma_wait3A_1678, %dma_wait3A_1679] : memref<32x8x128xf32, #tpu.memory_space<vmem>> -> memref<1x8x128xf32, #tpu.memory_space<vmem>>
    %dma_wait3A_1681 = tpu.memref_squeeze %dma_wait3A_1680 : memref<1x8x128xf32, #tpu.memory_space<vmem>> -> memref<8x128xf32, #tpu.memory_space<vmem>>
    %dma_wait3A_1682 = tpu.memref_slice %arg2[%mul3A_1188, %mul3A_1192] : memref<1024x100000xf32, #tpu.memory_space<hbm>> -> memref<8x128xf32, #tpu.memory_space<hbm>>
    tpu.wait_dma2 semaphore(%arg8 : memref<!tpu.dma_semaphore, #tpu.memory_space<semaphore_mem>>) src(%dma_wait3A_1682 : memref<8x128xf32, #tpu.memory_space<hbm>>) dst(%dma_wait3A_1681 : memref<8x128xf32, #tpu.memory_space<vmem>>)
    %dma_wait3A_1683 = arith.constant 28 : i32
    %dma_wait3A_1684 = arith.constant 0 : i32
    %dma_wait3A_1685 = arith.constant 0 : i32
    %dma_wait3A_1686 = tpu.memref_slice %arg6[%dma_wait3A_1683, %dma_wait3A_1684, %dma_wait3A_1685] : memref<32x8x128xf32, #tpu.memory_space<vmem>> -> memref<1x8x128xf32, #tpu.memory_space<vmem>>
    %dma_wait3A_1687 = tpu.memref_squeeze %dma_wait3A_1686 : memref<1x8x128xf32, #tpu.memory_space<vmem>> -> memref<8x128xf32, #tpu.memory_space<vmem>>
    %dma_wait3A_1688 = tpu.memref_slice %arg2[%mul3A_1231, %mul3A_1235] : memref<1024x100000xf32, #tpu.memory_space<hbm>> -> memref<8x128xf32, #tpu.memory_space<hbm>>
    %dma_wait3A_1689 = arith.constant 0 : i32
    %dma_wait3A_1690 = arith.constant 0 : i32
    %dma_wait3A_1691 = tpu.memref_slice %arg6[%dma_wait3A_1683, %dma_wait3A_1689, %dma_wait3A_1690] : memref<32x8x128xf32, #tpu.memory_space<vmem>> -> memref<1x8x128xf32, #tpu.memory_space<vmem>>
    %dma_wait3A_1692 = tpu.memref_squeeze %dma_wait3A_1691 : memref<1x8x128xf32, #tpu.memory_space<vmem>> -> memref<8x128xf32, #tpu.memory_space<vmem>>
    %dma_wait3A_1693 = tpu.memref_slice %arg2[%mul3A_1231, %mul3A_1235] : memref<1024x100000xf32, #tpu.memory_space<hbm>> -> memref<8x128xf32, #tpu.memory_space<hbm>>
    tpu.wait_dma2 semaphore(%arg8 : memref<!tpu.dma_semaphore, #tpu.memory_space<semaphore_mem>>) src(%dma_wait3A_1693 : memref<8x128xf32, #tpu.memory_space<hbm>>) dst(%dma_wait3A_1692 : memref<8x128xf32, #tpu.memory_space<vmem>>)
    %dma_wait3A_1694 = arith.constant 29 : i32
    %dma_wait3A_1695 = arith.constant 0 : i32
    %dma_wait3A_1696 = arith.constant 0 : i32
    %dma_wait3A_1697 = tpu.memref_slice %arg6[%dma_wait3A_1694, %dma_wait3A_1695, %dma_wait3A_1696] : memref<32x8x128xf32, #tpu.memory_space<vmem>> -> memref<1x8x128xf32, #tpu.memory_space<vmem>>
    %dma_wait3A_1698 = tpu.memref_squeeze %dma_wait3A_1697 : memref<1x8x128xf32, #tpu.memory_space<vmem>> -> memref<8x128xf32, #tpu.memory_space<vmem>>
    %dma_wait3A_1699 = tpu.memref_slice %arg2[%mul3A_1274, %mul3A_1278] : memref<1024x100000xf32, #tpu.memory_space<hbm>> -> memref<8x128xf32, #tpu.memory_space<hbm>>
    %dma_wait3A_1700 = arith.constant 0 : i32
    %dma_wait3A_1701 = arith.constant 0 : i32
    %dma_wait3A_1702 = tpu.memref_slice %arg6[%dma_wait3A_1694, %dma_wait3A_1700, %dma_wait3A_1701] : memref<32x8x128xf32, #tpu.memory_space<vmem>> -> memref<1x8x128xf32, #tpu.memory_space<vmem>>
    %dma_wait3A_1703 = tpu.memref_squeeze %dma_wait3A_1702 : memref<1x8x128xf32, #tpu.memory_space<vmem>> -> memref<8x128xf32, #tpu.memory_space<vmem>>
    %dma_wait3A_1704 = tpu.memref_slice %arg2[%mul3A_1274, %mul3A_1278] : memref<1024x100000xf32, #tpu.memory_space<hbm>> -> memref<8x128xf32, #tpu.memory_space<hbm>>
    tpu.wait_dma2 semaphore(%arg8 : memref<!tpu.dma_semaphore, #tpu.memory_space<semaphore_mem>>) src(%dma_wait3A_1704 : memref<8x128xf32, #tpu.memory_space<hbm>>) dst(%dma_wait3A_1703 : memref<8x128xf32, #tpu.memory_space<vmem>>)
    %dma_wait3A_1705 = arith.constant 30 : i32
    %dma_wait3A_1706 = arith.constant 0 : i32
    %dma_wait3A_1707 = arith.constant 0 : i32
    %dma_wait3A_1708 = tpu.memref_slice %arg6[%dma_wait3A_1705, %dma_wait3A_1706, %dma_wait3A_1707] : memref<32x8x128xf32, #tpu.memory_space<vmem>> -> memref<1x8x128xf32, #tpu.memory_space<vmem>>
    %dma_wait3A_1709 = tpu.memref_squeeze %dma_wait3A_1708 : memref<1x8x128xf32, #tpu.memory_space<vmem>> -> memref<8x128xf32, #tpu.memory_space<vmem>>
    %dma_wait3A_1710 = tpu.memref_slice %arg2[%mul3A_1317, %mul3A_1321] : memref<1024x100000xf32, #tpu.memory_space<hbm>> -> memref<8x128xf32, #tpu.memory_space<hbm>>
    %dma_wait3A_1711 = arith.constant 0 : i32
    %dma_wait3A_1712 = arith.constant 0 : i32
    %dma_wait3A_1713 = tpu.memref_slice %arg6[%dma_wait3A_1705, %dma_wait3A_1711, %dma_wait3A_1712] : memref<32x8x128xf32, #tpu.memory_space<vmem>> -> memref<1x8x128xf32, #tpu.memory_space<vmem>>
    %dma_wait3A_1714 = tpu.memref_squeeze %dma_wait3A_1713 : memref<1x8x128xf32, #tpu.memory_space<vmem>> -> memref<8x128xf32, #tpu.memory_space<vmem>>
    %dma_wait3A_1715 = tpu.memref_slice %arg2[%mul3A_1317, %mul3A_1321] : memref<1024x100000xf32, #tpu.memory_space<hbm>> -> memref<8x128xf32, #tpu.memory_space<hbm>>
    tpu.wait_dma2 semaphore(%arg8 : memref<!tpu.dma_semaphore, #tpu.memory_space<semaphore_mem>>) src(%dma_wait3A_1715 : memref<8x128xf32, #tpu.memory_space<hbm>>) dst(%dma_wait3A_1714 : memref<8x128xf32, #tpu.memory_space<vmem>>)
    %dma_wait3A_1716 = arith.constant 31 : i32
    %dma_wait3A_1717 = arith.constant 0 : i32
    %dma_wait3A_1718 = arith.constant 0 : i32
    %dma_wait3A_1719 = tpu.memref_slice %arg6[%dma_wait3A_1716, %dma_wait3A_1717, %dma_wait3A_1718] : memref<32x8x128xf32, #tpu.memory_space<vmem>> -> memref<1x8x128xf32, #tpu.memory_space<vmem>>
    %dma_wait3A_1720 = tpu.memref_squeeze %dma_wait3A_1719 : memref<1x8x128xf32, #tpu.memory_space<vmem>> -> memref<8x128xf32, #tpu.memory_space<vmem>>
    %dma_wait3A_1721 = tpu.memref_slice %arg2[%mul3A_1360, %mul3A_1364] : memref<1024x100000xf32, #tpu.memory_space<hbm>> -> memref<8x128xf32, #tpu.memory_space<hbm>>
    %dma_wait3A_1722 = arith.constant 0 : i32
    %dma_wait3A_1723 = arith.constant 0 : i32
    %dma_wait3A_1724 = tpu.memref_slice %arg6[%dma_wait3A_1716, %dma_wait3A_1722, %dma_wait3A_1723] : memref<32x8x128xf32, #tpu.memory_space<vmem>> -> memref<1x8x128xf32, #tpu.memory_space<vmem>>
    %dma_wait3A_1725 = tpu.memref_squeeze %dma_wait3A_1724 : memref<1x8x128xf32, #tpu.memory_space<vmem>> -> memref<8x128xf32, #tpu.memory_space<vmem>>
    %dma_wait3A_1726 = tpu.memref_slice %arg2[%mul3A_1360, %mul3A_1364] : memref<1024x100000xf32, #tpu.memory_space<hbm>> -> memref<8x128xf32, #tpu.memory_space<hbm>>
    tpu.wait_dma2 semaphore(%arg8 : memref<!tpu.dma_semaphore, #tpu.memory_space<semaphore_mem>>) src(%dma_wait3A_1726 : memref<8x128xf32, #tpu.memory_space<hbm>>) dst(%dma_wait3A_1725 : memref<8x128xf32, #tpu.memory_space<vmem>>)
    %get3A_1727 = arith.constant 0 : index
    %get3A_1728 = tpu.vector_load %arg5[%get3A_1727] {strides = array<i32>} : memref<32xi32, #tpu.memory_space<vmem>>, vector<16xi32>,
    %shift_right_logical3A_1729 = arith.constant 7 : i32
    %shift_right_logical3A_1730 = vector.broadcast %shift_right_logical3A_1729 : i32 to vector<16xi32>
    %shift_right_logical3A_1731 = arith.shrui %get3A_1728, %shift_right_logical3A_1730 : vector<16xi32>
    %shift_left3A = arith.constant 7 : i32
    %shift_left3A_1732 = vector.broadcast %shift_left3A : i32 to vector<16xi32>
    %shift_left3A_1733 = arith.shli %shift_right_logical3A_1731, %shift_left3A_1732 : vector<16xi32>
    %sub3A_1734 = arith.subi %get3A_1728, %shift_left3A_1733 : vector<16xi32>
    %iota3A = tpu.iota {dimensions = array<i32: 0>} : vector<16xi32>
    %add3A_1735 = arith.constant 0 : i32
    %add3A_1736 = vector.broadcast %add3A_1735 : i32 to vector<16xi32>
    %add3A_1737 = arith.addi %iota3A, %add3A_1736 : vector<16xi32>
    %add3A_1738 = vector.broadcast %mul3A_2 : i32 to vector<16xi32>
    %add3A_1739 = arith.addi %add3A_1737, %add3A_1738 : vector<16xi32>
    %jit3A_1740 = arith.constant 8 : i32
    %eq3A = arith.constant 0 : i32
    %eq3A_1741 = arith.cmpi eq, %jit3A_1740, %eq3A : i32
    %jit3A_1742 = arith.constant 1 : i32
    %select_n3A_1743 = arith.select %eq3A_1741, %jit3A_1742, %jit3A_1740 : i32
    %rem3A_1744 = vector.broadcast %select_n3A_1743 : i32 to vector<16xi32>
    %rem3A_1745 = arith.remsi %add3A_1739, %rem3A_1744 : vector<16xi32>
    %ne3A_1746 = arith.constant 0 : i32
    %ne3A_1747 = vector.broadcast %ne3A_1746 : i32 to vector<16xi32>
    %ne3A_1748 = arith.cmpi ne, %rem3A_1745, %ne3A_1747 : vector<16xi32>
    %lt3A = arith.constant 0 : i32
    %lt3A_1749 = vector.broadcast %lt3A : i32 to vector<16xi32>
    %lt3A_1750 = arith.cmpi slt, %rem3A_1745, %lt3A_1749 : vector<16xi32>
    %lt3A_1751 = arith.constant 0 : i32
    %lt3A_1752 = arith.cmpi slt, %select_n3A_1743, %lt3A_1751 : i32
    %ne3A_1753 = vector.broadcast %lt3A_1752 : i1 to vector<16xi1>
    %ne3A_1754 = vector.broadcast %ne3A_1753 : vector<16xi1> to vector<16xi1>
    %ne3A_1755 = arith.xori %lt3A_1750, %ne3A_1754 : vector<16xi1>
    %and3A_1756 = arith.andi %ne3A_1755, %ne3A_1748 : vector<16xi1>
    %add3A_1757 = vector.broadcast %select_n3A_1743 : i32 to vector<16xi32>
    %add3A_1758 = arith.addi %rem3A_1745, %add3A_1757 : vector<16xi32>
    %select_n3A_1759 = arith.select %and3A_1756, %add3A_1758, %rem3A_1745 : vector<16xi1>, vector<16xi32>
    %gather3A = tpu.vector_load_idx %arg6[%add3A_1737, %select_n3A_1759, %sub3A_1734] : memref<32x8x128xf32, #tpu.memory_space<vmem>>[vector<16xi32>, vector<16xi32>, vector<16xi32>], vector<16xf32>,
    %swap3A = arith.constant 0 : index
    %swap3A_1760 = tpu.vector_load %arg7[%swap3A] {strides = array<i32>} : memref<32xf32, #tpu.memory_space<vmem>>, vector<16xf32>,
    tpu.vector_store %arg7[%swap3A], %gather3A {strides = array<i32>} : memref<32xf32, #tpu.memory_space<vmem>>, vector<16xf32>,
    %get3A_1761 = arith.constant 16 : index
    %get3A_1762 = tpu.vector_load %arg5[%get3A_1761] {strides = array<i32>} : memref<32xi32, #tpu.memory_space<vmem>>, vector<16xi32>,
    %shift_right_logical3A_1763 = arith.constant 7 : i32
    %shift_right_logical3A_1764 = vector.broadcast %shift_right_logical3A_1763 : i32 to vector<16xi32>
    %shift_right_logical3A_1765 = arith.shrui %get3A_1762, %shift_right_logical3A_1764 : vector<16xi32>
    %shift_left3A_1766 = arith.constant 7 : i32
    %shift_left3A_1767 = vector.broadcast %shift_left3A_1766 : i32 to vector<16xi32>
    %shift_left3A_1768 = arith.shli %shift_right_logical3A_1765, %shift_left3A_1767 : vector<16xi32>
    %sub3A_1769 = arith.subi %get3A_1762, %shift_left3A_1768 : vector<16xi32>
    %iota3A_1770 = tpu.iota {dimensions = array<i32: 0>} : vector<16xi32>
    %add3A_1771 = arith.constant 16 : i32
    %add3A_1772 = vector.broadcast %add3A_1771 : i32 to vector<16xi32>
    %add3A_1773 = arith.addi %iota3A_1770, %add3A_1772 : vector<16xi32>
    %add3A_1774 = vector.broadcast %mul3A_2 : i32 to vector<16xi32>
    %add3A_1775 = arith.addi %add3A_1773, %add3A_1774 : vector<16xi32>
    %jit3A_1776 = arith.constant 8 : i32
    %eq3A_1777 = arith.constant 0 : i32
    %eq3A_1778 = arith.cmpi eq, %jit3A_1776, %eq3A_1777 : i32
    %jit3A_1779 = arith.constant 1 : i32
    %select_n3A_1780 = arith.select %eq3A_1778, %jit3A_1779, %jit3A_1776 : i32
    %rem3A_1781 = vector.broadcast %select_n3A_1780 : i32 to vector<16xi32>
    %rem3A_1782 = arith.remsi %add3A_1775, %rem3A_1781 : vector<16xi32>
    %ne3A_1783 = arith.constant 0 : i32
    %ne3A_1784 = vector.broadcast %ne3A_1783 : i32 to vector<16xi32>
    %ne3A_1785 = arith.cmpi ne, %rem3A_1782, %ne3A_1784 : vector<16xi32>
    %lt3A_1786 = arith.constant 0 : i32
    %lt3A_1787 = vector.broadcast %lt3A_1786 : i32 to vector<16xi32>
    %lt3A_1788 = arith.cmpi slt, %rem3A_1782, %lt3A_1787 : vector<16xi32>
    %lt3A_1789 = arith.constant 0 : i32
    %lt3A_1790 = arith.cmpi slt, %select_n3A_1780, %lt3A_1789 : i32
    %ne3A_1791 = vector.broadcast %lt3A_1790 : i1 to vector<16xi1>
    %ne3A_1792 = vector.broadcast %ne3A_1791 : vector<16xi1> to vector<16xi1>
    %ne3A_1793 = arith.xori %lt3A_1788, %ne3A_1792 : vector<16xi1>
    %and3A_1794 = arith.andi %ne3A_1793, %ne3A_1785 : vector<16xi1>
    %add3A_1795 = vector.broadcast %select_n3A_1780 : i32 to vector<16xi32>
    %add3A_1796 = arith.addi %rem3A_1782, %add3A_1795 : vector<16xi32>
    %select_n3A_1797 = arith.select %and3A_1794, %add3A_1796, %rem3A_1782 : vector<16xi1>, vector<16xi32>
    %gather3A_1798 = tpu.vector_load_idx %arg6[%add3A_1773, %select_n3A_1797, %sub3A_1769] : memref<32x8x128xf32, #tpu.memory_space<vmem>>[vector<16xi32>, vector<16xi32>, vector<16xi32>], vector<16xf32>,
    %swap3A_1799 = arith.constant 16 : index
    %swap3A_1800 = tpu.vector_load %arg7[%swap3A_1799] {strides = array<i32>} : memref<32xf32, #tpu.memory_space<vmem>>, vector<16xf32>,
    tpu.vector_store %arg7[%swap3A_1799], %gather3A_1798 {strides = array<i32>} : memref<32xf32, #tpu.memory_space<vmem>>, vector<16xf32>,
    "tpu.region"() ({
      %run_scoped3A = tpu.sem_alloc : memref<!tpu.dma_semaphore, #tpu.memory_space<semaphore_mem>>
      %dma_start3A_1801 = tpu.memref_slice %arg4[%mul3A_2] : memref<1024xf32, #tpu.memory_space<hbm>> -> memref<32xf32, #tpu.memory_space<hbm>>
      %dma_start3A_1802 = tpu.memref_slice %arg4[%mul3A_2] : memref<1024xf32, #tpu.memory_space<hbm>> -> memref<32xf32, #tpu.memory_space<hbm>>
      tpu.enqueue_dma source(%arg7 : memref<32xf32, #tpu.memory_space<vmem>>) target(%dma_start3A_1802 : memref<32xf32, #tpu.memory_space<hbm>>) target_semaphore(%run_scoped3A : memref<!tpu.dma_semaphore, #tpu.memory_space<semaphore_mem>>)
      %dma_wait3A_1803 = tpu.memref_slice %arg4[%mul3A_2] : memref<1024xf32, #tpu.memory_space<hbm>> -> memref<32xf32, #tpu.memory_space<hbm>>
      %dma_wait3A_1804 = tpu.memref_slice %arg4[%mul3A_2] : memref<1024xf32, #tpu.memory_space<hbm>> -> memref<32xf32, #tpu.memory_space<hbm>>
      tpu.wait_dma2 semaphore(%run_scoped3A : memref<!tpu.dma_semaphore, #tpu.memory_space<semaphore_mem>>) src(%arg7 : memref<32xf32, #tpu.memory_space<vmem>>) dst(%dma_wait3A_1804 : memref<32xf32, #tpu.memory_space<hbm>>)
      tpu.yield
    }) : () -> ()
    return
  }
}

module attributes {stable_mosaic.version = 14 : i64} {
  func.func @_combine_body(%arg0: memref<1x1x1xf32, #tpu.memory_space<vmem>>, %arg1: memref<1024x1xf32, #tpu.memory_space<vmem>>, %arg2: memref<1x1xf32, #tpu.memory_space<vmem>>) attributes {dimension_semantics = [], scalar_prefetch = 0 : i64, scratch_operands = 0 : i64, tpu.core_type = #tpu.core_type<tc>} {
    %get3A = arith.constant 0 : index
    %get3A_0 = arith.constant 0 : index
    %get3A_1 = arith.constant 0 : index
    %get3A_2 = vector.load %arg0[%get3A, %get3A_0, %get3A_1] : memref<1x1x1xf32, #tpu.memory_space<vmem>>, vector<1x1x1xf32>
    %reduce_sum3A = vector.shape_cast %get3A_2 : vector<1x1x1xf32> to vector<1x1x1x1xf32>
    %reduce_sum3A_3 = arith.constant dense<0.000000e+00> : vector<1xf32>
    %reduce_sum3A_4 = vector.multi_reduction <add>, %reduce_sum3A, %reduce_sum3A_3 [1, 2, 3] : vector<1x1x1x1xf32> to vector<1xf32>
    %reduce_sum3A_5 = vector.shape_cast %reduce_sum3A_4 : vector<1xf32> to vector<1x1x1x1xf32>
    %reduce_sum3A_6 = vector.extract %reduce_sum3A_5[0, 0, 0, 0] : f32 from vector<1x1x1x1xf32>
    %get3A_7 = arith.constant 0 : index
    %get3A_8 = arith.constant 0 : index
    %get3A_9 = vector.load %arg1[%get3A_7, %get3A_8] : memref<1024x1xf32, #tpu.memory_space<vmem>>, vector<1024x1xf32>
    %reduce_sum3A_10 = vector.shape_cast %get3A_9 : vector<1024x1xf32> to vector<1x1024x1xf32>
    %reduce_sum3A_11 = arith.constant dense<0.000000e+00> : vector<1xf32>
    %reduce_sum3A_12 = vector.multi_reduction <add>, %reduce_sum3A_10, %reduce_sum3A_11 [1, 2] : vector<1x1024x1xf32> to vector<1xf32>
    %reduce_sum3A_13 = vector.shape_cast %reduce_sum3A_12 : vector<1xf32> to vector<1x1x1xf32>
    %reduce_sum3A_14 = vector.extract %reduce_sum3A_13[0, 0, 0] : f32 from vector<1x1x1xf32>
    %mul3A = arith.constant 8.999990e-01 : f32
    %mul3A_15 = arith.mulf %mul3A, %reduce_sum3A_14 : f32
    %sub3A = arith.subf %reduce_sum3A_6, %mul3A_15 : f32
    %reshape3A = vector.broadcast %sub3A : f32 to vector<1x1xf32>
    %div3A = arith.constant 1.024000e+03 : f32
    %div3A_16 = vector.broadcast %div3A : f32 to vector<1x1xf32>
    %div3A_17 = arith.divf %reshape3A, %div3A_16 : vector<1x1xf32>
    %swap3A = arith.constant 0 : index
    %swap3A_18 = arith.constant 0 : index
    %swap3A_19 = vector.load %arg2[%swap3A, %swap3A_18] : memref<1x1xf32, #tpu.memory_space<vmem>>, vector<1x1xf32>
    tpu.vector_store %arg2[%swap3A, %swap3A_18], %div3A_17 {strides = array<i32>} : memref<1x1xf32, #tpu.memory_space<vmem>>, vector<1x1xf32>,
    return
  }
}

module attributes {stable_mosaic.version = 14 : i64} {
  func.func @_loss_body(%arg0: i32, %arg1: i32, %arg2: memref<1024x3584xf32, #tpu.memory_space<vmem>>, %arg3: memref<1x1x1xf32, #tpu.memory_space<vmem>>, %arg4: memref<1024x1xf32, #tpu.memory_space<vmem>>, %arg5: memref<1024x1xf32, #tpu.memory_space<vmem>>, %arg6: memref<1024x1xf32, #tpu.memory_space<vmem>>) attributes {dimension_semantics = [#tpu.dimension_semantics<parallel>, #tpu.dimension_semantics<arbitrary>], iteration_bounds = array<i64: 1, 28>, scalar_prefetch = 0 : i64, scratch_operands = 3 : i64, tpu.core_type = #tpu.core_type<tc>, window_params = [{transform_indices = @transform_0, window_bounds = array<i64: 1024, 3584>}, {transform_indices = @transform_1, window_bounds = array<i64: 1, 1, 1>}]} {
    %eq3A = arith.constant 0 : i32
    %eq3A_0 = arith.cmpi eq, %arg1, %eq3A : i32
    %convert_element_type3A = arith.extui %eq3A_0 : i1 to i32
    %cond3A = arith.constant 0 : i32
    %cond3A_1 = arith.cmpi ne, %convert_element_type3A, %cond3A : i32
    scf.if %cond3A_1 {
      %broadcast_in_dim3A = arith.constant 0xFF800000 : f32
      %broadcast_in_dim3A_11 = vector.broadcast %broadcast_in_dim3A : f32 to vector<1024x1xf32>
      %swap3A = arith.constant 0 : index
      %swap3A_12 = arith.constant 0 : index
      %swap3A_13 = vector.load %arg4[%swap3A, %swap3A_12] : memref<1024x1xf32, #tpu.memory_space<vmem>>, vector<1024x1xf32>
      tpu.vector_store %arg4[%swap3A, %swap3A_12], %broadcast_in_dim3A_11 {strides = array<i32>} : memref<1024x1xf32, #tpu.memory_space<vmem>>, vector<1024x1xf32>,
      %broadcast_in_dim3A_14 = arith.constant 0.000000e+00 : f32
      %broadcast_in_dim3A_15 = vector.broadcast %broadcast_in_dim3A_14 : f32 to vector<1024x1xf32>
      %swap3A_16 = arith.constant 0 : index
      %swap3A_17 = arith.constant 0 : index
      %swap3A_18 = vector.load %arg5[%swap3A_16, %swap3A_17] : memref<1024x1xf32, #tpu.memory_space<vmem>>, vector<1024x1xf32>
      tpu.vector_store %arg5[%swap3A_16, %swap3A_17], %broadcast_in_dim3A_15 {strides = array<i32>} : memref<1024x1xf32, #tpu.memory_space<vmem>>, vector<1024x1xf32>,
      %broadcast_in_dim3A_19 = arith.constant 0.000000e+00 : f32
      %broadcast_in_dim3A_20 = vector.broadcast %broadcast_in_dim3A_19 : f32 to vector<1024x1xf32>
      %swap3A_21 = arith.constant 0 : index
      %swap3A_22 = arith.constant 0 : index
      %swap3A_23 = vector.load %arg6[%swap3A_21, %swap3A_22] : memref<1024x1xf32, #tpu.memory_space<vmem>>, vector<1024x1xf32>
      tpu.vector_store %arg6[%swap3A_21, %swap3A_22], %broadcast_in_dim3A_20 {strides = array<i32>} : memref<1024x1xf32, #tpu.memory_space<vmem>>, vector<1024x1xf32>,
    } else {
    }
    %lt3A = arith.constant 27 : i32
    %lt3A_2 = arith.cmpi slt, %arg1, %lt3A : i32
    %convert_element_type3A_3 = arith.extui %lt3A_2 : i1 to i32
    %cond3A_4 = arith.constant 0 : i32
    %cond3A_5 = arith.cmpi ne, %convert_element_type3A_3, %cond3A_4 : i32
    scf.if %cond3A_5 {
      %get3A = arith.constant 0 : index
      %get3A_11 = arith.constant 0 : index
      %get3A_12 = vector.load %arg2[%get3A, %get3A_11] : memref<1024x3584xf32, #tpu.memory_space<vmem>>, vector<1024x3584xf32>
      %reduce_max3A = arith.constant dense<0xFF800000> : vector<1024xf32>
      %reduce_max3A_13 = vector.multi_reduction <maximumf>, %get3A_12, %reduce_max3A [1] : vector<1024x3584xf32> to vector<1024xf32>
      %broadcast_in_dim3A = vector.shape_cast %reduce_max3A_13 : vector<1024xf32> to vector<1024x1xf32>
      %get3A_14 = arith.constant 0 : index
      %get3A_15 = arith.constant 0 : index
      %get3A_16 = vector.load %arg4[%get3A_14, %get3A_15] : memref<1024x1xf32, #tpu.memory_space<vmem>>, vector<1024x1xf32>
      %max3A = arith.maximumf %get3A_16, %broadcast_in_dim3A : vector<1024x1xf32>
      %get3A_17 = arith.constant 0 : index
      %get3A_18 = arith.constant 0 : index
      %get3A_19 = vector.load %arg4[%get3A_17, %get3A_18] : memref<1024x1xf32, #tpu.memory_space<vmem>>, vector<1024x1xf32>
      %sub3A = arith.subf %get3A_19, %max3A : vector<1024x1xf32>
      %exp3A = math.exp %sub3A : vector<1024x1xf32>
      %get3A_20 = arith.constant 0 : index
      %get3A_21 = arith.constant 0 : index
      %get3A_22 = vector.load %arg5[%get3A_20, %get3A_21] : memref<1024x1xf32, #tpu.memory_space<vmem>>, vector<1024x1xf32>
      %mul3A = arith.mulf %get3A_22, %exp3A : vector<1024x1xf32>
      %sub3A_23 = vector.broadcast %max3A : vector<1024x1xf32> to vector<1024x3584xf32>
      %sub3A_24 = arith.subf %get3A_12, %sub3A_23 : vector<1024x3584xf32>
      %exp3A_25 = math.exp %sub3A_24 : vector<1024x3584xf32>
      %reduce_sum3A = arith.constant dense<0.000000e+00> : vector<1024xf32>
      %reduce_sum3A_26 = vector.multi_reduction <add>, %exp3A_25, %reduce_sum3A [1] : vector<1024x3584xf32> to vector<1024xf32>
      %broadcast_in_dim3A_27 = vector.shape_cast %reduce_sum3A_26 : vector<1024xf32> to vector<1024x1xf32>
      %add3A = arith.addf %mul3A, %broadcast_in_dim3A_27 : vector<1024x1xf32>
      %swap3A = arith.constant 0 : index
      %swap3A_28 = arith.constant 0 : index
      %swap3A_29 = vector.load %arg5[%swap3A, %swap3A_28] : memref<1024x1xf32, #tpu.memory_space<vmem>>, vector<1024x1xf32>
      tpu.vector_store %arg5[%swap3A, %swap3A_28], %add3A {strides = array<i32>} : memref<1024x1xf32, #tpu.memory_space<vmem>>, vector<1024x1xf32>,
      %get3A_30 = arith.constant 0 : index
      %get3A_31 = arith.constant 0 : index
      %get3A_32 = vector.load %arg6[%get3A_30, %get3A_31] : memref<1024x1xf32, #tpu.memory_space<vmem>>, vector<1024x1xf32>
      %reduce_sum3A_33 = arith.constant dense<0.000000e+00> : vector<1024xf32>
      %reduce_sum3A_34 = vector.multi_reduction <add>, %get3A_12, %reduce_sum3A_33 [1] : vector<1024x3584xf32> to vector<1024xf32>
      %broadcast_in_dim3A_35 = vector.shape_cast %reduce_sum3A_34 : vector<1024xf32> to vector<1024x1xf32>
      %add3A_36 = arith.addf %get3A_32, %broadcast_in_dim3A_35 : vector<1024x1xf32>
      %swap3A_37 = arith.constant 0 : index
      %swap3A_38 = arith.constant 0 : index
      %swap3A_39 = vector.load %arg6[%swap3A_37, %swap3A_38] : memref<1024x1xf32, #tpu.memory_space<vmem>>, vector<1024x1xf32>
      tpu.vector_store %arg6[%swap3A_37, %swap3A_38], %add3A_36 {strides = array<i32>} : memref<1024x1xf32, #tpu.memory_space<vmem>>, vector<1024x1xf32>,
      %swap3A_40 = arith.constant 0 : index
      %swap3A_41 = arith.constant 0 : index
      %swap3A_42 = vector.load %arg4[%swap3A_40, %swap3A_41] : memref<1024x1xf32, #tpu.memory_space<vmem>>, vector<1024x1xf32>
      tpu.vector_store %arg4[%swap3A_40, %swap3A_41], %max3A {strides = array<i32>} : memref<1024x1xf32, #tpu.memory_space<vmem>>, vector<1024x1xf32>,
    } else {
    }
    %eq3A_6 = arith.constant 27 : i32
    %eq3A_7 = arith.cmpi eq, %arg1, %eq3A_6 : i32
    %convert_element_type3A_8 = arith.extui %eq3A_7 : i1 to i32
    %cond3A_9 = arith.constant 0 : i32
    %cond3A_10 = arith.cmpi ne, %convert_element_type3A_8, %cond3A_9 : i32
    scf.if %cond3A_10 {
      %get3A = arith.constant 0 : index
      %get3A_11 = arith.constant 0 : index
      %get3A_12 = vector.load %arg2[%get3A, %get3A_11] : memref<1024x3584xf32, #tpu.memory_space<vmem>>, vector<1024x3584xf32>
      %mul3A = arith.constant 3584 : i32
      %mul3A_13 = arith.muli %arg1, %mul3A : i32
      %iota3A = tpu.iota {dimensions = array<i32: 1>} : vector<1x3584xi32>
      %add3A = vector.broadcast %mul3A_13 : i32 to vector<1x3584xi32>
      %add3A_14 = arith.addi %add3A, %iota3A : vector<1x3584xi32>
      %lt3A_15 = arith.constant 100000 : i32
      %lt3A_16 = vector.broadcast %lt3A_15 : i32 to vector<1x3584xi32>
      %lt3A_17 = arith.cmpi slt, %add3A_14, %lt3A_16 : vector<1x3584xi32>
      %jit3A = arith.constant 0xFF800000 : f32
      %broadcast_in_dim3A = vector.shape_cast %lt3A_17 : vector<1x3584xi1> to vector<1x3584xi1>
      %broadcast_in_dim3A_18 = vector.broadcast %broadcast_in_dim3A : vector<1x3584xi1> to vector<1024x3584xi1>
      %broadcast_in_dim3A_19 = vector.broadcast %jit3A : f32 to vector<1024x3584xf32>
      %select_n3A = arith.select %broadcast_in_dim3A_18, %get3A_12, %broadcast_in_dim3A_19 : vector<1024x3584xi1>, vector<1024x3584xf32>
      %jit3A_20 = arith.constant 0.000000e+00 : f32
      %broadcast_in_dim3A_21 = vector.shape_cast %lt3A_17 : vector<1x3584xi1> to vector<1x3584xi1>
      %broadcast_in_dim3A_22 = vector.broadcast %broadcast_in_dim3A_21 : vector<1x3584xi1> to vector<1024x3584xi1>
      %broadcast_in_dim3A_23 = vector.broadcast %jit3A_20 : f32 to vector<1024x3584xf32>
      %select_n3A_24 = arith.select %broadcast_in_dim3A_22, %get3A_12, %broadcast_in_dim3A_23 : vector<1024x3584xi1>, vector<1024x3584xf32>
      %reduce_max3A = arith.constant dense<0xFF800000> : vector<1024xf32>
      %reduce_max3A_25 = vector.multi_reduction <maximumf>, %select_n3A, %reduce_max3A [1] : vector<1024x3584xf32> to vector<1024xf32>
      %broadcast_in_dim3A_26 = vector.shape_cast %reduce_max3A_25 : vector<1024xf32> to vector<1024x1xf32>
      %get3A_27 = arith.constant 0 : index
      %get3A_28 = arith.constant 0 : index
      %get3A_29 = vector.load %arg4[%get3A_27, %get3A_28] : memref<1024x1xf32, #tpu.memory_space<vmem>>, vector<1024x1xf32>
      %max3A = arith.maximumf %get3A_29, %broadcast_in_dim3A_26 : vector<1024x1xf32>
      %get3A_30 = arith.constant 0 : index
      %get3A_31 = arith.constant 0 : index
      %get3A_32 = vector.load %arg4[%get3A_30, %get3A_31] : memref<1024x1xf32, #tpu.memory_space<vmem>>, vector<1024x1xf32>
      %sub3A = arith.subf %get3A_32, %max3A : vector<1024x1xf32>
      %exp3A = math.exp %sub3A : vector<1024x1xf32>
      %get3A_33 = arith.constant 0 : index
      %get3A_34 = arith.constant 0 : index
      %get3A_35 = vector.load %arg5[%get3A_33, %get3A_34] : memref<1024x1xf32, #tpu.memory_space<vmem>>, vector<1024x1xf32>
      %mul3A_36 = arith.mulf %get3A_35, %exp3A : vector<1024x1xf32>
      %sub3A_37 = vector.broadcast %max3A : vector<1024x1xf32> to vector<1024x3584xf32>
      %sub3A_38 = arith.subf %select_n3A, %sub3A_37 : vector<1024x3584xf32>
      %exp3A_39 = math.exp %sub3A_38 : vector<1024x3584xf32>
      %reduce_sum3A = arith.constant dense<0.000000e+00> : vector<1024xf32>
      %reduce_sum3A_40 = vector.multi_reduction <add>, %exp3A_39, %reduce_sum3A [1] : vector<1024x3584xf32> to vector<1024xf32>
      %broadcast_in_dim3A_41 = vector.shape_cast %reduce_sum3A_40 : vector<1024xf32> to vector<1024x1xf32>
      %add3A_42 = arith.addf %mul3A_36, %broadcast_in_dim3A_41 : vector<1024x1xf32>
      %swap3A = arith.constant 0 : index
      %swap3A_43 = arith.constant 0 : index
      %swap3A_44 = vector.load %arg5[%swap3A, %swap3A_43] : memref<1024x1xf32, #tpu.memory_space<vmem>>, vector<1024x1xf32>
      tpu.vector_store %arg5[%swap3A, %swap3A_43], %add3A_42 {strides = array<i32>} : memref<1024x1xf32, #tpu.memory_space<vmem>>, vector<1024x1xf32>,
      %get3A_45 = arith.constant 0 : index
      %get3A_46 = arith.constant 0 : index
      %get3A_47 = vector.load %arg6[%get3A_45, %get3A_46] : memref<1024x1xf32, #tpu.memory_space<vmem>>, vector<1024x1xf32>
      %reduce_sum3A_48 = arith.constant dense<0.000000e+00> : vector<1024xf32>
      %reduce_sum3A_49 = vector.multi_reduction <add>, %select_n3A_24, %reduce_sum3A_48 [1] : vector<1024x3584xf32> to vector<1024xf32>
      %broadcast_in_dim3A_50 = vector.shape_cast %reduce_sum3A_49 : vector<1024xf32> to vector<1024x1xf32>
      %add3A_51 = arith.addf %get3A_47, %broadcast_in_dim3A_50 : vector<1024x1xf32>
      %swap3A_52 = arith.constant 0 : index
      %swap3A_53 = arith.constant 0 : index
      %swap3A_54 = vector.load %arg6[%swap3A_52, %swap3A_53] : memref<1024x1xf32, #tpu.memory_space<vmem>>, vector<1024x1xf32>
      tpu.vector_store %arg6[%swap3A_52, %swap3A_53], %add3A_51 {strides = array<i32>} : memref<1024x1xf32, #tpu.memory_space<vmem>>, vector<1024x1xf32>,
      %swap3A_55 = arith.constant 0 : index
      %swap3A_56 = arith.constant 0 : index
      %swap3A_57 = vector.load %arg4[%swap3A_55, %swap3A_56] : memref<1024x1xf32, #tpu.memory_space<vmem>>, vector<1024x1xf32>
      tpu.vector_store %arg4[%swap3A_55, %swap3A_56], %max3A {strides = array<i32>} : memref<1024x1xf32, #tpu.memory_space<vmem>>, vector<1024x1xf32>,
      %get3A_58 = arith.constant 0 : index
      %get3A_59 = arith.constant 0 : index
      %get3A_60 = vector.load %arg4[%get3A_58, %get3A_59] : memref<1024x1xf32, #tpu.memory_space<vmem>>, vector<1024x1xf32>
      %get3A_61 = arith.constant 0 : index
      %get3A_62 = arith.constant 0 : index
      %get3A_63 = vector.load %arg5[%get3A_61, %get3A_62] : memref<1024x1xf32, #tpu.memory_space<vmem>>, vector<1024x1xf32>
      %log3A = math.log %get3A_63 : vector<1024x1xf32>
      %add3A_64 = arith.addf %get3A_60, %log3A : vector<1024x1xf32>
      %mul3A_65 = arith.constant 1.000000e+00 : f32
      %mul3A_66 = vector.broadcast %mul3A_65 : f32 to vector<1024x1xf32>
      %mul3A_67 = arith.mulf %mul3A_66, %add3A_64 : vector<1024x1xf32>
      %get3A_68 = arith.constant 0 : index
      %get3A_69 = arith.constant 0 : index
      %get3A_70 = vector.load %arg6[%get3A_68, %get3A_69] : memref<1024x1xf32, #tpu.memory_space<vmem>>, vector<1024x1xf32>
      %mul3A_71 = arith.constant 1.000010e-06 : f32
      %mul3A_72 = vector.broadcast %mul3A_71 : f32 to vector<1024x1xf32>
      %mul3A_73 = arith.mulf %mul3A_72, %get3A_70 : vector<1024x1xf32>
      %sub3A_74 = arith.subf %mul3A_67, %mul3A_73 : vector<1024x1xf32>
      %reduce_sum3A_75 = vector.shape_cast %sub3A_74 : vector<1024x1xf32> to vector<1x1024x1xf32>
      %reduce_sum3A_76 = arith.constant dense<0.000000e+00> : vector<1xf32>
      %reduce_sum3A_77 = vector.multi_reduction <add>, %reduce_sum3A_75, %reduce_sum3A_76 [1, 2] : vector<1x1024x1xf32> to vector<1xf32>
      %reduce_sum3A_78 = vector.shape_cast %reduce_sum3A_77 : vector<1xf32> to vector<1x1x1xf32>
      %reduce_sum3A_79 = vector.extract %reduce_sum3A_78[0, 0, 0] : f32 from vector<1x1x1xf32>
      %reshape3A = vector.broadcast %reduce_sum3A_79 : f32 to vector<1x1x1xf32>
      %swap3A_80 = arith.constant 0 : index
      %swap3A_81 = arith.constant 0 : index
      %swap3A_82 = arith.constant 0 : index
      %swap3A_83 = vector.load %arg3[%swap3A_80, %swap3A_81, %swap3A_82] : memref<1x1x1xf32, #tpu.memory_space<vmem>>, vector<1x1x1xf32>
      tpu.vector_store %arg3[%swap3A_80, %swap3A_81, %swap3A_82], %reshape3A {strides = array<i32>} : memref<1x1x1xf32, #tpu.memory_space<vmem>>, vector<1x1x1xf32>,
    } else {
    }
    return
  }
  func.func @transform_0(%arg0: i32, %arg1: i32) -> (i32, i32) {
    %c0_i32 = arith.constant 0 : i32
    return %arg0, %arg1 : i32, i32
  }
  func.func @transform_1(%arg0: i32, %arg1: i32) -> (i32, i32, i32) {
    %c0_i32 = arith.constant 0 : i32
    %c0_i32_0 = arith.constant 0 : i32
    %c0_i32_1 = arith.constant 0 : i32
    return %arg0, %c0_i32, %c0_i32_0 : i32, i32, i32
  }
}

</mosaic_0001>

<sc_bundles>
// kernel: kernel.5.cloned.1.call-start
scs
__scs_entry_jumppad:
0x0: {  	(pc) =	sbr.rel $0x88, $3  }
0x1: {  	(tag) =	ssettag $0x0;
	lr =	simm.s32 $0x1  }
0x2: {  	[smem:$0x3F9F] =	sst lr;
	_ =	strace $0xD0000000  }
0x3: {  	_ = 	snop  }
0x4: {  	_ = 	snop  }
0x5: {  	_ = 	snop  }
0x6: {  	_ = 	snop  }
0x7: {  	_ = 	snop  }
__scs_overlays_trampoline_lowered:
0x8: {  	[smem:$0x3FAE] =	sst s0  }
0x9: {  	[smem:$0x3FAF] =	sst s1  }
0xa: {  	[smem:$0x3FB0] =	sst s2  }
0xb: {  	[smem:$0x3FB1] =	sst s3  }
0xc: {  	[smem:$0x3FB2] =	sst s4  }
0xd: {  	[smem:$0x3FB3] =	sst s5  }
0xe: {  	[smem:$0x3FB4] =	sst s6  }
0xf: {  	[smem:$0x3FB5] =	sst s7  }
0x10: {  	[smem:$0x3FB6] =	sst s8  }
0x11: {  	[smem:$0x3FB7] =	sst s9;
	s0 =	simm.s32 @!p0 $0x0  }
0x12: {  	s1 =	sld [smem:$0x3F9D];
	s0 =	simm.s32 @p0 $0x1  }
0x13: {  	[smem:$0x3FB8] =	sst s0;
	s0 =	simm.s32 @!p1 $0x0  }
0x14: {  	s2 =	sld [smem:$0x3F9C];
	s0 =	simm.s32 @p1 $0x1  }
0x15: {  	[smem:$0x3FB9] =	sst s0;
	s0 =	simm.s32 @!p2 $0x0  }
0x16: {  	s3 =	sld [smem:$0x3FDB];
	s0 =	simm.s32 @p2 $0x1  }
0x17: {  	s4 =	simm.s32 $0x1BF5;
	[smem:$0x3FBB] =	sst s0  }
0x18: {  	s0 =	sld [smem:$0x3F9E];
	_ =	swait.ge [sflag:s4], $0x0  }
0x19: {  	s7 =	sld [smem:$0x3F9F]  }
0x1a: {  	s8 =	sadd.s32 $0xFFFFE003, lr  }
0x1b: {  	s9 =	sadd.s32 $0xFFFFFEF7, lr;
	s5 =	simm.s32 $0xFFFFFFFF;
	p2 =	slt.u32 s8, $0xFFFFF086  }
0x1c: {  	p1 =	slt.u32 s9, $0xF7A;
	s5 =	simm.s32 @!p2 $0x0  }
0x1d: {  	s5 =	simm.s32 @p1 $0x1;
	p0 =	seq.s32 s7, s2  }
0x1e: {  	s7 =	smul.u32 @!p0 $0xF7A, s2;
	p2 =	seq.s32 @!p0 s5, $0x0  }
0x1f: {  	s9 =	smul.u32 $0xF7A, s1;
	s8 =	simm.s32 @!p0 $0x1BF5;
	p2 =	por !p2, p0  }
0x20: {  	[sflag:s8] =	ssyncset.s32 @!p0 $0xFFFFF086;
	s6 =	sadd.s32 @!p0 s3, s7;
	s7 =	simm.s32 @!p0 $0x108  }
0x21: {  	s3 =	sadd.s32 s3, s9;
	s6 =	sadd.s32 @!p0 $0x88, s6;
	s7 =	simm.s32 @p2 $0x1082  }
0x22: {  	[simem:s7], [sflag:s8] =	dma.local @!p0 [hbm:s6], $0xF7A  }
0x23: {  	s9 =	sor.u32 $0xD0000000, s2;
	s6 =	simm.s32 $0x108;
	_ =	swait.ge @!p0 [sflag:s8], $0x0  }
0x24: {  	s3 =	sadd.s32 $0x88, s3;
	s6 =	simm.s32 @!p1 $0x1082;
	[sflag:s4] =	ssyncset.s32 $0xFFFFF086  }
0x25: {  	[simem:s6], [sflag:s4] =	dma.local [hbm:s3], $0xF7A  }
0x26: {  	[smem:$0x3F9F] =	sst s1;
	(tag) =	ssettag s2;
	_ =	strace s9  }
0x27: {  	s1 =	sld [smem:$0x3FAF]  }
0x28: {  	s2 =	sld [smem:$0x3FB0]  }
0x29: {  	s4 =	sld [smem:$0x3FB2]  }
0x2a: {  	p0 =	seq.s32 s5, $0x0;
	s5 =	sld [smem:$0x3FB3]  }
0x2b: {  	s6 =	sld [smem:$0x3FB4]  }
0x2c: {  	s7 =	sld [smem:$0x3FB5]  }
0x2d: {  	s3 =	simm.s32 $0x108;
	s8 =	sld [smem:$0x3FB6]  }
0x2e: {  	s3 =	simm.s32 @!p0 $0x1082;
	s9 =	sld [smem:$0x3FB7]  }
0x2f: {  	lr =	sadd.s32 s0, s3;
	s0 =	sld [smem:$0x3FAE]  }
0x30: {  	s3 =	sld [smem:$0x3FB1]  }
0x31: {  	[smem:$0x3FBA] =	sst s10  }
0x32: {  	s10 =	sld [smem:$0x3FB8];
	_ =	sdelay $0x3  }
0x33: {  	p0 =	seq.s32 s10, $0x1;
	s10 =	sld [smem:$0x3FBA];
	_ =	sdelay $0x3  }
0x34: {  	[smem:$0x3FBA] =	sst s10  }
0x35: {  	s10 =	sld [smem:$0x3FB9];
	_ =	sdelay $0x3  }
0x36: {  	p1 =	seq.s32 s10, $0x1;
	s10 =	sld [smem:$0x3FBA];
	_ =	sdelay $0x3  }
0x37: {  	[smem:$0x3FBA] =	sst s10  }
0x38: {  	s10 =	sld [smem:$0x3FBB]  }
0x39: {  	_ = 	snop;
	(pc) =	sbr.ind lr, $3  }
0x3a: {  	_ = 	snop  }
0x3b: {  	_ = 	snop  }
0x3c: {  	p2 =	seq.s32 s10, $0x1;
	s10 =	sld [smem:$0x3FBA]  }
0x3d: {  	_ =	shalt  }
0x3e: {  	_ =	shalt  }
0x3f: {  	_ =	shalt  }
0x40: {  	_ =	shalt  }
0x41: {  	_ =	shalt  }
0x42: {  	_ =	shalt  }
0x43: {  	_ =	shalt  }
0x44: {  	_ =	shalt  }
0x45: {  	_ =	shalt  }
0x46: {  	_ =	shalt  }
0x47: {  	_ =	shalt  }
0x48: {  	_ =	shalt  }
0x49: {  	_ =	shalt  }
0x4a: {  	_ =	shalt  }
0x4b: {  	_ =	shalt  }
0x4c: {  	_ =	shalt  }
0x4d: {  	_ =	shalt  }
0x4e: {  	_ =	shalt  }
0x4f: {  	_ =	shalt  }
0x50: {  	_ =	shalt  }
0x51: {  	_ =	shalt  }
0x52: {  	_ =	shalt  }
0x53: {  	_ =	shalt  }
0x54: {  	_ =	shalt  }
0x55: {  	_ =	shalt  }
0x56: {  	_ =	shalt  }
0x57: {  	_ =	shalt  }
0x58: {  	_ =	shalt  }
0x59: {  	_ =	shalt  }
0x5a: {  	_ =	shalt  }
0x5b: {  	_ =	shalt  }
0x5c: {  	_ =	shalt  }
0x5d: {  	_ =	shalt  }
0x5e: {  	_ =	shalt  }
0x5f: {  	_ =	shalt  }
0x60: {  	_ =	shalt  }
0x61: {  	_ =	shalt  }
0x62: {  	_ =	shalt  }
0x63: {  	_ =	shalt  }
0x64: {  	_ =	shalt  }
0x65: {  	_ =	shalt  }
0x66: {  	_ =	shalt  }
0x67: {  	_ =	shalt  }
0x68: {  	_ =	shalt  }
0x69: {  	_ =	shalt  }
0x6a: {  	_ =	shalt  }
0x6b: {  	_ =	shalt  }
0x6c: {  	_ =	shalt  }
0x6d: {  	_ =	shalt  }
0x6e: {  	_ =	shalt  }
0x6f: {  	_ =	shalt  }
0x70: {  	_ =	shalt  }
0x71: {  	_ =	shalt  }
0x72: {  	_ =	shalt  }
0x73: {  	_ =	shalt  }
0x74: {  	_ =	shalt  }
0x75: {  	_ =	shalt  }
0x76: {  	_ =	shalt  }
0x77: {  	_ =	shalt  }
0x78: {  	_ =	shalt  }
0x79: {  	_ =	shalt  }
0x7a: {  	_ =	shalt  }
0x7b: {  	_ =	shalt  }
0x7c: {  	_ =	shalt  }
0x7d: {  	_ =	shalt  }
0x7e: {  	_ =	shalt  }
0x7f: {  	_ =	shalt  }
0x80: {  	_ =	shalt  }
0x81: {  	_ =	shalt  }
0x82: {  	_ =	shalt  }
0x83: {  	_ =	shalt  }
0x84: {  	_ =	shalt  }
0x85: {  	_ =	shalt  }
0x86: {  	_ =	shalt  }
0x87: {  	_ =	shalt  }
.Lfunc_end0:
.L_simem_size_0:
called_computation_lowered:
.L_overlay_start_0:
0x88: {  	s2 =	sld [smem:$0x3FD9]  }
0x89: {  	s3 =	sld [smem:$0x3FFE];
	_ =	sdelay $0x1  }
0x8a: {  	s1 =	srdreg.scid  }
0x8b: {  	s0 =	sand.u32 $0x1, s1  }
0x8c: {  	s17 =	sshll.u32 s0, $0xA;
	s2 =	sadd.s32 s3, s2  }
0x8d: {  	s2 =	sadd.s32 s2, s17  }
0x8e: {  	[smem:$0x3FC6] =	sst s2  }
0x8f: {  	_ = 	snop  }
0x90: {  	s2 =	sld [smem:$0x3FC8];
	(tm) =	ssettm $0x1  }
0x91: {  	s18 =	sld [smem:$0x3FFB];
	_ =	sdelay $0x3  }
0x92: {  	_ =	strace s18  }
0x93: {  	s3 =	sld [smem:$0x3FFC];
	_ =	sdelay $0x3  }
0x94: {  	_ =	strace s3  }
0x95: {  	s3 =	sld [smem:$0x3FFD];
	_ =	sdelay $0x3  }
0x96: {  	_ =	strace s3  }
0x97: {  	_ =	strace $0x8FFFFFFF  }
0x98: {  	s19 =	sld [smem:$0x3FDB];
	_ =	sdelay $0x1  }
0x99: {  	s4 =	simm.s32 $_scs_section_size  }
0x9a: {  	s5 =	simm.s32 $_size__tile_overlayer_lowered;
	s6 =	simm.s32 $_tile_overlayer_lowered  }
0x9b: {  	s22 =	simm.s32 $0x1BFF;
	s21 =	sshll.u32 s6, $0x1;
	s3 =	sadd.s32 s4, s19  }
0x9c: {  	s7 =	simm.s32 $0x0;
	s20 =	sshll.u32 s5, $0x1;
	s5 =	sadd.s32 s21, s3  }
0x9d: {  	[timem:s7], [sflag:s22] =	dma.local [hbm:s5], s20  }
0x9e: {  	_ =	swait.ge [sflag:s22], s20  }
0x9f: {  	s4 =	ssub.s32 $0x0, s20;
	[sflag:s22] =	ssyncset.done $0x0  }
0xa0: {  	[sflag:s22] =	ssyncadd.s32 s4;
	_ =	sdelay $0x1  }
0xa1: {  	s23 =	simm.s32 $0x1B8B  }
0xa2: {  	_ =	swait.ge [sflag:s23], $0x1  }
0xa3: {  	[sflag:s23] =	ssyncset.done $0x0  }
0xa4: {  	s25 =	simm.s32 $0x1B8E;
	s24 =	sld [smem:$0x3FFE];
	[sflag:s23] =	ssyncadd.s32 $0xFFFFFFFF  }
0xa5: {  	s26 =	simm.s32 $execute0_lowered;
	[smem:$0x3FD2] =	sst s25  }
0xa6: {  	s5 =	sshll.u32 s26, $0x1;
	_ =	strace $0x80000046;
	[dreg:$0x1] =	wrdreg $0xFFFFFFFF  }
0xa7: {  	s28 =	simm.s32 $_size_execute0_lowered;
	s3 =	sadd.s32 s3, s5;
	[dreg:$0x0] =	wrdreg $0x0  }
0xa8: {  	s5 =	sshll.u32 s28, $0x1;
	[dreg:$0x2] =	wrdreg s3  }
0xa9: {  	[dreg:$0x3] =	wrdreg s5  }
0xaa: {  	[dreg:$0x4] =	wrdreg $0xC0  }
0xab: {  	_ =	task [dreg:s7], $0x5FFFF  }
0xac: {  	[dreg:$0x1] =	wrdreg $0xFFFFFFFF  }
0xad: {  	[dreg:$0x0] =	wrdreg $0x60  }
0xae: {  	[dreg:$0x2] =	wrdreg s24  }
0xaf: {  	[dreg:$0x3] =	wrdreg s2  }
0xb0: {  	[dreg:$0x4] =	wrdreg $0x9  }
0xb1: {  	_ =	task.clear_ibuf [dreg:s7], $0x5FFFF;
	_ =	strace $0x90000046  }
0xb2: {  	s29 =	simm.s32 $0x9;
	_ =	strace $0x80000048  }
0xb3: {  	_ =	swait.ge [sflag:s29], $0x1  }
0xb4: {  	[sflag:s29] =	ssyncadd.s32 $0xFFFFFFFF  }
0xb5: {  	_ =	strace $0x90000048  }
0xb6: {  	_ =	sfence  }
0xb7: {  	s30 =	sld [smem:$0x0];
	_ =	sdelay $0x2  }
0xb8: {  	s31 =	sshll.u32 s1, $0xD;
	s1 =	sshrl.u32 s1, $0x2  }
0xb9: {  	s3 =	sand.u32 $0x4000, s31;
	s1 =	sadd.s32 s1, s30  }
0xba: {  	s0 =	sor.u32 s3, s0;
	s1 =	sshll.u32 s1, $0x11  }
0xbb: {  	s0 =	sor.u32 s1, s0  }
0xbc: {  	s0 =	sadd.s32 $0x8F2B, s0  }
0xbd: {  	[sflag:s0] =	ssyncadd.remote.s32 $0x1  }
0xbe: {  	_ =	sfence.sel $0xFFFF  }
0xbf: {  	[dreg:$0x0] =	wrdreg $0xFFFFFFFF;
	(pc) =	sbr.abs _section_cstart, $3  }
0xc0: {  	[dreg:$0x1] =	wrdreg $0xFFFFFFFF  }
0xc1: {  	_ =	task.clear_ibuf [dreg:s7], $0x2FFFF;
	_ =	strace $0x9FFFFFFF  }
0xc2: {  	(tm) =	ssettm $0x7FFFFFFF  }
0xc3: {  	_ =	shalt  }
tec
execute0_lowered:
.L_overlay_start_1:
0x0: {  	(tag) =	ssettag $0x1  }
0x1: {  	s4 =	rddreg [dreg:$0x0]  }
0x2: {  	s1 =	srdreg.scid;
	s5 =	rddreg [dreg:$0x1]  }
0x3: {  	s2 =	simm.s32 $0x0;
	s3 =	sand.u32 $0x1, s1;
	s1 =	rddreg [dreg:$0x2]  }
0x4: {  	s23 =	simm.s32 $0x480;
	[smem:$0x7FF] =	sst s2  }
0x5: {  	s24 =	simm.s32 $0x880;
	_ =	strace $0x80000047;
	[dreg:$0x8] =	wrdreg s23  }
0x6: {  	s25 =	simm.s32 $0xC80;
	[dreg:$0x9] =	wrdreg s24  }
0x7: {  	s26 =	simm.s32 $0x1080;
	[dreg:$0xa] =	wrdreg s25  }
0x8: {  	s28 =	simm.s32 $0x1480;
	[dreg:$0xb] =	wrdreg s26  }
0x9: {  	s29 =	simm.s32 $0x1880;
	[dreg:$0xc] =	wrdreg s28  }
0xa: {  	s30 =	simm.s32 $0x1C80;
	[dreg:$0xd] =	wrdreg s29  }
0xb: {  	s31 =	simm.s32 $0x2080;
	[dreg:$0xe] =	wrdreg s30  }
0xc: {  	s8 =	simm.s32 $0x2880;
	[dreg:$0xf] =	wrdreg s31  }
0xd: {  	s9 =	simm.s32 $0x2C80;
	[dreg:$0x11] =	wrdreg s8  }
0xe: {  	s10 =	simm.s32 $0x3080;
	[dreg:$0x12] =	wrdreg s9  }
0xf: {  	s11 =	simm.s32 $0x3480;
	[dreg:$0x13] =	wrdreg s10  }
0x10: {  	s12 =	simm.s32 $0x3880;
	[dreg:$0x14] =	wrdreg s11  }
0x11: {  	s13 =	simm.s32 $0x3C80;
	[dreg:$0x15] =	wrdreg s12  }
0x12: {  	s14 =	simm.s32 $0x4080;
	[dreg:$0x16] =	wrdreg s13  }
0x13: {  	s15 =	simm.s32 $0x4480;
	[dreg:$0x17] =	wrdreg s14  }
0x14: {  	s16 =	simm.s32 $0x4880;
	[dreg:$0x18] =	wrdreg s15  }
0x15: {  	s17 =	simm.s32 $0x4C80;
	[dreg:$0x19] =	wrdreg s16  }
0x16: {  	s18 =	simm.s32 $0x5080;
	[dreg:$0x1a] =	wrdreg s17  }
0x17: {  	[dreg:$0x1b] =	wrdreg s18;
	s23 =	simm.s32 $0x6480  }
0x18: {  	s24 =	simm.s32 $0x6880;
	[smem:$0x7F6] =	sst s23  }
0x19: {  	s25 =	simm.s32 $0x6C80;
	[smem:$0x7F7] =	sst s24  }
0x1a: {  	s28 =	simm.s32 $0x7080;
	[smem:$0x7F8] =	sst s25  }
0x1b: {  	s29 =	simm.s32 $0x7480;
	[smem:$0x7F9] =	sst s28  }
0x1c: {  	s0 =	stileid.u32;
	v0 =	vimm.s32 $0x3F80;
	vm0 =	vcmask $0x300;
	v1 =	vimm.s32 $0x7F80;
	s30 =	simm.s32 $0x7880;
	[smem:$0x7FA] =	sst s29  }
0x1d: {  	vm1 =	vcmask $0x704;
	s6 =	sshll.u32 s0, $0x3;
	v0 =	vsel vm0, $0x0, v0;
	v1 =	vsel vm0, $0x4000, v1;
	s31 =	simm.s32 $0x7C80;
	[smem:$0x7FB] =	sst s30  }
0x1e: {  	vm15 =	vcmask $0xB08;
	s7 =	sshll.u32 s3, $0x2;
	v0 =	vsel vm1, $0x480, v0;
	v1 =	vsel vm1, $0x4480, v1;
	s9 =	simm.s32 $0x8080;
	[smem:$0x7FC] =	sst s31  }
0x1f: {  	vm4 =	vcmask $0xF0C;
	s6 =	sor.u32 s7, s6;
	v0 =	vsel vm15, $0x900, v0;
	v1 =	vsel vm15, $0x4900, v1;
	[smem:$0x7FD] =	sst s9  }
0x20: {  	vm5 =	vcmask $0x1310;
	s7 =	smul.u32 $0xC3800, s6;
	s5 =	sadd.s32 s5, s6;
	s6 =	sadd.s32 s6, s4;
	v0 =	vsel vm4, $0xD80, v0;
	v1 =	vsel vm4, $0x4D80, v1  }
0x21: {  	vm6 =	vcmask $0x1714;
	[dreg:$0x3] =	wrdreg s5;
	s22 =	sadd.s32 $0xC38400, s6;
	v0 =	vsel vm5, $0x1200, v0;
	v1 =	vsel vm5, $0x5200, v1  }
0x22: {  	vm7 =	vcmask $0x1B18;
	s3 =	ssub.s32 $0x2, s3;
	s6 =	simm.s32 $0x2480;
	[dreg:$0x7] =	wrdreg s22;
	v0 =	vsel vm6, $0x1680, v0;
	v1 =	vsel vm6, $0x5680, v1  }
0x23: {  	vm8 =	vcmask $0x1F1C;
	p0 =	por $0x0, $0x0;
	s26 =	sshrl.u32 s3, $0x1;
	[dreg:$0x10] =	wrdreg s6;
	v0 =	vsel vm7, $0x1B00, v0;
	v1 =	vsel vm7, $0x5B00, v1  }
0x24: {  	vm9 =	vcmask $0x2320;
	s3 =	ssub.s32 s3, s26;
	s19 =	sadd.s32 $0xC3800, s7;
	s9 =	rddreg [dreg:$0x3];
	v0 =	vsel vm8, $0x1F80, v0;
	v1 =	vsel vm8, $0x5F80, v1  }
0x25: {  	vm10 =	vcmask $0x2724;
	s8 =	smax.u32 s3, $0x1;
	s20 =	sadd.s32 $0x187000, s7;
	[dreg:$0x4] =	wrdreg s19;
	v0 =	vsel vm9, $0x2000, v0;
	v1 =	vsel vm9, $0x6000, v1  }
0x26: {  	vm11 =	vcmask $0x2B28;
	s21 =	sadd.s32 $0x24A800, s7;
	p1 =	sne.s32 s8, $0x1;
	[dreg:$0x5] =	wrdreg s20;
	v0 =	vsel vm10, $0x2480, v0;
	v1 =	vsel vm10, $0x6480, v1  }
.Ltmp0:
0x27: {  	vm12 =	vcmask $0x2F2C;
	s22 =	simm.s32 $0x6080;
	[dreg:$0x6] =	wrdreg s21;
	v0 =	vsel vm11, $0x2900, v0;
	v1 =	vsel vm11, $0x6900, v1;
	(pc) =	sbr.rel @!p1 .LBB2_3-.Ltmp0, $4  }
0x28: {  	vm13 =	vcmask $0x3330;
	s3 =	simm.s32 $0x2;
	s19 =	simm.s32 $0x5480;
	[dreg:$0x1f] =	wrdreg s22;
	v0 =	vsel vm12, $0x2D80, v0;
	v1 =	vsel vm12, $0x6D80, v1  }
0x29: {  	vm14 =	vcmask $0x3734;
	s5 =	simm.s32 $0x1;
	s20 =	simm.s32 $0x5880;
	[dreg:$0x1c] =	wrdreg s19;
	v0 =	vsel vm13, $0x3200, v0;
	v1 =	vsel vm13, $0x7200, v1  }
0x2a: {  	vm15 =	vcmask $0x3B38;
	s6 =	sadd.s32 $0x400, s4;
	s21 =	simm.s32 $0x5C80;
	[dreg:$0x1d] =	wrdreg s20;
	v0 =	vsel vm14, $0x3680, v0;
	v2 =	vsel vm14, $0x7680, v1  }
0x2b: {  	s4 =	simm.s32 $0x80;
	s8 =	sadd.s32 $0xFFFFFFFF, s8;
	[dreg:$0x1e] =	wrdreg s21;
	v1 =	vsel vm15, $0x3B00, v0;
	v0 =	vsel vm15, $0x7B00, v2  }
0x2c: {  	[tilespmem:s2], [sflag:$0x2] =	stream.linear.gather [hbm4b:s9+s2], $0x20, $0x38;
	[tilespmem:$0x8100] =	vst v63  }
0x2d: {  	_ =	swait.ge [sflag:s3], $0x20  }
0x2e: {  	[sflag:s3] =	ssyncset.done $0x0  }
0x2f: {  	[sflag:s3] =	ssyncadd.s32 $0xFFFFFFE0  }
0x30: {  	v2 =	vld [tilespmem:$0x0];
	_ =	sdelay $0x4  }
0x31: {  	v2 =	vshrl.u32 v2, $0x7  }
0x32: {  	v2 =	vshll.u32 v2, $0xA  }
0x33: {  	v3 =	vadd.s32 s7, v2  }
0x34: {  	v3 =	vshrl.u32 v3, $0x3  }
0x35: {  	v3 =	vadd.s32 s6, v3  }
0x36: {  	(v2sf) =	vpush v3, $0x0;
	_ =	sdelay $0x1  }
0x37: {  	(v2sf) =	vpush v3, $0x1;
	_ =	sdelay $0x1  }
0x38: {  	(v2sf) =	vpush v3, $0x2;
	_ =	sdelay $0x1  }
0x39: {  	(v2sf) =	vpush v3, $0x3;
	_ =	sdelay $0x1  }
0x3a: {  	(v2sf) =	vpush v3, $0x4;
	_ =	sdelay $0x1  }
0x3b: {  	(v2sf) =	vpush v3, $0x5;
	_ =	sdelay $0x1  }
0x3c: {  	s22 =	rddreg [dreg:$0x4];
	(v2sf) =	vpush v3, $0x6  }
0x3d: {  	v2 =	vadd.s32 s22, v2  }
0x3e: {  	v2 =	vshrl.u32 v2, $0x3;
	(v2sf) =	vpush v3, $0x7  }
0x3f: {  	v2 =	vadd.s32 s6, v2;
	s10 =	spop (v2sf)  }
0x40: {  	(v2sf) =	vpush v2, $0x8;
	[tilespmem:s4], [sflag:$0x1] =	stream.linear.gather [hbm4b:s10+s2], $0x400, $0x38;
	[tilespmem:$0x8100] =	vst v63  }
0x41: {  	s23 =	rddreg [dreg:$0x8];
	s11 =	spop (v2sf)  }
0x42: {  	(v2sf) =	vpush v2, $0x9;
	[tilespmem:s23], [sflag:$0x1] =	stream.linear.gather [hbm4b:s11+s2], $0x400, $0x38;
	[tilespmem:$0x8100] =	vst v63  }
0x43: {  	s24 =	rddreg [dreg:$0x9];
	s26 =	spop (v2sf)  }
0x44: {  	(v2sf) =	vpush v2, $0xA;
	[tilespmem:s24], [sflag:$0x1] =	stream.linear.gather [hbm4b:s26+s2], $0x400, $0x38;
	[tilespmem:$0x8100] =	vst v63  }
0x45: {  	s25 =	rddreg [dreg:$0xa];
	s29 =	spop (v2sf)  }
0x46: {  	(v2sf) =	vpush v2, $0xB;
	[tilespmem:s25], [sflag:$0x1] =	stream.linear.gather [hbm4b:s29+s2], $0x400, $0x38;
	[tilespmem:$0x8100] =	vst v63  }
0x47: {  	s28 =	rddreg [dreg:$0xb];
	s31 =	spop (v2sf)  }
0x48: {  	(v2sf) =	vpush v2, $0xC;
	[tilespmem:s28], [sflag:$0x1] =	stream.linear.gather [hbm4b:s31+s2], $0x400, $0x38;
	[tilespmem:$0x8100] =	vst v63  }
0x49: {  	s30 =	rddreg [dreg:$0xc];
	s13 =	spop (v2sf)  }
0x4a: {  	(v2sf) =	vpush v2, $0xD;
	[tilespmem:s30], [sflag:$0x1] =	stream.linear.gather [hbm4b:s13+s2], $0x400, $0x38;
	[tilespmem:$0x8100] =	vst v63  }
0x4b: {  	s12 =	rddreg [dreg:$0xd];
	s15 =	spop (v2sf)  }
0x4c: {  	(v2sf) =	vpush v2, $0xE;
	[tilespmem:s12], [sflag:$0x1] =	stream.linear.gather [hbm4b:s15+s2], $0x400, $0x38;
	[tilespmem:$0x8100] =	vst v63  }
0x4d: {  	s14 =	rddreg [dreg:$0xe];
	s17 =	spop (v2sf)  }
0x4e: {  	(v2sf) =	vpush v2, $0xF;
	[tilespmem:s14], [sflag:$0x1] =	stream.linear.gather [hbm4b:s17+s2], $0x400, $0x38;
	[tilespmem:$0x8100] =	vst v63  }
0x4f: {  	s16 =	rddreg [dreg:$0xf];
	s19 =	spop (v2sf)  }
0x50: {  	[tilespmem:s16], [sflag:$0x1] =	stream.linear.gather [hbm4b:s19+s2], $0x400, $0x38;
	[tilespmem:$0x8100] =	vst v63  }
0x51: {  	s18 =	rddreg [dreg:$0x10];
	s21 =	spop (v2sf)  }
0x52: {  	[tilespmem:s18], [sflag:$0x1] =	stream.linear.gather [hbm4b:s21+s2], $0x400, $0x38;
	[tilespmem:$0x8100] =	vst v63  }
0x53: {  	s20 =	rddreg [dreg:$0x11];
	s23 =	spop (v2sf)  }
0x54: {  	[tilespmem:s20], [sflag:$0x1] =	stream.linear.gather [hbm4b:s23+s2], $0x400, $0x38;
	[tilespmem:$0x8100] =	vst v63  }
0x55: {  	s22 =	rddreg [dreg:$0x12];
	s25 =	spop (v2sf)  }
0x56: {  	[tilespmem:s22], [sflag:$0x1] =	stream.linear.gather [hbm4b:s25+s2], $0x400, $0x38;
	[tilespmem:$0x8100] =	vst v63  }
0x57: {  	s24 =	rddreg [dreg:$0x13];
	s28 =	spop (v2sf)  }
0x58: {  	[tilespmem:s24], [sflag:$0x1] =	stream.linear.gather [hbm4b:s28+s2], $0x400, $0x38;
	[tilespmem:$0x8100] =	vst v63  }
0x59: {  	s26 =	rddreg [dreg:$0x14];
	s30 =	spop (v2sf)  }
0x5a: {  	[tilespmem:s26], [sflag:$0x1] =	stream.linear.gather [hbm4b:s30+s2], $0x400, $0x38;
	[tilespmem:$0x8100] =	vst v63  }
0x5b: {  	s29 =	rddreg [dreg:$0x15];
	s12 =	spop (v2sf)  }
0x5c: {  	[tilespmem:s29], [sflag:$0x1] =	stream.linear.gather [hbm4b:s12+s2], $0x400, $0x38;
	[tilespmem:$0x8100] =	vst v63  }
0x5d: {  	s31 =	rddreg [dreg:$0x16];
	s13 =	spop (v2sf)  }
0x5e: {  	[tilespmem:s31], [sflag:$0x1] =	stream.linear.gather [hbm4b:s13+s2], $0x400, $0x38;
	[tilespmem:$0x8100] =	vst v63  }
0x5f: {  	v2 =	vld [tilespmem:$0x10];
	_ =	sdelay $0x4  }
0x60: {  	v2 =	vshrl.u32 v2, $0x7  }
0x61: {  	s14 =	rddreg [dreg:$0x5];
	v2 =	vshll.u32 v2, $0xA  }
0x62: {  	v3 =	vadd.s32 s14, v2  }
0x63: {  	v3 =	vshrl.u32 v3, $0x3  }
0x64: {  	v3 =	vadd.s32 s6, v3  }
0x65: {  	(v2sf) =	vpush v3, $0x0;
	_ =	sdelay $0x1  }
0x66: {  	(v2sf) =	vpush v3, $0x1;
	_ =	sdelay $0x1  }
0x67: {  	(v2sf) =	vpush v3, $0x2;
	_ =	sdelay $0x1  }
0x68: {  	(v2sf) =	vpush v3, $0x3;
	_ =	sdelay $0x1  }
0x69: {  	(v2sf) =	vpush v3, $0x4;
	_ =	sdelay $0x1  }
0x6a: {  	(v2sf) =	vpush v3, $0x5;
	_ =	sdelay $0x1  }
0x6b: {  	s15 =	rddreg [dreg:$0x6];
	(v2sf) =	vpush v3, $0x6  }
0x6c: {  	v2 =	vadd.s32 s15, v2  }
0x6d: {  	s17 =	rddreg [dreg:$0x18];
	v2 =	vshrl.u32 v2, $0x3;
	(v2sf) =	vpush v3, $0x7  }
0x6e: {  	s16 =	rddreg [dreg:$0x17];
	v2 =	vadd.s32 s6, v2;
	s18 =	spop (v2sf)  }
0x6f: {  	(v2sf) =	vpush v2, $0x8;
	[tilespmem:s16], [sflag:$0x1] =	stream.linear.gather [hbm4b:s18+s2], $0x400, $0x38;
	[tilespmem:$0x8100] =	vst v63  }
0x70: {  	s19 =	rddreg [dreg:$0x19];
	s20 =	spop (v2sf)  }
0x71: {  	(v2sf) =	vpush v2, $0x9;
	[tilespmem:s17], [sflag:$0x1] =	stream.linear.gather [hbm4b:s20+s2], $0x400, $0x38;
	[tilespmem:$0x8100] =	vst v63  }
0x72: {  	s21 =	rddreg [dreg:$0x1a];
	s22 =	spop (v2sf)  }
0x73: {  	(v2sf) =	vpush v2, $0xA;
	[tilespmem:s19], [sflag:$0x1] =	stream.linear.gather [hbm4b:s22+s2], $0x400, $0x38;
	[tilespmem:$0x8100] =	vst v63  }
0x74: {  	s23 =	rddreg [dreg:$0x1b];
	s24 =	spop (v2sf)  }
0x75: {  	(v2sf) =	vpush v2, $0xB;
	[tilespmem:s21], [sflag:$0x1] =	stream.linear.gather [hbm4b:s24+s2], $0x400, $0x38;
	[tilespmem:$0x8100] =	vst v63  }
0x76: {  	s25 =	rddreg [dreg:$0x1c];
	s26 =	spop (v2sf)  }
0x77: {  	(v2sf) =	vpush v2, $0xC;
	[tilespmem:s23], [sflag:$0x1] =	stream.linear.gather [hbm4b:s26+s2], $0x400, $0x38;
	[tilespmem:$0x8100] =	vst v63  }
0x78: {  	s28 =	rddreg [dreg:$0x1d];
	s29 =	spop (v2sf)  }
0x79: {  	(v2sf) =	vpush v2, $0xD;
	[tilespmem:s25], [sflag:$0x1] =	stream.linear.gather [hbm4b:s29+s2], $0x400, $0x38;
	[tilespmem:$0x8100] =	vst v63  }
0x7a: {  	s30 =	rddreg [dreg:$0x1e];
	s31 =	spop (v2sf)  }
0x7b: {  	(v2sf) =	vpush v2, $0xE;
	[tilespmem:s28], [sflag:$0x1] =	stream.linear.gather [hbm4b:s31+s2], $0x400, $0x38;
	[tilespmem:$0x8100] =	vst v63  }
0x7c: {  	s12 =	rddreg [dreg:$0x1f];
	s13 =	spop (v2sf)  }
0x7d: {  	(v2sf) =	vpush v2, $0xF;
	[tilespmem:s30], [sflag:$0x1] =	stream.linear.gather [hbm4b:s13+s2], $0x400, $0x38;
	[tilespmem:$0x8100] =	vst v63  }
0x7e: {  	s14 =	sld [smem:$0x7F6];
	s15 =	spop (v2sf)  }
0x7f: {  	[tilespmem:s12], [sflag:$0x1] =	stream.linear.gather [hbm4b:s15+s2], $0x400, $0x38;
	[tilespmem:$0x8100] =	vst v63  }
0x80: {  	s16 =	sld [smem:$0x7F7];
	s17 =	spop (v2sf)  }
0x81: {  	[tilespmem:s14], [sflag:$0x1] =	stream.linear.gather [hbm4b:s17+s2], $0x400, $0x38;
	[tilespmem:$0x8100] =	vst v63  }
0x82: {  	s18 =	sld [smem:$0x7F8];
	s19 =	spop (v2sf)  }
0x83: {  	[tilespmem:s16], [sflag:$0x1] =	stream.linear.gather [hbm4b:s19+s2], $0x400, $0x38;
	[tilespmem:$0x8100] =	vst v63  }
0x84: {  	s20 =	sld [smem:$0x7F9];
	s21 =	spop (v2sf)  }
0x85: {  	[tilespmem:s18], [sflag:$0x1] =	stream.linear.gather [hbm4b:s21+s2], $0x400, $0x38;
	[tilespmem:$0x8100] =	vst v63  }
0x86: {  	s22 =	sld [smem:$0x7FA];
	s23 =	spop (v2sf)  }
0x87: {  	[tilespmem:s20], [sflag:$0x1] =	stream.linear.gather [hbm4b:s23+s2], $0x400, $0x38;
	[tilespmem:$0x8100] =	vst v63  }
0x88: {  	s24 =	sld [smem:$0x7FB];
	s25 =	spop (v2sf)  }
0x89: {  	[tilespmem:s22], [sflag:$0x1] =	stream.linear.gather [hbm4b:s25+s2], $0x400, $0x38;
	[tilespmem:$0x8100] =	vst v63  }
0x8a: {  	s26 =	sld [smem:$0x7FC];
	s28 =	spop (v2sf)  }
0x8b: {  	[tilespmem:s24], [sflag:$0x1] =	stream.linear.gather [hbm4b:s28+s2], $0x400, $0x38;
	[tilespmem:$0x8100] =	vst v63  }
0x8c: {  	s29 =	spop (v2sf)  }
0x8d: {  	[tilespmem:s26], [sflag:$0x1] =	stream.linear.gather [hbm4b:s29+s2], $0x400, $0x38;
	[tilespmem:$0x8100] =	vst v63  }
0x8e: {  	_ =	swait.ge [sflag:s5], $0x400  }
0x8f: {  	[sflag:s5] =	ssyncset.done $0x0  }
0x90: {  	[sflag:s5] =	ssyncadd.s32 $0xFFFFFC00  }
0x91: {  	_ =	swait.ge [sflag:s5], $0x400  }
0x92: {  	[sflag:s5] =	ssyncset.done $0x0  }
0x93: {  	[sflag:s5] =	ssyncadd.s32 $0xFFFFFC00  }
0x94: {  	_ =	swait.ge [sflag:s5], $0x400  }
0x95: {  	[sflag:s5] =	ssyncset.done $0x0  }
0x96: {  	[sflag:s5] =	ssyncadd.s32 $0xFFFFFC00  }
0x97: {  	_ =	swait.ge [sflag:s5], $0x400  }
0x98: {  	[sflag:s5] =	ssyncset.done $0x0  }
0x99: {  	[sflag:s5] =	ssyncadd.s32 $0xFFFFFC00  }
0x9a: {  	_ =	swait.ge [sflag:s5], $0x400  }
0x9b: {  	[sflag:s5] =	ssyncset.done $0x0  }
0x9c: {  	[sflag:s5] =	ssyncadd.s32 $0xFFFFFC00  }
0x9d: {  	_ =	swait.ge [sflag:s5], $0x400  }
0x9e: {  	[sflag:s5] =	ssyncset.done $0x0  }
0x9f: {  	[sflag:s5] =	ssyncadd.s32 $0xFFFFFC00  }
0xa0: {  	_ =	swait.ge [sflag:s5], $0x400  }
0xa1: {  	[sflag:s5] =	ssyncset.done $0x0  }
0xa2: {  	[sflag:s5] =	ssyncadd.s32 $0xFFFFFC00  }
0xa3: {  	_ =	swait.ge [sflag:s5], $0x400  }
0xa4: {  	[sflag:s5] =	ssyncset.done $0x0  }
0xa5: {  	[sflag:s5] =	ssyncadd.s32 $0xFFFFFC00  }
0xa6: {  	_ =	swait.ge [sflag:s5], $0x400  }
0xa7: {  	[sflag:s5] =	ssyncset.done $0x0  }
0xa8: {  	[sflag:s5] =	ssyncadd.s32 $0xFFFFFC00  }
0xa9: {  	_ =	swait.ge [sflag:s5], $0x400  }
0xaa: {  	[sflag:s5] =	ssyncset.done $0x0  }
0xab: {  	[sflag:s5] =	ssyncadd.s32 $0xFFFFFC00  }
0xac: {  	_ =	swait.ge [sflag:s5], $0x400  }
0xad: {  	[sflag:s5] =	ssyncset.done $0x0  }
0xae: {  	[sflag:s5] =	ssyncadd.s32 $0xFFFFFC00  }
0xaf: {  	_ =	swait.ge [sflag:s5], $0x400  }
0xb0: {  	[sflag:s5] =	ssyncset.done $0x0  }
0xb1: {  	[sflag:s5] =	ssyncadd.s32 $0xFFFFFC00  }
0xb2: {  	_ =	swait.ge [sflag:s5], $0x400  }
0xb3: {  	[sflag:s5] =	ssyncset.done $0x0  }
0xb4: {  	[sflag:s5] =	ssyncadd.s32 $0xFFFFFC00  }
0xb5: {  	_ =	swait.ge [sflag:s5], $0x400  }
0xb6: {  	[sflag:s5] =	ssyncset.done $0x0  }
0xb7: {  	[sflag:s5] =	ssyncadd.s32 $0xFFFFFC00  }
0xb8: {  	_ =	swait.ge [sflag:s5], $0x400  }
0xb9: {  	[sflag:s5] =	ssyncset.done $0x0  }
0xba: {  	[sflag:s5] =	ssyncadd.s32 $0xFFFFFC00  }
0xbb: {  	_ =	swait.ge [sflag:s5], $0x400  }
0xbc: {  	[sflag:s5] =	ssyncset.done $0x0  }
0xbd: {  	[sflag:s5] =	ssyncadd.s32 $0xFFFFFC00  }
0xbe: {  	_ =	swait.ge [sflag:s5], $0x400  }
0xbf: {  	[sflag:s5] =	ssyncset.done $0x0  }
0xc0: {  	[sflag:s5] =	ssyncadd.s32 $0xFFFFFC00  }
0xc1: {  	_ =	swait.ge [sflag:s5], $0x400  }
0xc2: {  	[sflag:s5] =	ssyncset.done $0x0  }
0xc3: {  	[sflag:s5] =	ssyncadd.s32 $0xFFFFFC00  }
0xc4: {  	_ =	swait.ge [sflag:s5], $0x400  }
0xc5: {  	[sflag:s5] =	ssyncset.done $0x0  }
0xc6: {  	[sflag:s5] =	ssyncadd.s32 $0xFFFFFC00  }
0xc7: {  	_ =	swait.ge [sflag:s5], $0x400  }
0xc8: {  	[sflag:s5] =	ssyncset.done $0x0  }
0xc9: {  	[sflag:s5] =	ssyncadd.s32 $0xFFFFFC00  }
0xca: {  	_ =	swait.ge [sflag:s5], $0x400  }
0xcb: {  	[sflag:s5] =	ssyncset.done $0x0  }
0xcc: {  	[sflag:s5] =	ssyncadd.s32 $0xFFFFFC00  }
0xcd: {  	_ =	swait.ge [sflag:s5], $0x400  }
0xce: {  	[sflag:s5] =	ssyncset.done $0x0  }
0xcf: {  	[sflag:s5] =	ssyncadd.s32 $0xFFFFFC00  }
0xd0: {  	_ =	swait.ge [sflag:s5], $0x400  }
0xd1: {  	[sflag:s5] =	ssyncset.done $0x0  }
0xd2: {  	[sflag:s5] =	ssyncadd.s32 $0xFFFFFC00  }
0xd3: {  	_ =	swait.ge [sflag:s5], $0x400  }
0xd4: {  	[sflag:s5] =	ssyncset.done $0x0  }
0xd5: {  	[sflag:s5] =	ssyncadd.s32 $0xFFFFFC00  }
0xd6: {  	_ =	swait.ge [sflag:s5], $0x400  }
0xd7: {  	[sflag:s5] =	ssyncset.done $0x0  }
0xd8: {  	[sflag:s5] =	ssyncadd.s32 $0xFFFFFC00  }
0xd9: {  	_ =	swait.ge [sflag:s5], $0x400  }
0xda: {  	[sflag:s5] =	ssyncset.done $0x0  }
0xdb: {  	[sflag:s5] =	ssyncadd.s32 $0xFFFFFC00  }
0xdc: {  	_ =	swait.ge [sflag:s5], $0x400  }
0xdd: {  	[sflag:s5] =	ssyncset.done $0x0  }
0xde: {  	[sflag:s5] =	ssyncadd.s32 $0xFFFFFC00  }
0xdf: {  	_ =	swait.ge [sflag:s5], $0x400  }
0xe0: {  	[sflag:s5] =	ssyncset.done $0x0  }
0xe1: {  	[sflag:s5] =	ssyncadd.s32 $0xFFFFFC00  }
0xe2: {  	_ =	swait.ge [sflag:s5], $0x400  }
0xe3: {  	[sflag:s5] =	ssyncset.done $0x0  }
0xe4: {  	[sflag:s5] =	ssyncadd.s32 $0xFFFFFC00  }
0xe5: {  	_ =	swait.ge [sflag:s5], $0x400  }
0xe6: {  	[sflag:s5] =	ssyncset.done $0x0  }
0xe7: {  	[sflag:s5] =	ssyncadd.s32 $0xFFFFFC00  }
0xe8: {  	_ =	swait.ge [sflag:s5], $0x400  }
0xe9: {  	[sflag:s5] =	ssyncset.done $0x0  }
0xea: {  	[sflag:s5] =	ssyncadd.s32 $0xFFFFFC00  }
0xeb: {  	_ =	swait.ge [sflag:s5], $0x400  }
0xec: {  	[sflag:s5] =	ssyncset.done $0x0  }
0xed: {  	[sflag:s5] =	ssyncadd.s32 $0xFFFFFC00  }
0xee: {  	v2 =	vld [tilespmem:$0x0];
	_ =	sdelay $0x4  }
0xef: {  	v2 =	vand.u32 $0x7F, v2  }
0xf0: {  	v3 =	vld [tilespmem:$0x10];
	v2 =	vor.u32 v1, v2;
	_ =	sdelay $0x4  }
0xf1: {  	v3 =	vand.u32 $0x7F, v3;
	v2 =	vld.idx.msk [tilespmem:v2+s4+$0x0], $0xffff  }
0xf2: {  	v3 =	vor.u32 v0, v3;
	_ =	sdelay $0x3  }
0xf3: {  	[tilespmem:$0x8080] =	vst v2  }
0xf4: {  	v2 =	vld.idx.msk [tilespmem:v3+s4+$0x0], $0xffff;
	_ =	sdelay $0x2  }
0xf5: {  	p1 =	sne.s32 s8, $0x1;
	s30 =	sld [smem:$0x7FD]  }
.Ltmp1:
0xf6: {  	_ = 	snop;
	(pc) =	sbr.rel @!p1 .LBB2_3-.Ltmp1, $4  }
0xf7: {  	s31 =	rddreg [dreg:$0x7];
	[tilespmem:$0x8090] =	vst v2  }
0xf8: {  	[hbm4b:s31+s2] =	stream.linear.scatter [tilespmem:s30], [sflag:$0x2], $0x20, $0x38;
	[tilespmem:$0x8100] =	vst v63  }
0xf9: {  	s8 =	sadd.s32 $0xFFFFFFFF, s8;
	_ =	swait.ge [sflag:s3], $0x20  }
0xfa: {  	p0 =	por $0x1, $0x1;
	s9 =	rddreg [dreg:$0x3];
	[sflag:s3] =	ssyncset.done $0x0  }
.LBB2_2:
0xfb: {  	[sflag:s3] =	ssyncadd.s32 $0xFFFFFFE0  }
0xfc: {  	[tilespmem:s2], [sflag:$0x2] =	stream.linear.gather [hbm4b:s9+s2], $0x20, $0x38;
	[tilespmem:$0x8100] =	vst v63  }
0xfd: {  	_ =	swait.ge [sflag:s3], $0x20  }
0xfe: {  	[sflag:s3] =	ssyncset.done $0x0  }
0xff: {  	[sflag:s3] =	ssyncadd.s32 $0xFFFFFFE0  }
0x100: {  	v2 =	vld [tilespmem:$0x0];
	_ =	sdelay $0x4  }
0x101: {  	v2 =	vshrl.u32 v2, $0x7  }
0x102: {  	v2 =	vshll.u32 v2, $0xA  }
0x103: {  	v3 =	vadd.s32 s7, v2  }
0x104: {  	v3 =	vshrl.u32 v3, $0x3  }
0x105: {  	v3 =	vadd.s32 s6, v3  }
0x106: {  	(v2sf) =	vpush v3, $0x0;
	_ =	sdelay $0x1  }
0x107: {  	(v2sf) =	vpush v3, $0x1;
	_ =	sdelay $0x1  }
0x108: {  	(v2sf) =	vpush v3, $0x2;
	_ =	sdelay $0x1  }
0x109: {  	(v2sf) =	vpush v3, $0x3;
	_ =	sdelay $0x1  }
0x10a: {  	(v2sf) =	vpush v3, $0x4;
	_ =	sdelay $0x1  }
0x10b: {  	(v2sf) =	vpush v3, $0x5;
	_ =	sdelay $0x1  }
0x10c: {  	s22 =	rddreg [dreg:$0x4];
	(v2sf) =	vpush v3, $0x6  }
0x10d: {  	v2 =	vadd.s32 s22, v2  }
0x10e: {  	v2 =	vshrl.u32 v2, $0x3;
	(v2sf) =	vpush v3, $0x7  }
0x10f: {  	v2 =	vadd.s32 s6, v2;
	s10 =	spop (v2sf)  }
0x110: {  	(v2sf) =	vpush v2, $0x8;
	[tilespmem:s4], [sflag:$0x1] =	stream.linear.gather [hbm4b:s10+s2], $0x400, $0x38;
	[tilespmem:$0x8100] =	vst v63  }
0x111: {  	s23 =	rddreg [dreg:$0x8];
	s11 =	spop (v2sf)  }
0x112: {  	(v2sf) =	vpush v2, $0x9;
	[tilespmem:s23], [sflag:$0x1] =	stream.linear.gather [hbm4b:s11+s2], $0x400, $0x38;
	[tilespmem:$0x8100] =	vst v63  }
0x113: {  	s24 =	rddreg [dreg:$0x9];
	s26 =	spop (v2sf)  }
0x114: {  	(v2sf) =	vpush v2, $0xA;
	[tilespmem:s24], [sflag:$0x1] =	stream.linear.gather [hbm4b:s26+s2], $0x400, $0x38;
	[tilespmem:$0x8100] =	vst v63  }
0x115: {  	s25 =	rddreg [dreg:$0xa];
	s29 =	spop (v2sf)  }
0x116: {  	(v2sf) =	vpush v2, $0xB;
	[tilespmem:s25], [sflag:$0x1] =	stream.linear.gather [hbm4b:s29+s2], $0x400, $0x38;
	[tilespmem:$0x8100] =	vst v63  }
0x117: {  	s28 =	rddreg [dreg:$0xb];
	s31 =	spop (v2sf)  }
0x118: {  	(v2sf) =	vpush v2, $0xC;
	[tilespmem:s28], [sflag:$0x1] =	stream.linear.gather [hbm4b:s31+s2], $0x400, $0x38;
	[tilespmem:$0x8100] =	vst v63  }
0x119: {  	s30 =	rddreg [dreg:$0xc];
	s13 =	spop (v2sf)  }
0x11a: {  	(v2sf) =	vpush v2, $0xD;
	[tilespmem:s30], [sflag:$0x1] =	stream.linear.gather [hbm4b:s13+s2], $0x400, $0x38;
	[tilespmem:$0x8100] =	vst v63  }
0x11b: {  	s12 =	rddreg [dreg:$0xd];
	s15 =	spop (v2sf)  }
0x11c: {  	(v2sf) =	vpush v2, $0xE;
	[tilespmem:s12], [sflag:$0x1] =	stream.linear.gather [hbm4b:s15+s2], $0x400, $0x38;
	[tilespmem:$0x8100] =	vst v63  }
0x11d: {  	s14 =	rddreg [dreg:$0xe];
	s17 =	spop (v2sf)  }
0x11e: {  	(v2sf) =	vpush v2, $0xF;
	[tilespmem:s14], [sflag:$0x1] =	stream.linear.gather [hbm4b:s17+s2], $0x400, $0x38;
	[tilespmem:$0x8100] =	vst v63  }
0x11f: {  	s16 =	rddreg [dreg:$0xf];
	s19 =	spop (v2sf)  }
0x120: {  	[tilespmem:s16], [sflag:$0x1] =	stream.linear.gather [hbm4b:s19+s2], $0x400, $0x38;
	[tilespmem:$0x8100] =	vst v63  }
0x121: {  	s18 =	rddreg [dreg:$0x10];
	s21 =	spop (v2sf)  }
0x122: {  	[tilespmem:s18], [sflag:$0x1] =	stream.linear.gather [hbm4b:s21+s2], $0x400, $0x38;
	[tilespmem:$0x8100] =	vst v63  }
0x123: {  	s20 =	rddreg [dreg:$0x11];
	s23 =	spop (v2sf)  }
0x124: {  	[tilespmem:s20], [sflag:$0x1] =	stream.linear.gather [hbm4b:s23+s2], $0x400, $0x38;
	[tilespmem:$0x8100] =	vst v63  }
0x125: {  	s22 =	rddreg [dreg:$0x12];
	s25 =	spop (v2sf)  }
0x126: {  	[tilespmem:s22], [sflag:$0x1] =	stream.linear.gather [hbm4b:s25+s2], $0x400, $0x38;
	[tilespmem:$0x8100] =	vst v63  }
0x127: {  	s24 =	rddreg [dreg:$0x13];
	s28 =	spop (v2sf)  }
0x128: {  	[tilespmem:s24], [sflag:$0x1] =	stream.linear.gather [hbm4b:s28+s2], $0x400, $0x38;
	[tilespmem:$0x8100] =	vst v63  }
0x129: {  	s26 =	rddreg [dreg:$0x14];
	s30 =	spop (v2sf)  }
0x12a: {  	[tilespmem:s26], [sflag:$0x1] =	stream.linear.gather [hbm4b:s30+s2], $0x400, $0x38;
	[tilespmem:$0x8100] =	vst v63  }
0x12b: {  	s29 =	rddreg [dreg:$0x15];
	s12 =	spop (v2sf)  }
0x12c: {  	[tilespmem:s29], [sflag:$0x1] =	stream.linear.gather [hbm4b:s12+s2], $0x400, $0x38;
	[tilespmem:$0x8100] =	vst v63  }
0x12d: {  	s31 =	rddreg [dreg:$0x16];
	s13 =	spop (v2sf)  }
0x12e: {  	[tilespmem:s31], [sflag:$0x1] =	stream.linear.gather [hbm4b:s13+s2], $0x400, $0x38;
	[tilespmem:$0x8100] =	vst v63  }
0x12f: {  	v2 =	vld [tilespmem:$0x10];
	_ =	sdelay $0x4  }
0x130: {  	v2 =	vshrl.u32 v2, $0x7  }
0x131: {  	s15 =	rddreg [dreg:$0x5];
	v2 =	vshll.u32 v2, $0xA  }
0x132: {  	v3 =	vadd.s32 s15, v2  }
0x133: {  	v3 =	vshrl.u32 v3, $0x3  }
0x134: {  	v3 =	vadd.s32 s6, v3  }
0x135: {  	(v2sf) =	vpush v3, $0x0;
	_ =	sdelay $0x1  }
0x136: {  	(v2sf) =	vpush v3, $0x1;
	_ =	sdelay $0x1  }
0x137: {  	(v2sf) =	vpush v3, $0x2;
	_ =	sdelay $0x1  }
0x138: {  	(v2sf) =	vpush v3, $0x3;
	_ =	sdelay $0x1  }
0x139: {  	(v2sf) =	vpush v3, $0x4;
	_ =	sdelay $0x1  }
0x13a: {  	(v2sf) =	vpush v3, $0x5;
	_ =	sdelay $0x1  }
0x13b: {  	s14 =	rddreg [dreg:$0x6];
	(v2sf) =	vpush v3, $0x6  }
0x13c: {  	v2 =	vadd.s32 s14, v2  }
0x13d: {  	s17 =	rddreg [dreg:$0x18];
	v2 =	vshrl.u32 v2, $0x3;
	(v2sf) =	vpush v3, $0x7  }
0x13e: {  	s16 =	rddreg [dreg:$0x17];
	v2 =	vadd.s32 s6, v2;
	s18 =	spop (v2sf)  }
0x13f: {  	(v2sf) =	vpush v2, $0x8;
	[tilespmem:s16], [sflag:$0x1] =	stream.linear.gather [hbm4b:s18+s2], $0x400, $0x38;
	[tilespmem:$0x8100] =	vst v63  }
0x140: {  	s19 =	rddreg [dreg:$0x19];
	s20 =	spop (v2sf)  }
0x141: {  	(v2sf) =	vpush v2, $0x9;
	[tilespmem:s17], [sflag:$0x1] =	stream.linear.gather [hbm4b:s20+s2], $0x400, $0x38;
	[tilespmem:$0x8100] =	vst v63  }
0x142: {  	s21 =	rddreg [dreg:$0x1a];
	s22 =	spop (v2sf)  }
0x143: {  	(v2sf) =	vpush v2, $0xA;
	[tilespmem:s19], [sflag:$0x1] =	stream.linear.gather [hbm4b:s22+s2], $0x400, $0x38;
	[tilespmem:$0x8100] =	vst v63  }
0x144: {  	s23 =	rddreg [dreg:$0x1b];
	s24 =	spop (v2sf)  }
0x145: {  	(v2sf) =	vpush v2, $0xB;
	[tilespmem:s21], [sflag:$0x1] =	stream.linear.gather [hbm4b:s24+s2], $0x400, $0x38;
	[tilespmem:$0x8100] =	vst v63  }
0x146: {  	s25 =	rddreg [dreg:$0x1c];
	s26 =	spop (v2sf)  }
0x147: {  	(v2sf) =	vpush v2, $0xC;
	[tilespmem:s23], [sflag:$0x1] =	stream.linear.gather [hbm4b:s26+s2], $0x400, $0x38;
	[tilespmem:$0x8100] =	vst v63  }
0x148: {  	s28 =	rddreg [dreg:$0x1d];
	s29 =	spop (v2sf)  }
0x149: {  	(v2sf) =	vpush v2, $0xD;
	[tilespmem:s25], [sflag:$0x1] =	stream.linear.gather [hbm4b:s29+s2], $0x400, $0x38;
	[tilespmem:$0x8100] =	vst v63  }
0x14a: {  	s30 =	rddreg [dreg:$0x1e];
	s31 =	spop (v2sf)  }
0x14b: {  	(v2sf) =	vpush v2, $0xE;
	[tilespmem:s28], [sflag:$0x1] =	stream.linear.gather [hbm4b:s31+s2], $0x400, $0x38;
	[tilespmem:$0x8100] =	vst v63  }
0x14c: {  	s12 =	rddreg [dreg:$0x1f];
	s13 =	spop (v2sf)  }
0x14d: {  	(v2sf) =	vpush v2, $0xF;
	[tilespmem:s30], [sflag:$0x1] =	stream.linear.gather [hbm4b:s13+s2], $0x400, $0x38;
	[tilespmem:$0x8100] =	vst v63  }
0x14e: {  	s14 =	sld [smem:$0x7F6];
	s15 =	spop (v2sf)  }
0x14f: {  	[tilespmem:s12], [sflag:$0x1] =	stream.linear.gather [hbm4b:s15+s2], $0x400, $0x38;
	[tilespmem:$0x8100] =	vst v63  }
0x150: {  	s16 =	sld [smem:$0x7F7];
	s17 =	spop (v2sf)  }
0x151: {  	[tilespmem:s14], [sflag:$0x1] =	stream.linear.gather [hbm4b:s17+s2], $0x400, $0x38;
	[tilespmem:$0x8100] =	vst v63  }
0x152: {  	s18 =	sld [smem:$0x7F8];
	s19 =	spop (v2sf)  }
0x153: {  	[tilespmem:s16], [sflag:$0x1] =	stream.linear.gather [hbm4b:s19+s2], $0x400, $0x38;
	[tilespmem:$0x8100] =	vst v63  }
0x154: {  	s20 =	sld [smem:$0x7F9];
	s21 =	spop (v2sf)  }
0x155: {  	[tilespmem:s18], [sflag:$0x1] =	stream.linear.gather [hbm4b:s21+s2], $0x400, $0x38;
	[tilespmem:$0x8100] =	vst v63  }
0x156: {  	s22 =	sld [smem:$0x7FA];
	s23 =	spop (v2sf)  }
0x157: {  	[tilespmem:s20], [sflag:$0x1] =	stream.linear.gather [hbm4b:s23+s2], $0x400, $0x38;
	[tilespmem:$0x8100] =	vst v63  }
0x158: {  	s24 =	sld [smem:$0x7FB];
	s25 =	spop (v2sf)  }
0x159: {  	[tilespmem:s22], [sflag:$0x1] =	stream.linear.gather [hbm4b:s25+s2], $0x400, $0x38;
	[tilespmem:$0x8100] =	vst v63  }
0x15a: {  	s26 =	sld [smem:$0x7FC];
	s28 =	spop (v2sf)  }
0x15b: {  	[tilespmem:s24], [sflag:$0x1] =	stream.linear.gather [hbm4b:s28+s2], $0x400, $0x38;
	[tilespmem:$0x8100] =	vst v63  }
0x15c: {  	s29 =	spop (v2sf)  }
0x15d: {  	[tilespmem:s26], [sflag:$0x1] =	stream.linear.gather [hbm4b:s29+s2], $0x400, $0x38;
	[tilespmem:$0x8100] =	vst v63  }
0x15e: {  	_ =	swait.ge [sflag:s5], $0x400  }
0x15f: {  	[sflag:s5] =	ssyncset.done $0x0  }
0x160: {  	[sflag:s5] =	ssyncadd.s32 $0xFFFFFC00  }
0x161: {  	_ =	swait.ge [sflag:s5], $0x400  }
0x162: {  	[sflag:s5] =	ssyncset.done $0x0  }
0x163: {  	[sflag:s5] =	ssyncadd.s32 $0xFFFFFC00  }
0x164: {  	_ =	swait.ge [sflag:s5], $0x400  }
0x165: {  	[sflag:s5] =	ssyncset.done $0x0  }
0x166: {  	[sflag:s5] =	ssyncadd.s32 $0xFFFFFC00  }
0x167: {  	_ =	swait.ge [sflag:s5], $0x400  }
0x168: {  	[sflag:s5] =	ssyncset.done $0x0  }
0x169: {  	[sflag:s5] =	ssyncadd.s32 $0xFFFFFC00  }
0x16a: {  	_ =	swait.ge [sflag:s5], $0x400  }
0x16b: {  	[sflag:s5] =	ssyncset.done $0x0  }
0x16c: {  	[sflag:s5] =	ssyncadd.s32 $0xFFFFFC00  }
0x16d: {  	_ =	swait.ge [sflag:s5], $0x400  }
0x16e: {  	[sflag:s5] =	ssyncset.done $0x0  }
0x16f: {  	[sflag:s5] =	ssyncadd.s32 $0xFFFFFC00  }
0x170: {  	_ =	swait.ge [sflag:s5], $0x400  }
0x171: {  	[sflag:s5] =	ssyncset.done $0x0  }
0x172: {  	[sflag:s5] =	ssyncadd.s32 $0xFFFFFC00  }
0x173: {  	_ =	swait.ge [sflag:s5], $0x400  }
0x174: {  	[sflag:s5] =	ssyncset.done $0x0  }
0x175: {  	[sflag:s5] =	ssyncadd.s32 $0xFFFFFC00  }
0x176: {  	_ =	swait.ge [sflag:s5], $0x400  }
0x177: {  	[sflag:s5] =	ssyncset.done $0x0  }
0x178: {  	[sflag:s5] =	ssyncadd.s32 $0xFFFFFC00  }
0x179: {  	_ =	swait.ge [sflag:s5], $0x400  }
0x17a: {  	[sflag:s5] =	ssyncset.done $0x0  }
0x17b: {  	[sflag:s5] =	ssyncadd.s32 $0xFFFFFC00  }
0x17c: {  	_ =	swait.ge [sflag:s5], $0x400  }
0x17d: {  	[sflag:s5] =	ssyncset.done $0x0  }
0x17e: {  	[sflag:s5] =	ssyncadd.s32 $0xFFFFFC00  }
0x17f: {  	_ =	swait.ge [sflag:s5], $0x400  }
0x180: {  	[sflag:s5] =	ssyncset.done $0x0  }
0x181: {  	[sflag:s5] =	ssyncadd.s32 $0xFFFFFC00  }
0x182: {  	_ =	swait.ge [sflag:s5], $0x400  }
0x183: {  	[sflag:s5] =	ssyncset.done $0x0  }
0x184: {  	[sflag:s5] =	ssyncadd.s32 $0xFFFFFC00  }
0x185: {  	_ =	swait.ge [sflag:s5], $0x400  }
0x186: {  	[sflag:s5] =	ssyncset.done $0x0  }
0x187: {  	[sflag:s5] =	ssyncadd.s32 $0xFFFFFC00  }
0x188: {  	_ =	swait.ge [sflag:s5], $0x400  }
0x189: {  	[sflag:s5] =	ssyncset.done $0x0  }
0x18a: {  	[sflag:s5] =	ssyncadd.s32 $0xFFFFFC00  }
0x18b: {  	_ =	swait.ge [sflag:s5], $0x400  }
0x18c: {  	[sflag:s5] =	ssyncset.done $0x0  }
0x18d: {  	[sflag:s5] =	ssyncadd.s32 $0xFFFFFC00  }
0x18e: {  	_ =	swait.ge [sflag:s5], $0x400  }
0x18f: {  	[sflag:s5] =	ssyncset.done $0x0  }
0x190: {  	[sflag:s5] =	ssyncadd.s32 $0xFFFFFC00  }
0x191: {  	_ =	swait.ge [sflag:s5], $0x400  }
0x192: {  	[sflag:s5] =	ssyncset.done $0x0  }
0x193: {  	[sflag:s5] =	ssyncadd.s32 $0xFFFFFC00  }
0x194: {  	_ =	swait.ge [sflag:s5], $0x400  }
0x195: {  	[sflag:s5] =	ssyncset.done $0x0  }
0x196: {  	[sflag:s5] =	ssyncadd.s32 $0xFFFFFC00  }
0x197: {  	_ =	swait.ge [sflag:s5], $0x400  }
0x198: {  	[sflag:s5] =	ssyncset.done $0x0  }
0x199: {  	[sflag:s5] =	ssyncadd.s32 $0xFFFFFC00  }
0x19a: {  	_ =	swait.ge [sflag:s5], $0x400  }
0x19b: {  	[sflag:s5] =	ssyncset.done $0x0  }
0x19c: {  	[sflag:s5] =	ssyncadd.s32 $0xFFFFFC00  }
0x19d: {  	_ =	swait.ge [sflag:s5], $0x400  }
0x19e: {  	[sflag:s5] =	ssyncset.done $0x0  }
0x19f: {  	[sflag:s5] =	ssyncadd.s32 $0xFFFFFC00  }
0x1a0: {  	_ =	swait.ge [sflag:s5], $0x400  }
0x1a1: {  	[sflag:s5] =	ssyncset.done $0x0  }
0x1a2: {  	[sflag:s5] =	ssyncadd.s32 $0xFFFFFC00  }
0x1a3: {  	_ =	swait.ge [sflag:s5], $0x400  }
0x1a4: {  	[sflag:s5] =	ssyncset.done $0x0  }
0x1a5: {  	[sflag:s5] =	ssyncadd.s32 $0xFFFFFC00  }
0x1a6: {  	_ =	swait.ge [sflag:s5], $0x400  }
0x1a7: {  	[sflag:s5] =	ssyncset.done $0x0  }
0x1a8: {  	[sflag:s5] =	ssyncadd.s32 $0xFFFFFC00  }
0x1a9: {  	_ =	swait.ge [sflag:s5], $0x400  }
0x1aa: {  	[sflag:s5] =	ssyncset.done $0x0  }
0x1ab: {  	[sflag:s5] =	ssyncadd.s32 $0xFFFFFC00  }
0x1ac: {  	_ =	swait.ge [sflag:s5], $0x400  }
0x1ad: {  	[sflag:s5] =	ssyncset.done $0x0  }
0x1ae: {  	[sflag:s5] =	ssyncadd.s32 $0xFFFFFC00  }
0x1af: {  	_ =	swait.ge [sflag:s5], $0x400  }
0x1b0: {  	[sflag:s5] =	ssyncset.done $0x0  }
0x1b1: {  	[sflag:s5] =	ssyncadd.s32 $0xFFFFFC00  }
0x1b2: {  	_ =	swait.ge [sflag:s5], $0x400  }
0x1b3: {  	[sflag:s5] =	ssyncset.done $0x0  }
0x1b4: {  	[sflag:s5] =	ssyncadd.s32 $0xFFFFFC00  }
0x1b5: {  	_ =	swait.ge [sflag:s5], $0x400  }
0x1b6: {  	[sflag:s5] =	ssyncset.done $0x0  }
0x1b7: {  	[sflag:s5] =	ssyncadd.s32 $0xFFFFFC00  }
0x1b8: {  	_ =	swait.ge [sflag:s5], $0x400  }
0x1b9: {  	[sflag:s5] =	ssyncset.done $0x0  }
0x1ba: {  	[sflag:s5] =	ssyncadd.s32 $0xFFFFFC00  }
0x1bb: {  	_ =	swait.ge [sflag:s5], $0x400  }
0x1bc: {  	[sflag:s5] =	ssyncset.done $0x0  }
0x1bd: {  	[sflag:s5] =	ssyncadd.s32 $0xFFFFFC00  }
0x1be: {  	v2 =	vld [tilespmem:$0x0];
	_ =	sdelay $0x4  }
0x1bf: {  	v2 =	vand.u32 $0x7F, v2  }
0x1c0: {  	v3 =	vld [tilespmem:$0x10];
	v2 =	vor.u32 v1, v2;
	_ =	sdelay $0x4  }
0x1c1: {  	v3 =	vand.u32 $0x7F, v3;
	v2 =	vld.idx.msk [tilespmem:v2+s4+$0x0], $0xffff  }
0x1c2: {  	v3 =	vor.u32 v0, v3;
	_ =	sdelay $0x3  }
0x1c3: {  	[tilespmem:$0x8080] =	vst v2  }
0x1c4: {  	v2 =	vld.idx.msk [tilespmem:v3+s4+$0x0], $0xffff;
	_ =	sdelay $0x2  }
0x1c5: {  	p1 =	sne.s32 s8, $0x1;
	s30 =	sld [smem:$0x7FD]  }
.Ltmp2:
0x1c6: {  	_ = 	snop;
	(pc) =	sbr.rel @p1 .LBB2_2-.Ltmp2, $4  }
0x1c7: {  	s31 =	rddreg [dreg:$0x7];
	[tilespmem:$0x8090] =	vst v2  }
0x1c8: {  	[hbm4b:s31+s2] =	stream.linear.scatter [tilespmem:s30], [sflag:$0x2], $0x20, $0x38;
	[tilespmem:$0x8100] =	vst v63  }
0x1c9: {  	_ =	swait.ge [sflag:s3], $0x20  }
0x1ca: {  	s8 =	sadd.s32 $0xFFFFFFFF, s8;
	s9 =	rddreg [dreg:$0x3];
	[sflag:s3] =	ssyncset.done $0x0  }
.LBB2_3:
0x1cb: {  	[sflag:s3] =	ssyncadd.s32 @p0 $0xFFFFFFE0  }
0x1cc: {  	[tilespmem:s2], [sflag:$0x2] =	stream.linear.gather [hbm4b:s9+s2], $0x20, $0x38;
	[tilespmem:$0x8100] =	vst v63  }
0x1cd: {  	_ =	swait.ge [sflag:s3], $0x20  }
0x1ce: {  	[sflag:s3] =	ssyncset.done $0x0  }
0x1cf: {  	[sflag:s3] =	ssyncadd.s32 $0xFFFFFFE0  }
0x1d0: {  	v2 =	vld [tilespmem:$0x0];
	_ =	sdelay $0x4  }
0x1d1: {  	v2 =	vshrl.u32 v2, $0x7  }
0x1d2: {  	v2 =	vshll.u32 v2, $0xA  }
0x1d3: {  	v3 =	vadd.s32 s7, v2  }
0x1d4: {  	v3 =	vshrl.u32 v3, $0x3  }
0x1d5: {  	v3 =	vadd.s32 s6, v3  }
0x1d6: {  	(v2sf) =	vpush v3, $0x0;
	_ =	sdelay $0x1  }
0x1d7: {  	(v2sf) =	vpush v3, $0x1;
	_ =	sdelay $0x1  }
0x1d8: {  	(v2sf) =	vpush v3, $0x2;
	_ =	sdelay $0x1  }
0x1d9: {  	(v2sf) =	vpush v3, $0x3;
	_ =	sdelay $0x1  }
0x1da: {  	(v2sf) =	vpush v3, $0x4;
	_ =	sdelay $0x1  }
0x1db: {  	(v2sf) =	vpush v3, $0x5;
	_ =	sdelay $0x1  }
0x1dc: {  	s29 =	rddreg [dreg:$0x4];
	(v2sf) =	vpush v3, $0x6  }
0x1dd: {  	v2 =	vadd.s32 s29, v2  }
0x1de: {  	v2 =	vshrl.u32 v2, $0x3;
	(v2sf) =	vpush v3, $0x7  }
0x1df: {  	v2 =	vadd.s32 s6, v2;
	s8 =	spop (v2sf)  }
0x1e0: {  	(v2sf) =	vpush v2, $0x8;
	[tilespmem:s4], [sflag:$0x1] =	stream.linear.gather [hbm4b:s8+s2], $0x400, $0x38;
	[tilespmem:$0x8100] =	vst v63  }
0x1e1: {  	s30 =	rddreg [dreg:$0x8];
	s10 =	spop (v2sf)  }
0x1e2: {  	(v2sf) =	vpush v2, $0x9;
	[tilespmem:s30], [sflag:$0x1] =	stream.linear.gather [hbm4b:s10+s2], $0x400, $0x38;
	[tilespmem:$0x8100] =	vst v63  }
0x1e3: {  	s31 =	rddreg [dreg:$0x9];
	s12 =	spop (v2sf)  }
0x1e4: {  	(v2sf) =	vpush v2, $0xA;
	[tilespmem:s31], [sflag:$0x1] =	stream.linear.gather [hbm4b:s12+s2], $0x400, $0x38;
	[tilespmem:$0x8100] =	vst v63  }
0x1e5: {  	s11 =	rddreg [dreg:$0xa];
	s14 =	spop (v2sf)  }
0x1e6: {  	(v2sf) =	vpush v2, $0xB;
	[tilespmem:s11], [sflag:$0x1] =	stream.linear.gather [hbm4b:s14+s2], $0x400, $0x38;
	[tilespmem:$0x8100] =	vst v63  }
0x1e7: {  	s13 =	rddreg [dreg:$0xb];
	s16 =	spop (v2sf)  }
0x1e8: {  	(v2sf) =	vpush v2, $0xC;
	[tilespmem:s13], [sflag:$0x1] =	stream.linear.gather [hbm4b:s16+s2], $0x400, $0x38;
	[tilespmem:$0x8100] =	vst v63  }
0x1e9: {  	s15 =	rddreg [dreg:$0xc];
	s18 =	spop (v2sf)  }
0x1ea: {  	(v2sf) =	vpush v2, $0xD;
	[tilespmem:s15], [sflag:$0x1] =	stream.linear.gather [hbm4b:s18+s2], $0x400, $0x38;
	[tilespmem:$0x8100] =	vst v63  }
0x1eb: {  	s17 =	rddreg [dreg:$0xd];
	s20 =	spop (v2sf)  }
0x1ec: {  	(v2sf) =	vpush v2, $0xE;
	[tilespmem:s17], [sflag:$0x1] =	stream.linear.gather [hbm4b:s20+s2], $0x400, $0x38;
	[tilespmem:$0x8100] =	vst v63  }
0x1ed: {  	s19 =	rddreg [dreg:$0xe];
	s22 =	spop (v2sf)  }
0x1ee: {  	(v2sf) =	vpush v2, $0xF;
	[tilespmem:s19], [sflag:$0x1] =	stream.linear.gather [hbm4b:s22+s2], $0x400, $0x38;
	[tilespmem:$0x8100] =	vst v63  }
0x1ef: {  	s21 =	rddreg [dreg:$0xf];
	s24 =	spop (v2sf)  }
0x1f0: {  	[tilespmem:s21], [sflag:$0x1] =	stream.linear.gather [hbm4b:s24+s2], $0x400, $0x38;
	[tilespmem:$0x8100] =	vst v63  }
0x1f1: {  	s23 =	rddreg [dreg:$0x10];
	s26 =	spop (v2sf)  }
0x1f2: {  	[tilespmem:s23], [sflag:$0x1] =	stream.linear.gather [hbm4b:s26+s2], $0x400, $0x38;
	[tilespmem:$0x8100] =	vst v63  }
0x1f3: {  	s25 =	rddreg [dreg:$0x11];
	s29 =	spop (v2sf)  }
0x1f4: {  	[tilespmem:s25], [sflag:$0x1] =	stream.linear.gather [hbm4b:s29+s2], $0x400, $0x38;
	[tilespmem:$0x8100] =	vst v63  }
0x1f5: {  	s28 =	rddreg [dreg:$0x12];
	s31 =	spop (v2sf)  }
0x1f6: {  	[tilespmem:s28], [sflag:$0x1] =	stream.linear.gather [hbm4b:s31+s2], $0x400, $0x38;
	[tilespmem:$0x8100] =	vst v63  }
0x1f7: {  	s30 =	rddreg [dreg:$0x13];
	s11 =	spop (v2sf)  }
0x1f8: {  	[tilespmem:s30], [sflag:$0x1] =	stream.linear.gather [hbm4b:s11+s2], $0x400, $0x38;
	[tilespmem:$0x8100] =	vst v63  }
0x1f9: {  	s10 =	rddreg [dreg:$0x14];
	s13 =	spop (v2sf)  }
0x1fa: {  	[tilespmem:s10], [sflag:$0x1] =	stream.linear.gather [hbm4b:s13+s2], $0x400, $0x38;
	[tilespmem:$0x8100] =	vst v63  }
0x1fb: {  	s12 =	rddreg [dreg:$0x15];
	s15 =	spop (v2sf)  }
0x1fc: {  	[tilespmem:s12], [sflag:$0x1] =	stream.linear.gather [hbm4b:s15+s2], $0x400, $0x38;
	[tilespmem:$0x8100] =	vst v63  }
0x1fd: {  	s14 =	rddreg [dreg:$0x16];
	s16 =	spop (v2sf)  }
0x1fe: {  	[tilespmem:s14], [sflag:$0x1] =	stream.linear.gather [hbm4b:s16+s2], $0x400, $0x38;
	[tilespmem:$0x8100] =	vst v63  }
0x1ff: {  	v59 =	vld [tilespmem:$0x10];
	_ =	sdelay $0x4  }
0x200: {  	v2 =	vshrl.u32 v59, $0x7  }
0x201: {  	s17 =	rddreg [dreg:$0x5];
	v2 =	vshll.u32 v2, $0xA  }
0x202: {  	v60 =	vadd.s32 s17, v2  }
0x203: {  	v3 =	vshrl.u32 v60, $0x3  }
0x204: {  	v3 =	vadd.s32 s6, v3  }
0x205: {  	(v2sf) =	vpush v3, $0x0;
	_ =	sdelay $0x1  }
0x206: {  	(v2sf) =	vpush v3, $0x1;
	_ =	sdelay $0x1  }
0x207: {  	(v2sf) =	vpush v3, $0x2;
	_ =	sdelay $0x1  }
0x208: {  	(v2sf) =	vpush v3, $0x3;
	_ =	sdelay $0x1  }
0x209: {  	(v2sf) =	vpush v3, $0x4;
	_ =	sdelay $0x1  }
0x20a: {  	(v2sf) =	vpush v3, $0x5;
	_ =	sdelay $0x1  }
0x20b: {  	s18 =	rddreg [dreg:$0x6];
	(v2sf) =	vpush v3, $0x6  }
0x20c: {  	v2 =	vadd.s32 s18, v2  }
0x20d: {  	s20 =	rddreg [dreg:$0x18];
	v2 =	vshrl.u32 v2, $0x3;
	(v2sf) =	vpush v3, $0x7  }
0x20e: {  	s19 =	rddreg [dreg:$0x17];
	v2 =	vadd.s32 s6, v2;
	s21 =	spop (v2sf)  }
0x20f: {  	(v2sf) =	vpush v2, $0x8;
	[tilespmem:s19], [sflag:$0x1] =	stream.linear.gather [hbm4b:s21+s2], $0x400, $0x38;
	[tilespmem:$0x8100] =	vst v63  }
0x210: {  	s22 =	rddreg [dreg:$0x19];
	s23 =	spop (v2sf)  }
0x211: {  	(v2sf) =	vpush v2, $0x9;
	[tilespmem:s20], [sflag:$0x1] =	stream.linear.gather [hbm4b:s23+s2], $0x400, $0x38;
	[tilespmem:$0x8100] =	vst v63  }
0x212: {  	s24 =	rddreg [dreg:$0x1a];
	s25 =	spop (v2sf)  }
0x213: {  	(v2sf) =	vpush v2, $0xA;
	[tilespmem:s22], [sflag:$0x1] =	stream.linear.gather [hbm4b:s25+s2], $0x400, $0x38;
	[tilespmem:$0x8100] =	vst v63  }
0x214: {  	s26 =	rddreg [dreg:$0x1b];
	s28 =	spop (v2sf)  }
0x215: {  	(v2sf) =	vpush v2, $0xB;
	[tilespmem:s24], [sflag:$0x1] =	stream.linear.gather [hbm4b:s28+s2], $0x400, $0x38;
	[tilespmem:$0x8100] =	vst v63  }
0x216: {  	s29 =	rddreg [dreg:$0x1c];
	s30 =	spop (v2sf)  }
0x217: {  	(v2sf) =	vpush v2, $0xC;
	[tilespmem:s26], [sflag:$0x1] =	stream.linear.gather [hbm4b:s30+s2], $0x400, $0x38;
	[tilespmem:$0x8100] =	vst v63  }
0x218: {  	s31 =	rddreg [dreg:$0x1d];
	s9 =	spop (v2sf)  }
0x219: {  	(v2sf) =	vpush v2, $0xD;
	[tilespmem:s29], [sflag:$0x1] =	stream.linear.gather [hbm4b:s9+s2], $0x400, $0x38;
	[tilespmem:$0x8100] =	vst v63  }
0x21a: {  	s10 =	rddreg [dreg:$0x1e];
	s11 =	spop (v2sf)  }
0x21b: {  	(v2sf) =	vpush v2, $0xE;
	[tilespmem:s31], [sflag:$0x1] =	stream.linear.gather [hbm4b:s11+s2], $0x400, $0x38;
	[tilespmem:$0x8100] =	vst v63  }
0x21c: {  	s12 =	rddreg [dreg:$0x1f];
	s13 =	spop (v2sf)  }
0x21d: {  	(v2sf) =	vpush v2, $0xF;
	[tilespmem:s10], [sflag:$0x1] =	stream.linear.gather [hbm4b:s13+s2], $0x400, $0x38;
	[tilespmem:$0x8100] =	vst v63  }
0x21e: {  	s14 =	sld [smem:$0x7F6];
	s15 =	spop (v2sf)  }
0x21f: {  	[tilespmem:s12], [sflag:$0x1] =	stream.linear.gather [hbm4b:s15+s2], $0x400, $0x38;
	[tilespmem:$0x8100] =	vst v63  }
0x220: {  	s16 =	sld [smem:$0x7F7];
	s17 =	spop (v2sf)  }
0x221: {  	[tilespmem:s14], [sflag:$0x1] =	stream.linear.gather [hbm4b:s17+s2], $0x400, $0x38;
	[tilespmem:$0x8100] =	vst v63  }
0x222: {  	s18 =	sld [smem:$0x7F8];
	s19 =	spop (v2sf)  }
0x223: {  	[tilespmem:s16], [sflag:$0x1] =	stream.linear.gather [hbm4b:s19+s2], $0x400, $0x38;
	[tilespmem:$0x8100] =	vst v63  }
0x224: {  	s20 =	sld [smem:$0x7F9];
	s21 =	spop (v2sf)  }
0x225: {  	[tilespmem:s18], [sflag:$0x1] =	stream.linear.gather [hbm4b:s21+s2], $0x400, $0x38;
	[tilespmem:$0x8100] =	vst v63  }
0x226: {  	s22 =	sld [smem:$0x7FA];
	s23 =	spop (v2sf)  }
0x227: {  	[tilespmem:s20], [sflag:$0x1] =	stream.linear.gather [hbm4b:s23+s2], $0x400, $0x38;
	[tilespmem:$0x8100] =	vst v63  }
0x228: {  	s24 =	sld [smem:$0x7FB];
	s25 =	spop (v2sf)  }
0x229: {  	[tilespmem:s22], [sflag:$0x1] =	stream.linear.gather [hbm4b:s25+s2], $0x400, $0x38;
	[tilespmem:$0x8100] =	vst v63  }
0x22a: {  	s26 =	sld [smem:$0x7FC];
	s28 =	spop (v2sf)  }
0x22b: {  	[tilespmem:s24], [sflag:$0x1] =	stream.linear.gather [hbm4b:s28+s2], $0x400, $0x38;
	[tilespmem:$0x8100] =	vst v63  }
0x22c: {  	s29 =	spop (v2sf)  }
0x22d: {  	[tilespmem:s26], [sflag:$0x1] =	stream.linear.gather [hbm4b:s29+s2], $0x400, $0x38;
	[tilespmem:$0x8100] =	vst v63  }
0x22e: {  	_ =	swait.ge [sflag:s5], $0x400  }
0x22f: {  	[sflag:s5] =	ssyncset.done $0x0  }
0x230: {  	[sflag:s5] =	ssyncadd.s32 $0xFFFFFC00  }
0x231: {  	_ =	swait.ge [sflag:s5], $0x400  }
0x232: {  	[sflag:s5] =	ssyncset.done $0x0  }
0x233: {  	[sflag:s5] =	ssyncadd.s32 $0xFFFFFC00  }
0x234: {  	_ =	swait.ge [sflag:s5], $0x400  }
0x235: {  	[sflag:s5] =	ssyncset.done $0x0  }
0x236: {  	[sflag:s5] =	ssyncadd.s32 $0xFFFFFC00  }
0x237: {  	_ =	swait.ge [sflag:s5], $0x400  }
0x238: {  	[sflag:s5] =	ssyncset.done $0x0  }
0x239: {  	[sflag:s5] =	ssyncadd.s32 $0xFFFFFC00  }
0x23a: {  	_ =	swait.ge [sflag:s5], $0x400  }
0x23b: {  	[sflag:s5] =	ssyncset.done $0x0  }
0x23c: {  	[sflag:s5] =	ssyncadd.s32 $0xFFFFFC00  }
0x23d: {  	_ =	swait.ge [sflag:s5], $0x400  }
0x23e: {  	[sflag:s5] =	ssyncset.done $0x0  }
0x23f: {  	[sflag:s5] =	ssyncadd.s32 $0xFFFFFC00  }
0x240: {  	_ =	swait.ge [sflag:s5], $0x400  }
0x241: {  	[sflag:s5] =	ssyncset.done $0x0  }
0x242: {  	[sflag:s5] =	ssyncadd.s32 $0xFFFFFC00  }
0x243: {  	_ =	swait.ge [sflag:s5], $0x400  }
0x244: {  	[sflag:s5] =	ssyncset.done $0x0  }
0x245: {  	[sflag:s5] =	ssyncadd.s32 $0xFFFFFC00  }
0x246: {  	_ =	swait.ge [sflag:s5], $0x400  }
0x247: {  	[sflag:s5] =	ssyncset.done $0x0  }
0x248: {  	[sflag:s5] =	ssyncadd.s32 $0xFFFFFC00  }
0x249: {  	_ =	swait.ge [sflag:s5], $0x400  }
0x24a: {  	[sflag:s5] =	ssyncset.done $0x0  }
0x24b: {  	[sflag:s5] =	ssyncadd.s32 $0xFFFFFC00  }
0x24c: {  	_ =	swait.ge [sflag:s5], $0x400  }
0x24d: {  	[sflag:s5] =	ssyncset.done $0x0  }
0x24e: {  	[sflag:s5] =	ssyncadd.s32 $0xFFFFFC00  }
0x24f: {  	_ =	swait.ge [sflag:s5], $0x400  }
0x250: {  	[sflag:s5] =	ssyncset.done $0x0  }
0x251: {  	[sflag:s5] =	ssyncadd.s32 $0xFFFFFC00  }
0x252: {  	_ =	swait.ge [sflag:s5], $0x400  }
0x253: {  	[sflag:s5] =	ssyncset.done $0x0  }
0x254: {  	[sflag:s5] =	ssyncadd.s32 $0xFFFFFC00  }
0x255: {  	_ =	swait.ge [sflag:s5], $0x400  }
0x256: {  	[sflag:s5] =	ssyncset.done $0x0  }
0x257: {  	[sflag:s5] =	ssyncadd.s32 $0xFFFFFC00  }
0x258: {  	_ =	swait.ge [sflag:s5], $0x400  }
0x259: {  	[sflag:s5] =	ssyncset.done $0x0  }
0x25a: {  	[sflag:s5] =	ssyncadd.s32 $0xFFFFFC00  }
0x25b: {  	_ =	swait.ge [sflag:s5], $0x400  }
0x25c: {  	[sflag:s5] =	ssyncset.done $0x0  }
0x25d: {  	[sflag:s5] =	ssyncadd.s32 $0xFFFFFC00  }
0x25e: {  	_ =	swait.ge [sflag:s5], $0x400  }
0x25f: {  	[sflag:s5] =	ssyncset.done $0x0  }
0x260: {  	[sflag:s5] =	ssyncadd.s32 $0xFFFFFC00  }
0x261: {  	_ =	swait.ge [sflag:s5], $0x400  }
0x262: {  	[sflag:s5] =	ssyncset.done $0x0  }
0x263: {  	[sflag:s5] =	ssyncadd.s32 $0xFFFFFC00  }
0x264: {  	_ =	swait.ge [sflag:s5], $0x400  }
0x265: {  	[sflag:s5] =	ssyncset.done $0x0  }
0x266: {  	[sflag:s5] =	ssyncadd.s32 $0xFFFFFC00  }
0x267: {  	_ =	swait.ge [sflag:s5], $0x400  }
0x268: {  	[sflag:s5] =	ssyncset.done $0x0  }
0x269: {  	[sflag:s5] =	ssyncadd.s32 $0xFFFFFC00  }
0x26a: {  	_ =	swait.ge [sflag:s5], $0x400  }
0x26b: {  	[sflag:s5] =	ssyncset.done $0x0  }
0x26c: {  	[sflag:s5] =	ssyncadd.s32 $0xFFFFFC00  }
0x26d: {  	_ =	swait.ge [sflag:s5], $0x400  }
0x26e: {  	[sflag:s5] =	ssyncset.done $0x0  }
0x26f: {  	[sflag:s5] =	ssyncadd.s32 $0xFFFFFC00  }
0x270: {  	_ =	swait.ge [sflag:s5], $0x400  }
0x271: {  	[sflag:s5] =	ssyncset.done $0x0  }
0x272: {  	[sflag:s5] =	ssyncadd.s32 $0xFFFFFC00  }
0x273: {  	_ =	swait.ge [sflag:s5], $0x400  }
0x274: {  	[sflag:s5] =	ssyncset.done $0x0  }
0x275: {  	[sflag:s5] =	ssyncadd.s32 $0xFFFFFC00  }
0x276: {  	_ =	swait.ge [sflag:s5], $0x400  }
0x277: {  	[sflag:s5] =	ssyncset.done $0x0  }
0x278: {  	[sflag:s5] =	ssyncadd.s32 $0xFFFFFC00  }
0x279: {  	_ =	swait.ge [sflag:s5], $0x400  }
0x27a: {  	[sflag:s5] =	ssyncset.done $0x0  }
0x27b: {  	[sflag:s5] =	ssyncadd.s32 $0xFFFFFC00  }
0x27c: {  	_ =	swait.ge [sflag:s5], $0x400  }
0x27d: {  	[sflag:s5] =	ssyncset.done $0x0  }
0x27e: {  	[sflag:s5] =	ssyncadd.s32 $0xFFFFFC00  }
0x27f: {  	_ =	swait.ge [sflag:s5], $0x400  }
0x280: {  	[sflag:s5] =	ssyncset.done $0x0  }
0x281: {  	[sflag:s5] =	ssyncadd.s32 $0xFFFFFC00  }
0x282: {  	_ =	swait.ge [sflag:s5], $0x400  }
0x283: {  	[sflag:s5] =	ssyncset.done $0x0  }
0x284: {  	[sflag:s5] =	ssyncadd.s32 $0xFFFFFC00  }
0x285: {  	_ =	swait.ge [sflag:s5], $0x400  }
0x286: {  	[sflag:s5] =	ssyncset.done $0x0  }
0x287: {  	[sflag:s5] =	ssyncadd.s32 $0xFFFFFC00  }
0x288: {  	_ =	swait.ge [sflag:s5], $0x400  }
0x289: {  	[sflag:s5] =	ssyncset.done $0x0  }
0x28a: {  	[sflag:s5] =	ssyncadd.s32 $0xFFFFFC00  }
0x28b: {  	_ =	swait.ge [sflag:s5], $0x400  }
0x28c: {  	[sflag:s5] =	ssyncset.done $0x0  }
0x28d: {  	[sflag:s5] =	ssyncadd.s32 $0xFFFFFC00  }
0x28e: {  	v61 =	vld [tilespmem:$0x0];
	_ =	sdelay $0x4  }
0x28f: {  	v2 =	vand.u32 $0x7F, v61  }
0x290: {  	v62 =	vld [tilespmem:$0x10];
	v1 =	vor.u32 v1, v2;
	_ =	sdelay $0x4  }
0x291: {  	v63 =	vand.u32 $0x7F, v62;
	v1 =	vld.idx.msk [tilespmem:v1+s4+$0x0], $0xffff  }
0x292: {  	v0 =	vor.u32 v0, v63;
	_ =	sdelay $0x3  }
0x293: {  	[tilespmem:$0x8080] =	vst v1  }
0x294: {  	v0 =	vld.idx.msk [tilespmem:v0+s4+$0x0], $0xffff;
	_ =	sdelay $0x2  }
0x295: {  	s30 =	sld [smem:$0x7FD];
	_ =	sdelay $0x1  }
0x296: {  	s31 =	rddreg [dreg:$0x7];
	[tilespmem:$0x8090] =	vst v0  }
0x297: {  	[hbm4b:s31+s2] =	stream.linear.scatter [tilespmem:s30], [sflag:$0x2], $0x20, $0x38;
	[tilespmem:$0x8100] =	vst v63  }
0x298: {  	_ =	swait.ge [sflag:s3], $0x20  }
0x299: {  	[sflag:s3] =	ssyncset.done $0x0  }
0x29a: {  	[sflag:s3] =	ssyncadd.s32 $0xFFFFFFE0  }
0x29b: {  	_ =	sfence.sel $0x180000  }
0x29c: {  	[bflag:$0x0] =	sbarrier.arrive $0xFFFF  }
0x29d: {  	p0 =	sne.s32 s0, $0x0;
	_ =	strace $0x90000047  }
0x29e: {  	s0 =	sadd.s32 @!p0 $0x100000, s1;
	[bflag:$0x2] =	sbarrier.arrive $0xFFFF  }
0x29f: {  	[sflag:s0] =	ssyncadd.tile.s32 @!p0 $0x1;
	_ =	shalt  }
.Lfunc_end2:
_tile_overlayer_lowered:
.L_overlay_start_2:
0x2a0: {  	(tag) =	ssettag $0x2  }
0x2a1: {  	s0 =	rddreg [dreg:$0x0];
	s2 =	stileid.u32  }
0x2a2: {  	s1 =	rddreg [dreg:$0x1];
	p0 =	sne.s32 s2, $0x0  }
0x2a3: {  	s3 =	rddreg [dreg:$0x2];
	[bflag:$0x3] =	sbarrier.arrive $0xFFFF;
	s2 =	simm.s32 @!p0 $0x1C02  }
0x2a4: {  	[timem:s3], [sflag:s2] =	dma.local @!p0 [hbm:s0], s1  }
0x2a5: {  	s0 =	simm.s32 @!p0 $0x2  }
0x2a6: {  	_ =	swait.ge @!p0 [sflag:s0], s1  }
0x2a7: {  	s1 =	ssub.s32 @!p0 $0x0, s1;
	[sflag:s0] =	ssyncset.done @!p0 $0x0  }
0x2a8: {  	[sflag:s0] =	ssyncadd.s32 @!p0 s1  }
0x2a9: {  	[bflag:$0x3] =	sbarrier.arrive $0xFFFF  }
0x2aa: {  	_ =	shalt  }

</sc_bundles>
